<compile_context>
chip_gen: v7x
topology: tpu7x:2x2x1
jax: 0.10.2.dev20260603
libtpu: 0.0.44.dev20260713+nightly
codegen_flags: <defaults>
</compile_context>

<pallas_src>
import jax
import jax.numpy as jnp
from jax import lax
from jax.experimental import pallas as pl
from jax.experimental.pallas import tpu as pltpu
from jax.experimental.pallas import tpu_sc as plsc

_N = 10000
_E = 320000
_C = 128
_EPS = 1e-5

_NC = 2
_NS = 16
_NW = _NC * _NS
_EPW = _E // _NW
_CH = 40
_NFULL = _EPW // _CH

_WSTRIDE = 624
_WSIZE = 640


def _mesh():
    return plsc.VectorSubcoreMesh(core_axis_name="c", subcore_axis_name="s")


def _deg_body(ei_hbm, out_hbm, dstv, cnt):
    c = lax.axis_index("c")
    s = lax.axis_index("s")
    gw = c * _NS + s
    zeros16 = jnp.zeros((16,), jnp.float32)
    _U = 5

    def zero(i, carry):
        for u in range(_U):
            cnt[pl.ds((i * _U + u) * 16, 16)] = zeros16
        return carry

    lax.fori_loop(0, _N // 16 // _U, zero, None)
    pltpu.sync_copy(ei_hbm.at[pl.ds(_E + gw * _EPW, _EPW)], dstv)
    ones16 = jnp.ones((16,), jnp.float32)

    def body(i, carry):
        for u in range(_U):
            idx = dstv[pl.ds((i * _U + u) * 16, 16)]
            plsc.addupdate_scatter(cnt, [idx], ones16)
        return carry

    lax.fori_loop(0, _EPW // 16 // _U, body, None)
    pltpu.sync_copy(cnt, out_hbm.at[pl.ds(gw * _N, _N)])


_deg = pl.kernel(
    _deg_body,
    out_type=jax.ShapeDtypeStruct((_NW * _N,), jnp.float32),
    mesh=_mesh(),
    compiler_params=pltpu.CompilerParams(needs_layout_passes=False),
    scratch_types=[
        pltpu.VMEM((_EPW,), jnp.int32),
        pltpu.VMEM((_N,), jnp.float32),
    ],
)


_R = 5


def _agg_body(ei_hbm, tab_hbm, out_hbm,
              srcall, rows0, rows1, rows2, rows3, rows4,
              dx0, dx1, dx2, dx3, dx4,
              g0, g1, g2, g3, g4, s0, s1, s2, s3, s4,
              i0_, i1_, i2_, i3_, i4_, acc):
    rows = (rows0, rows1, rows2, rows3, rows4)
    dxs = (dx0, dx1, dx2, dx3, dx4)
    gsems = (g0, g1, g2, g3, g4)
    ssems = (s0, s1, s2, s3, s4)
    isems = (i0_, i1_, i2_, i3_, i4_)
    c = lax.axis_index("c")
    s = lax.axis_index("s")
    gw = c * _NS + s
    base_e = gw * _EPW
    row0 = s * _WSTRIDE

    zeros16 = jnp.zeros((16,), jnp.float32)

    def zrow(i, carry):
        r = i >> 3
        cc = (i & 7) * 16
        rows0[r, pl.ds(cc, 16)] = zeros16
        return carry

    lax.fori_loop(0, _CH * 8, zrow, None)
    nfull = _WSIZE // _CH
    ztail = _WSIZE - nfull * _CH
    for w in range(nfull):
        pltpu.async_copy(rows0, acc.at[pl.ds(row0 + w * _CH, _CH)], s0)
    if ztail:
        pltpu.async_copy(rows0.at[pl.ds(0, ztail)],
                         acc.at[pl.ds(row0 + nfull * _CH, ztail)], s0)
    pltpu.async_copy(ei_hbm.at[pl.ds(base_e, _EPW)], srcall, g0)

    def start_dx(i, r):
        pltpu.async_copy(ei_hbm.at[pl.ds(_E + base_e + i * _CH, _CH)],
                         dxs[r], isems[r])

    def wait_dx(r):
        pltpu.make_async_copy(ei_hbm.at[pl.ds(_E + base_e, _CH)],
                              dxs[r], isems[r]).wait()

    for r in range(_R):
        start_dx(r, r)
    for w in range(nfull):
        pltpu.make_async_copy(rows0, acc.at[pl.ds(row0 + w * _CH, _CH)],
                              s0).wait()
    if ztail:
        pltpu.make_async_copy(rows0.at[pl.ds(0, ztail)],
                              acc.at[pl.ds(row0 + nfull * _CH, ztail)],
                              s0).wait()
    pltpu.make_async_copy(ei_hbm.at[pl.ds(base_e, _EPW)], srcall, g0).wait()
    plsc.subcore_barrier()

    def start_gather(i, r):
        pltpu.async_copy(tab_hbm.at[srcall.at[pl.ds(i * _CH, _CH)]],
                         rows[r], gsems[r])

    def wait_gather(r):
        pltpu.make_async_copy(tab_hbm.at[srcall.at[pl.ds(0, _CH)]],
                              rows[r], gsems[r]).wait()

    def start_scatter(r):
        pltpu.async_copy(rows[r], acc.at[dxs[r]], ssems[r], add=True)

    def wait_scatter(r):
        pltpu.make_async_copy(rows[r], acc.at[dxs[r]], ssems[r]).wait()

    for r in range(_R):
        start_gather(r, r)

    def body(k, carry):
        i0 = k * _R
        for r in range(_R):
            wait_gather(r)
            wait_dx(r)
            start_scatter(r)
        for r in range(_R):
            wait_scatter(r)
            start_dx(i0 + _R + r, r)
            start_gather(i0 + _R + r, r)
        return carry

    lax.fori_loop(0, _NFULL // _R - 1, body, None)

    for r in range(_R):
        wait_gather(r)
        wait_dx(r)
        start_scatter(r)
    for r in range(_R):
        wait_scatter(r)

    plsc.subcore_barrier()
    pltpu.sync_copy(acc.at[pl.ds(row0, _WSIZE)],
                    out_hbm.at[c, pl.ds(row0, _WSIZE)])


_agg = pl.kernel(
    _agg_body,
    out_type=jax.ShapeDtypeStruct((_NC, _N, _C), jnp.float32),
    mesh=_mesh(),
    compiler_params=pltpu.CompilerParams(needs_layout_passes=False),
    scratch_types=[
        pltpu.VMEM((_EPW,), jnp.int32),
        pltpu.VMEM((_CH, _C), jnp.float32),
        pltpu.VMEM((_CH, _C), jnp.float32),
        pltpu.VMEM((_CH, _C), jnp.float32),
        pltpu.VMEM((_CH, _C), jnp.float32),
        pltpu.VMEM((_CH, _C), jnp.float32),
        pltpu.VMEM((_CH,), jnp.int32),
        pltpu.VMEM((_CH,), jnp.int32),
        pltpu.VMEM((_CH,), jnp.int32),
        pltpu.VMEM((_CH,), jnp.int32),
        pltpu.VMEM((_CH,), jnp.int32),
        pltpu.SemaphoreType.DMA,
        pltpu.SemaphoreType.DMA,
        pltpu.SemaphoreType.DMA,
        pltpu.SemaphoreType.DMA,
        pltpu.SemaphoreType.DMA,
        pltpu.SemaphoreType.DMA,
        pltpu.SemaphoreType.DMA,
        pltpu.SemaphoreType.DMA,
        pltpu.SemaphoreType.DMA,
        pltpu.SemaphoreType.DMA,
        pltpu.SemaphoreType.DMA,
        pltpu.SemaphoreType.DMA,
        pltpu.SemaphoreType.DMA,
        pltpu.SemaphoreType.DMA,
        pltpu.SemaphoreType.DMA,
        pltpu.VMEM_SHARED((_N, _C), jnp.float32),
    ],
)


def _bn(v, w, b):
    m = jnp.mean(v, axis=0, keepdims=True)
    d = v - m
    var = jnp.mean(d * d, axis=0, keepdims=True)
    return d * lax.rsqrt(var + _EPS) * w + b


def _k2a_body(x_ref, w0_ref, b0_ref, W1_ref, xw_ref):
    xn = _bn(x_ref[...], w0_ref[...], b0_ref[...])
    xw_ref[...] = jnp.dot(xn, W1_ref[...], preferred_element_type=jnp.float32)


_k2a = pl.pallas_call(
    _k2a_body,
    out_shape=jax.ShapeDtypeStruct((_N, _C), jnp.float32),
)


def _k2b_body(xw_ref, degp_ref, y_ref, dis_ref):
    ones = jnp.ones((_NW, 1), jnp.float32)
    deg = lax.dot_general(degp_ref[...], ones,
                          (((0,), (0,)), ((), ())),
                          preferred_element_type=jnp.float32) + 1.0
    dis = lax.rsqrt(deg)
    y_ref[...] = xw_ref[...] * dis
    dis_ref[...] = dis


_k2b = pl.pallas_call(
    _k2b_body,
    out_shape=(
        jax.ShapeDtypeStruct((_N, _C), jnp.float32),
        jax.ShapeDtypeStruct((_N, 1), jnp.float32),
    ),
)


def _k4_body(accp_ref, y_ref, dis_ref, b1_ref, w1_ref, bb1_ref, Wroot_ref,
             h_ref, hr_ref):
    acc = accp_ref[0] + accp_ref[1]
    g = dis_ref[...] * (acc + y_ref[...]) + b1_ref[...]
    g = jnp.maximum(g, 0.0)
    h = _bn(g, w1_ref[...], bb1_ref[...])
    h_ref[...] = h
    hr_ref[...] = jnp.dot(h, Wroot_ref[...],
                          preferred_element_type=jnp.float32)


_k4 = pl.pallas_call(
    _k4_body,
    out_shape=(
        jax.ShapeDtypeStruct((_N, _C), jnp.float32),
        jax.ShapeDtypeStruct((_N, _C), jnp.float32),
    ),
)


def _k6b_body(accp_ref, hr_ref, Wrel_ref, b2_ref, w2_ref, bb2_ref, o_ref):
    acc = accp_ref[0] + accp_ref[1]
    z = (jnp.dot(acc, Wrel_ref[...], preferred_element_type=jnp.float32)
         + b2_ref[...] + hr_ref[...])
    z = jnp.maximum(z, 0.0)
    o_ref[...] = _bn(z, w2_ref[...], bb2_ref[...])


_k6b = pl.pallas_call(
    _k6b_body,
    out_shape=jax.ShapeDtypeStruct((_N, _C), jnp.float32),
)


def kernel(x, edge_index, bn0_w, bn0_b, gcn1_W, gcn1_b, bn1_w, bn1_b,
           gc2_W_rel, gc2_W_root, gc2_b, bn2_w, bn2_b):
    ei = edge_index.astype(jnp.int32).reshape(2 * _E)

    degp = _deg(ei).reshape(_NW, _N)
    xw = _k2a(x, bn0_w.reshape(1, _C), bn0_b.reshape(1, _C), gcn1_W)
    y, dis = _k2b(xw, degp)
    accp = _agg(ei, y)
    h, hroot = _k4(accp, y, dis, gcn1_b.reshape(1, _C), bn1_w.reshape(1, _C),
                   bn1_b.reshape(1, _C), gc2_W_root)
    acc2p = _agg(ei, h)
    out = _k6b(acc2p, hroot, gc2_W_rel, gc2_b.reshape(1, _C),
               bn2_w.reshape(1, _C), bn2_b.reshape(1, _C))
    return out

# --- scband reference (transcript-rebuilt; emitter-appended) ---
"""Pipeline reference for scband-graph-net2-16080357556243 (READ-ONLY COPY).

The authoritative reference and input builder live on the scoring server;
editing this copy changes nothing except your own understanding.
"""

import jax, jax.numpy as jnp
import numpy as np

N = 10000
E = 320000
C_IN = 128
H1 = 128
H2 = 128
EPS = 1e-5


def setup_inputs(seed: int = 0) -> dict:
    key = jax.random.key(seed)
    ks = jax.random.split(key, 8)
    x = jax.random.normal(ks[0], (N, C_IN), dtype=jnp.float32)
    edge_index = jax.random.randint(ks[1], (2, E), 0, N)
    # BatchNorm params (affine)
    bn0_w = jnp.ones((C_IN,), jnp.float32)
    bn0_b = jnp.zeros((C_IN,), jnp.float32)
    bn1_w = jnp.ones((H1,), jnp.float32)
    bn1_b = jnp.zeros((H1,), jnp.float32)
    bn2_w = jnp.ones((H2,), jnp.float32)
    bn2_b = jnp.zeros((H2,), jnp.float32)
    # GCNConv params: weight [in, out], bias [out]
    gcn1_W = jax.random.normal(ks[2], (C_IN, H1), jnp.float32) * (1.0 / np.sqrt(C_IN))
    gcn1_b = jnp.zeros((H1,), jnp.float32)
    # GraphConv params: lin_rel (weight+bias) applied to aggregated neighbors, lin_root (weight, no bias)
    gc2_W_rel = jax.random.normal(ks[3], (H1, H2), jnp.float32) * (1.0 / np.sqrt(H1))
    gc2_W_root = jax.random.normal(ks[4], (H1, H2), jnp.float32) * (1.0 / np.sqrt(H1))
    gc2_b = jnp.zeros((H2,), jnp.float32)
    return {
        "x": x,
        "edge_index": edge_index,
        "bn0_w": bn0_w, "bn0_b": bn0_b,
        "gcn1_W": gcn1_W, "gcn1_b": gcn1_b,
        "bn1_w": bn1_w, "bn1_b": bn1_b,
        "gc2_W_rel": gc2_W_rel, "gc2_W_root": gc2_W_root, "gc2_b": gc2_b,
        "bn2_w": bn2_w, "bn2_b": bn2_b,
    }


def _batchnorm(x, w, b):
    # training-mode BatchNorm over the node dimension (per-feature)
    mean = jnp.mean(x, axis=0)
    var = jnp.var(x, axis=0)
    return (x - mean) / jnp.sqrt(var + EPS) * w + b


def _gcn_conv(x, src, dst, W, b, n):
    # PyG GCNConv: add self loops, symmetric normalization, sum aggregation
    xw = x @ W
    loop = jnp.arange(n)
    src2 = jnp.concatenate([src, loop])
    dst2 = jnp.concatenate([dst, loop])
    ew = jnp.ones((src2.shape[0],), xw.dtype)
    deg = jnp.zeros((n,), xw.dtype).at[dst2].add(ew)
    dis = jnp.where(deg > 0, deg ** -0.5, 0.0)
    norm = dis[src2] * dis[dst2]
    msg = xw[src2] * norm[:, None]
    out = jnp.zeros((n, xw.shape[1]), xw.dtype).at[dst2].add(msg)
    return out + b


def _graph_conv(x, src, dst, W_rel, W_root, b, n):
    # PyG GraphConv: out = lin_rel(sum_{j in N(i)} x_j) + lin_root(x_i)
    aggr = jnp.zeros((n, x.shape[1]), x.dtype).at[dst].add(x[src])
    return aggr @ W_rel + b + x @ W_root


def reference(x, edge_index, bn0_w, bn0_b, gcn1_W, gcn1_b, bn1_w, bn1_b, gc2_W_rel, gc2_W_root, gc2_b, bn2_w, bn2_b):
    src = edge_index[0]
    dst = edge_index[1]
    xn = _batchnorm(x, bn0_w, bn0_b)
    h = _batchnorm(jax.nn.relu(_gcn_conv(xn, src, dst, gcn1_W, gcn1_b, N)), bn1_w, bn1_b)
    h = _batchnorm(jax.nn.relu(_graph_conv(h, src, dst, gc2_W_rel, gc2_W_root, gc2_b, N)), bn2_w, bn2_b)
    return h

if __name__ == "__main__":
    import jax
    _d = setup_inputs()
    print(jax.jit(kernel)(*tuple(_d.values())))

</pallas_src>

<mosaic_0001>
#map = affine_map<(d0, d1) -> (0)>
#map1 = affine_map<(d0, d1) -> (0, 0)>
#map2 = affine_map<(d0, d1) -> (0, 0, 0)>
module attributes {stable_mosaic.version = 14 : i64} {
  func.func @_agg_body(%arg0: i32, %arg1: i32, %arg2: memref<640000xi32, #tpu.memory_space<hbm>>, %arg3: memref<10000x128xf32, #tpu.memory_space<hbm>>, %arg4: memref<2x10000x128xf32, #tpu.memory_space<hbm>>, %arg5: memref<10000xi32, #tpu.memory_space<vmem>>, %arg6: memref<40x128xf32, #tpu.memory_space<vmem>>, %arg7: memref<40x128xf32, #tpu.memory_space<vmem>>, %arg8: memref<40x128xf32, #tpu.memory_space<vmem>>, %arg9: memref<40x128xf32, #tpu.memory_space<vmem>>, %arg10: memref<40x128xf32, #tpu.memory_space<vmem>>, %arg11: memref<40xi32, #tpu.memory_space<vmem>>, %arg12: memref<40xi32, #tpu.memory_space<vmem>>, %arg13: memref<40xi32, #tpu.memory_space<vmem>>, %arg14: memref<40xi32, #tpu.memory_space<vmem>>, %arg15: memref<40xi32, #tpu.memory_space<vmem>>, %arg16: memref<!tpu.dma_semaphore, #tpu.memory_space<semaphore_mem>>, %arg17: memref<!tpu.dma_semaphore, #tpu.memory_space<semaphore_mem>>, %arg18: memref<!tpu.dma_semaphore, #tpu.memory_space<semaphore_mem>>, %arg19: memref<!tpu.dma_semaphore, #tpu.memory_space<semaphore_mem>>, %arg20: memref<!tpu.dma_semaphore, #tpu.memory_space<semaphore_mem>>, %arg21: memref<!tpu.dma_semaphore, #tpu.memory_space<semaphore_mem>>, %arg22: memref<!tpu.dma_semaphore, #tpu.memory_space<semaphore_mem>>, %arg23: memref<!tpu.dma_semaphore, #tpu.memory_space<semaphore_mem>>, %arg24: memref<!tpu.dma_semaphore, #tpu.memory_space<semaphore_mem>>, %arg25: memref<!tpu.dma_semaphore, #tpu.memory_space<semaphore_mem>>, %arg26: memref<!tpu.dma_semaphore, #tpu.memory_space<semaphore_mem>>, %arg27: memref<!tpu.dma_semaphore, #tpu.memory_space<semaphore_mem>>, %arg28: memref<!tpu.dma_semaphore, #tpu.memory_space<semaphore_mem>>, %arg29: memref<!tpu.dma_semaphore, #tpu.memory_space<semaphore_mem>>, %arg30: memref<!tpu.dma_semaphore, #tpu.memory_space<semaphore_mem>>, %arg31: memref<10000x128xf32, #tpu.memory_space<vmem_shared>>) attributes {dimension_semantics = [#tpu.dimension_semantics<core_parallel>, #tpu.dimension_semantics<subcore_parallel>], iteration_bounds = array<i64: 2, 16>, scalar_prefetch = 0 : i64, scratch_operands = 27 : i64, tpu.core_type = #tpu.core_type<sc_vector_subcore>, window_params = [{transform_indices = #map}, {transform_indices = #map1}, {transform_indices = #map2}]} {
    %mul3A = arith.constant 16 : i32
    %mul3A_0 = arith.muli %arg0, %mul3A : i32
    %add3A = arith.addi %mul3A_0, %arg1 : i32
    %mul3A_1 = arith.constant 10000 : i32
    %mul3A_2 = arith.muli %add3A, %mul3A_1 : i32
    %mul3A_3 = arith.constant 624 : i32
    %mul3A_4 = arith.muli %arg1, %mul3A_3 : i32
    %broadcast_in_dim3A = arith.constant 0.000000e+00 : f32
    %broadcast_in_dim3A_5 = vector.broadcast %broadcast_in_dim3A : f32 to vector<16xf32>
    %scan3A = arith.constant 0 : i32
    %scan3A_6 = arith.constant 320 : i32
    %scan3A_7 = arith.addi %scan3A, %scan3A_6 : i32
    %scan3A_8 = arith.constant 1 : i32
    scf.for %scan3A_340 = %scan3A to %scan3A_7 step %scan3A_8  : i32 {
      %shift_right_arithmetic3A = arith.constant 3 : i32
      %shift_right_arithmetic3A_341 = arith.shrsi %scan3A_340, %shift_right_arithmetic3A : i32
      %and3A = arith.constant 7 : i32
      %and3A_342 = arith.andi %scan3A_340, %and3A : i32
      %mul3A_343 = arith.constant 16 : i32
      %mul3A_344 = arith.muli %and3A_342, %mul3A_343 : i32
      %swap3A = arith.index_cast %shift_right_arithmetic3A_341 : i32 to index
      %swap3A_345 = arith.index_cast %mul3A_344 : i32 to index
      %swap3A_346 = tpu.vector_load %arg6[%swap3A, %swap3A_345] {strides = array<i32>} : memref<40x128xf32, #tpu.memory_space<vmem>>, vector<16xf32>,
      tpu.vector_store %arg6[%swap3A, %swap3A_345], %broadcast_in_dim3A_5 {strides = array<i32>} : memref<40x128xf32, #tpu.memory_space<vmem>>, vector<16xf32>,
    }
    %scan3A_9 = arith.constant 320 : i32
    %add3A_10 = arith.constant 0 : i32
    %add3A_11 = arith.addi %mul3A_4, %add3A_10 : i32
    %dma_start3A = arith.constant 0 : i32
    %dma_start3A_12 = tpu.memref_slice %arg31[%add3A_11, %dma_start3A] : memref<10000x128xf32, #tpu.memory_space<vmem_shared>> -> memref<40x128xf32, #tpu.memory_space<vmem_shared>>
    %dma_start3A_13 = arith.constant 0 : i32
    %dma_start3A_14 = tpu.memref_slice %arg31[%add3A_11, %dma_start3A_13] : memref<10000x128xf32, #tpu.memory_space<vmem_shared>> -> memref<40x128xf32, #tpu.memory_space<vmem_shared>>
    tpu.enqueue_dma source(%arg6 : memref<40x128xf32, #tpu.memory_space<vmem>>) target(%dma_start3A_14 : memref<40x128xf32, #tpu.memory_space<vmem_shared>>) target_semaphore(%arg21 : memref<!tpu.dma_semaphore, #tpu.memory_space<semaphore_mem>>)
    %add3A_15 = arith.constant 40 : i32
    %add3A_16 = arith.addi %mul3A_4, %add3A_15 : i32
    %dma_start3A_17 = arith.constant 0 : i32
    %dma_start3A_18 = tpu.memref_slice %arg31[%add3A_16, %dma_start3A_17] : memref<10000x128xf32, #tpu.memory_space<vmem_shared>> -> memref<40x128xf32, #tpu.memory_space<vmem_shared>>
    %dma_start3A_19 = arith.constant 0 : i32
    %dma_start3A_20 = tpu.memref_slice %arg31[%add3A_16, %dma_start3A_19] : memref<10000x128xf32, #tpu.memory_space<vmem_shared>> -> memref<40x128xf32, #tpu.memory_space<vmem_shared>>
    tpu.enqueue_dma source(%arg6 : memref<40x128xf32, #tpu.memory_space<vmem>>) target(%dma_start3A_20 : memref<40x128xf32, #tpu.memory_space<vmem_shared>>) target_semaphore(%arg21 : memref<!tpu.dma_semaphore, #tpu.memory_space<semaphore_mem>>)
    %add3A_21 = arith.constant 80 : i32
    %add3A_22 = arith.addi %mul3A_4, %add3A_21 : i32
    %dma_start3A_23 = arith.constant 0 : i32
    %dma_start3A_24 = tpu.memref_slice %arg31[%add3A_22, %dma_start3A_23] : memref<10000x128xf32, #tpu.memory_space<vmem_shared>> -> memref<40x128xf32, #tpu.memory_space<vmem_shared>>
    %dma_start3A_25 = arith.constant 0 : i32
    %dma_start3A_26 = tpu.memref_slice %arg31[%add3A_22, %dma_start3A_25] : memref<10000x128xf32, #tpu.memory_space<vmem_shared>> -> memref<40x128xf32, #tpu.memory_space<vmem_shared>>
    tpu.enqueue_dma source(%arg6 : memref<40x128xf32, #tpu.memory_space<vmem>>) target(%dma_start3A_26 : memref<40x128xf32, #tpu.memory_space<vmem_shared>>) target_semaphore(%arg21 : memref<!tpu.dma_semaphore, #tpu.memory_space<semaphore_mem>>)
    %add3A_27 = arith.constant 120 : i32
    %add3A_28 = arith.addi %mul3A_4, %add3A_27 : i32
    %dma_start3A_29 = arith.constant 0 : i32
    %dma_start3A_30 = tpu.memref_slice %arg31[%add3A_28, %dma_start3A_29] : memref<10000x128xf32, #tpu.memory_space<vmem_shared>> -> memref<40x128xf32, #tpu.memory_space<vmem_shared>>
    %dma_start3A_31 = arith.constant 0 : i32
    %dma_start3A_32 = tpu.memref_slice %arg31[%add3A_28, %dma_start3A_31] : memref<10000x128xf32, #tpu.memory_space<vmem_shared>> -> memref<40x128xf32, #tpu.memory_space<vmem_shared>>
    tpu.enqueue_dma source(%arg6 : memref<40x128xf32, #tpu.memory_space<vmem>>) target(%dma_start3A_32 : memref<40x128xf32, #tpu.memory_space<vmem_shared>>) target_semaphore(%arg21 : memref<!tpu.dma_semaphore, #tpu.memory_space<semaphore_mem>>)
    %add3A_33 = arith.constant 160 : i32
    %add3A_34 = arith.addi %mul3A_4, %add3A_33 : i32
    %dma_start3A_35 = arith.constant 0 : i32
    %dma_start3A_36 = tpu.memref_slice %arg31[%add3A_34, %dma_start3A_35] : memref<10000x128xf32, #tpu.memory_space<vmem_shared>> -> memref<40x128xf32, #tpu.memory_space<vmem_shared>>
    %dma_start3A_37 = arith.constant 0 : i32
    %dma_start3A_38 = tpu.memref_slice %arg31[%add3A_34, %dma_start3A_37] : memref<10000x128xf32, #tpu.memory_space<vmem_shared>> -> memref<40x128xf32, #tpu.memory_space<vmem_shared>>
    tpu.enqueue_dma source(%arg6 : memref<40x128xf32, #tpu.memory_space<vmem>>) target(%dma_start3A_38 : memref<40x128xf32, #tpu.memory_space<vmem_shared>>) target_semaphore(%arg21 : memref<!tpu.dma_semaphore, #tpu.memory_space<semaphore_mem>>)
    %add3A_39 = arith.constant 200 : i32
    %add3A_40 = arith.addi %mul3A_4, %add3A_39 : i32
    %dma_start3A_41 = arith.constant 0 : i32
    %dma_start3A_42 = tpu.memref_slice %arg31[%add3A_40, %dma_start3A_41] : memref<10000x128xf32, #tpu.memory_space<vmem_shared>> -> memref<40x128xf32, #tpu.memory_space<vmem_shared>>
    %dma_start3A_43 = arith.constant 0 : i32
    %dma_start3A_44 = tpu.memref_slice %arg31[%add3A_40, %dma_start3A_43] : memref<10000x128xf32, #tpu.memory_space<vmem_shared>> -> memref<40x128xf32, #tpu.memory_space<vmem_shared>>
    tpu.enqueue_dma source(%arg6 : memref<40x128xf32, #tpu.memory_space<vmem>>) target(%dma_start3A_44 : memref<40x128xf32, #tpu.memory_space<vmem_shared>>) target_semaphore(%arg21 : memref<!tpu.dma_semaphore, #tpu.memory_space<semaphore_mem>>)
    %add3A_45 = arith.constant 240 : i32
    %add3A_46 = arith.addi %mul3A_4, %add3A_45 : i32
    %dma_start3A_47 = arith.constant 0 : i32
    %dma_start3A_48 = tpu.memref_slice %arg31[%add3A_46, %dma_start3A_47] : memref<10000x128xf32, #tpu.memory_space<vmem_shared>> -> memref<40x128xf32, #tpu.memory_space<vmem_shared>>
    %dma_start3A_49 = arith.constant 0 : i32
    %dma_start3A_50 = tpu.memref_slice %arg31[%add3A_46, %dma_start3A_49] : memref<10000x128xf32, #tpu.memory_space<vmem_shared>> -> memref<40x128xf32, #tpu.memory_space<vmem_shared>>
    tpu.enqueue_dma source(%arg6 : memref<40x128xf32, #tpu.memory_space<vmem>>) target(%dma_start3A_50 : memref<40x128xf32, #tpu.memory_space<vmem_shared>>) target_semaphore(%arg21 : memref<!tpu.dma_semaphore, #tpu.memory_space<semaphore_mem>>)
    %add3A_51 = arith.constant 280 : i32
    %add3A_52 = arith.addi %mul3A_4, %add3A_51 : i32
    %dma_start3A_53 = arith.constant 0 : i32
    %dma_start3A_54 = tpu.memref_slice %arg31[%add3A_52, %dma_start3A_53] : memref<10000x128xf32, #tpu.memory_space<vmem_shared>> -> memref<40x128xf32, #tpu.memory_space<vmem_shared>>
    %dma_start3A_55 = arith.constant 0 : i32
    %dma_start3A_56 = tpu.memref_slice %arg31[%add3A_52, %dma_start3A_55] : memref<10000x128xf32, #tpu.memory_space<vmem_shared>> -> memref<40x128xf32, #tpu.memory_space<vmem_shared>>
    tpu.enqueue_dma source(%arg6 : memref<40x128xf32, #tpu.memory_space<vmem>>) target(%dma_start3A_56 : memref<40x128xf32, #tpu.memory_space<vmem_shared>>) target_semaphore(%arg21 : memref<!tpu.dma_semaphore, #tpu.memory_space<semaphore_mem>>)
    %add3A_57 = arith.constant 320 : i32
    %add3A_58 = arith.addi %mul3A_4, %add3A_57 : i32
    %dma_start3A_59 = arith.constant 0 : i32
    %dma_start3A_60 = tpu.memref_slice %arg31[%add3A_58, %dma_start3A_59] : memref<10000x128xf32, #tpu.memory_space<vmem_shared>> -> memref<40x128xf32, #tpu.memory_space<vmem_shared>>
    %dma_start3A_61 = arith.constant 0 : i32
    %dma_start3A_62 = tpu.memref_slice %arg31[%add3A_58, %dma_start3A_61] : memref<10000x128xf32, #tpu.memory_space<vmem_shared>> -> memref<40x128xf32, #tpu.memory_space<vmem_shared>>
    tpu.enqueue_dma source(%arg6 : memref<40x128xf32, #tpu.memory_space<vmem>>) target(%dma_start3A_62 : memref<40x128xf32, #tpu.memory_space<vmem_shared>>) target_semaphore(%arg21 : memref<!tpu.dma_semaphore, #tpu.memory_space<semaphore_mem>>)
    %add3A_63 = arith.constant 360 : i32
    %add3A_64 = arith.addi %mul3A_4, %add3A_63 : i32
    %dma_start3A_65 = arith.constant 0 : i32
    %dma_start3A_66 = tpu.memref_slice %arg31[%add3A_64, %dma_start3A_65] : memref<10000x128xf32, #tpu.memory_space<vmem_shared>> -> memref<40x128xf32, #tpu.memory_space<vmem_shared>>
    %dma_start3A_67 = arith.constant 0 : i32
    %dma_start3A_68 = tpu.memref_slice %arg31[%add3A_64, %dma_start3A_67] : memref<10000x128xf32, #tpu.memory_space<vmem_shared>> -> memref<40x128xf32, #tpu.memory_space<vmem_shared>>
    tpu.enqueue_dma source(%arg6 : memref<40x128xf32, #tpu.memory_space<vmem>>) target(%dma_start3A_68 : memref<40x128xf32, #tpu.memory_space<vmem_shared>>) target_semaphore(%arg21 : memref<!tpu.dma_semaphore, #tpu.memory_space<semaphore_mem>>)
    %add3A_69 = arith.constant 400 : i32
    %add3A_70 = arith.addi %mul3A_4, %add3A_69 : i32
    %dma_start3A_71 = arith.constant 0 : i32
    %dma_start3A_72 = tpu.memref_slice %arg31[%add3A_70, %dma_start3A_71] : memref<10000x128xf32, #tpu.memory_space<vmem_shared>> -> memref<40x128xf32, #tpu.memory_space<vmem_shared>>
    %dma_start3A_73 = arith.constant 0 : i32
    %dma_start3A_74 = tpu.memref_slice %arg31[%add3A_70, %dma_start3A_73] : memref<10000x128xf32, #tpu.memory_space<vmem_shared>> -> memref<40x128xf32, #tpu.memory_space<vmem_shared>>
    tpu.enqueue_dma source(%arg6 : memref<40x128xf32, #tpu.memory_space<vmem>>) target(%dma_start3A_74 : memref<40x128xf32, #tpu.memory_space<vmem_shared>>) target_semaphore(%arg21 : memref<!tpu.dma_semaphore, #tpu.memory_space<semaphore_mem>>)
    %add3A_75 = arith.constant 440 : i32
    %add3A_76 = arith.addi %mul3A_4, %add3A_75 : i32
    %dma_start3A_77 = arith.constant 0 : i32
    %dma_start3A_78 = tpu.memref_slice %arg31[%add3A_76, %dma_start3A_77] : memref<10000x128xf32, #tpu.memory_space<vmem_shared>> -> memref<40x128xf32, #tpu.memory_space<vmem_shared>>
    %dma_start3A_79 = arith.constant 0 : i32
    %dma_start3A_80 = tpu.memref_slice %arg31[%add3A_76, %dma_start3A_79] : memref<10000x128xf32, #tpu.memory_space<vmem_shared>> -> memref<40x128xf32, #tpu.memory_space<vmem_shared>>
    tpu.enqueue_dma source(%arg6 : memref<40x128xf32, #tpu.memory_space<vmem>>) target(%dma_start3A_80 : memref<40x128xf32, #tpu.memory_space<vmem_shared>>) target_semaphore(%arg21 : memref<!tpu.dma_semaphore, #tpu.memory_space<semaphore_mem>>)
    %add3A_81 = arith.constant 480 : i32
    %add3A_82 = arith.addi %mul3A_4, %add3A_81 : i32
    %dma_start3A_83 = arith.constant 0 : i32
    %dma_start3A_84 = tpu.memref_slice %arg31[%add3A_82, %dma_start3A_83] : memref<10000x128xf32, #tpu.memory_space<vmem_shared>> -> memref<40x128xf32, #tpu.memory_space<vmem_shared>>
    %dma_start3A_85 = arith.constant 0 : i32
    %dma_start3A_86 = tpu.memref_slice %arg31[%add3A_82, %dma_start3A_85] : memref<10000x128xf32, #tpu.memory_space<vmem_shared>> -> memref<40x128xf32, #tpu.memory_space<vmem_shared>>
    tpu.enqueue_dma source(%arg6 : memref<40x128xf32, #tpu.memory_space<vmem>>) target(%dma_start3A_86 : memref<40x128xf32, #tpu.memory_space<vmem_shared>>) target_semaphore(%arg21 : memref<!tpu.dma_semaphore, #tpu.memory_space<semaphore_mem>>)
    %add3A_87 = arith.constant 520 : i32
    %add3A_88 = arith.addi %mul3A_4, %add3A_87 : i32
    %dma_start3A_89 = arith.constant 0 : i32
    %dma_start3A_90 = tpu.memref_slice %arg31[%add3A_88, %dma_start3A_89] : memref<10000x128xf32, #tpu.memory_space<vmem_shared>> -> memref<40x128xf32, #tpu.memory_space<vmem_shared>>
    %dma_start3A_91 = arith.constant 0 : i32
    %dma_start3A_92 = tpu.memref_slice %arg31[%add3A_88, %dma_start3A_91] : memref<10000x128xf32, #tpu.memory_space<vmem_shared>> -> memref<40x128xf32, #tpu.memory_space<vmem_shared>>
    tpu.enqueue_dma source(%arg6 : memref<40x128xf32, #tpu.memory_space<vmem>>) target(%dma_start3A_92 : memref<40x128xf32, #tpu.memory_space<vmem_shared>>) target_semaphore(%arg21 : memref<!tpu.dma_semaphore, #tpu.memory_space<semaphore_mem>>)
    %add3A_93 = arith.constant 560 : i32
    %add3A_94 = arith.addi %mul3A_4, %add3A_93 : i32
    %dma_start3A_95 = arith.constant 0 : i32
    %dma_start3A_96 = tpu.memref_slice %arg31[%add3A_94, %dma_start3A_95] : memref<10000x128xf32, #tpu.memory_space<vmem_shared>> -> memref<40x128xf32, #tpu.memory_space<vmem_shared>>
    %dma_start3A_97 = arith.constant 0 : i32
    %dma_start3A_98 = tpu.memref_slice %arg31[%add3A_94, %dma_start3A_97] : memref<10000x128xf32, #tpu.memory_space<vmem_shared>> -> memref<40x128xf32, #tpu.memory_space<vmem_shared>>
    tpu.enqueue_dma source(%arg6 : memref<40x128xf32, #tpu.memory_space<vmem>>) target(%dma_start3A_98 : memref<40x128xf32, #tpu.memory_space<vmem_shared>>) target_semaphore(%arg21 : memref<!tpu.dma_semaphore, #tpu.memory_space<semaphore_mem>>)
    %add3A_99 = arith.constant 600 : i32
    %add3A_100 = arith.addi %mul3A_4, %add3A_99 : i32
    %dma_start3A_101 = arith.constant 0 : i32
    %dma_start3A_102 = tpu.memref_slice %arg31[%add3A_100, %dma_start3A_101] : memref<10000x128xf32, #tpu.memory_space<vmem_shared>> -> memref<40x128xf32, #tpu.memory_space<vmem_shared>>
    %dma_start3A_103 = arith.constant 0 : i32
    %dma_start3A_104 = tpu.memref_slice %arg31[%add3A_100, %dma_start3A_103] : memref<10000x128xf32, #tpu.memory_space<vmem_shared>> -> memref<40x128xf32, #tpu.memory_space<vmem_shared>>
    tpu.enqueue_dma source(%arg6 : memref<40x128xf32, #tpu.memory_space<vmem>>) target(%dma_start3A_104 : memref<40x128xf32, #tpu.memory_space<vmem_shared>>) target_semaphore(%arg21 : memref<!tpu.dma_semaphore, #tpu.memory_space<semaphore_mem>>)
    %dma_start3A_105 = tpu.memref_slice %arg2[%mul3A_2] : memref<640000xi32, #tpu.memory_space<hbm>> -> memref<10000xi32, #tpu.memory_space<hbm>>
    %dma_start3A_106 = tpu.memref_slice %arg2[%mul3A_2] : memref<640000xi32, #tpu.memory_space<hbm>> -> memref<10000xi32, #tpu.memory_space<hbm>>
    tpu.enqueue_dma source(%dma_start3A_106 : memref<10000xi32, #tpu.memory_space<hbm>>) target(%arg5 : memref<10000xi32, #tpu.memory_space<vmem>>) target_semaphore(%arg16 : memref<!tpu.dma_semaphore, #tpu.memory_space<semaphore_mem>>)
    %add3A_107 = arith.constant 320000 : i32
    %add3A_108 = arith.addi %add3A_107, %mul3A_2 : i32
    %add3A_109 = arith.constant 0 : i32
    %add3A_110 = arith.addi %add3A_108, %add3A_109 : i32
    %dma_start3A_111 = tpu.memref_slice %arg2[%add3A_110] : memref<640000xi32, #tpu.memory_space<hbm>> -> memref<40xi32, #tpu.memory_space<hbm>>
    %dma_start3A_112 = tpu.memref_slice %arg2[%add3A_110] : memref<640000xi32, #tpu.memory_space<hbm>> -> memref<40xi32, #tpu.memory_space<hbm>>
    tpu.enqueue_dma source(%dma_start3A_112 : memref<40xi32, #tpu.memory_space<hbm>>) target(%arg11 : memref<40xi32, #tpu.memory_space<vmem>>) target_semaphore(%arg26 : memref<!tpu.dma_semaphore, #tpu.memory_space<semaphore_mem>>)
    %add3A_113 = arith.constant 320000 : i32
    %add3A_114 = arith.addi %add3A_113, %mul3A_2 : i32
    %add3A_115 = arith.constant 40 : i32
    %add3A_116 = arith.addi %add3A_114, %add3A_115 : i32
    %dma_start3A_117 = tpu.memref_slice %arg2[%add3A_116] : memref<640000xi32, #tpu.memory_space<hbm>> -> memref<40xi32, #tpu.memory_space<hbm>>
    %dma_start3A_118 = tpu.memref_slice %arg2[%add3A_116] : memref<640000xi32, #tpu.memory_space<hbm>> -> memref<40xi32, #tpu.memory_space<hbm>>
    tpu.enqueue_dma source(%dma_start3A_118 : memref<40xi32, #tpu.memory_space<hbm>>) target(%arg12 : memref<40xi32, #tpu.memory_space<vmem>>) target_semaphore(%arg27 : memref<!tpu.dma_semaphore, #tpu.memory_space<semaphore_mem>>)
    %add3A_119 = arith.constant 320000 : i32
    %add3A_120 = arith.addi %add3A_119, %mul3A_2 : i32
    %add3A_121 = arith.constant 80 : i32
    %add3A_122 = arith.addi %add3A_120, %add3A_121 : i32
    %dma_start3A_123 = tpu.memref_slice %arg2[%add3A_122] : memref<640000xi32, #tpu.memory_space<hbm>> -> memref<40xi32, #tpu.memory_space<hbm>>
    %dma_start3A_124 = tpu.memref_slice %arg2[%add3A_122] : memref<640000xi32, #tpu.memory_space<hbm>> -> memref<40xi32, #tpu.memory_space<hbm>>
    tpu.enqueue_dma source(%dma_start3A_124 : memref<40xi32, #tpu.memory_space<hbm>>) target(%arg13 : memref<40xi32, #tpu.memory_space<vmem>>) target_semaphore(%arg28 : memref<!tpu.dma_semaphore, #tpu.memory_space<semaphore_mem>>)
    %add3A_125 = arith.constant 320000 : i32
    %add3A_126 = arith.addi %add3A_125, %mul3A_2 : i32
    %add3A_127 = arith.constant 120 : i32
    %add3A_128 = arith.addi %add3A_126, %add3A_127 : i32
    %dma_start3A_129 = tpu.memref_slice %arg2[%add3A_128] : memref<640000xi32, #tpu.memory_space<hbm>> -> memref<40xi32, #tpu.memory_space<hbm>>
    %dma_start3A_130 = tpu.memref_slice %arg2[%add3A_128] : memref<640000xi32, #tpu.memory_space<hbm>> -> memref<40xi32, #tpu.memory_space<hbm>>
    tpu.enqueue_dma source(%dma_start3A_130 : memref<40xi32, #tpu.memory_space<hbm>>) target(%arg14 : memref<40xi32, #tpu.memory_space<vmem>>) target_semaphore(%arg29 : memref<!tpu.dma_semaphore, #tpu.memory_space<semaphore_mem>>)
    %add3A_131 = arith.constant 320000 : i32
    %add3A_132 = arith.addi %add3A_131, %mul3A_2 : i32
    %add3A_133 = arith.constant 160 : i32
    %add3A_134 = arith.addi %add3A_132, %add3A_133 : i32
    %dma_start3A_135 = tpu.memref_slice %arg2[%add3A_134] : memref<640000xi32, #tpu.memory_space<hbm>> -> memref<40xi32, #tpu.memory_space<hbm>>
    %dma_start3A_136 = tpu.memref_slice %arg2[%add3A_134] : memref<640000xi32, #tpu.memory_space<hbm>> -> memref<40xi32, #tpu.memory_space<hbm>>
    tpu.enqueue_dma source(%dma_start3A_136 : memref<40xi32, #tpu.memory_space<hbm>>) target(%arg15 : memref<40xi32, #tpu.memory_space<vmem>>) target_semaphore(%arg30 : memref<!tpu.dma_semaphore, #tpu.memory_space<semaphore_mem>>)
    %add3A_137 = arith.constant 0 : i32
    %add3A_138 = arith.addi %mul3A_4, %add3A_137 : i32
    %dma_wait3A = arith.constant 0 : i32
    %dma_wait3A_139 = tpu.memref_slice %arg31[%add3A_138, %dma_wait3A] : memref<10000x128xf32, #tpu.memory_space<vmem_shared>> -> memref<40x128xf32, #tpu.memory_space<vmem_shared>>
    %dma_wait3A_140 = arith.constant 0 : i32
    %dma_wait3A_141 = tpu.memref_slice %arg31[%add3A_138, %dma_wait3A_140] : memref<10000x128xf32, #tpu.memory_space<vmem_shared>> -> memref<40x128xf32, #tpu.memory_space<vmem_shared>>
    tpu.wait_dma2 semaphore(%arg21 : memref<!tpu.dma_semaphore, #tpu.memory_space<semaphore_mem>>) src(%arg6 : memref<40x128xf32, #tpu.memory_space<vmem>>) dst(%dma_wait3A_141 : memref<40x128xf32, #tpu.memory_space<vmem_shared>>)
    %add3A_142 = arith.constant 40 : i32
    %add3A_143 = arith.addi %mul3A_4, %add3A_142 : i32
    %dma_wait3A_144 = arith.constant 0 : i32
    %dma_wait3A_145 = tpu.memref_slice %arg31[%add3A_143, %dma_wait3A_144] : memref<10000x128xf32, #tpu.memory_space<vmem_shared>> -> memref<40x128xf32, #tpu.memory_space<vmem_shared>>
    %dma_wait3A_146 = arith.constant 0 : i32
    %dma_wait3A_147 = tpu.memref_slice %arg31[%add3A_143, %dma_wait3A_146] : memref<10000x128xf32, #tpu.memory_space<vmem_shared>> -> memref<40x128xf32, #tpu.memory_space<vmem_shared>>
    tpu.wait_dma2 semaphore(%arg21 : memref<!tpu.dma_semaphore, #tpu.memory_space<semaphore_mem>>) src(%arg6 : memref<40x128xf32, #tpu.memory_space<vmem>>) dst(%dma_wait3A_147 : memref<40x128xf32, #tpu.memory_space<vmem_shared>>)
    %add3A_148 = arith.constant 80 : i32
    %add3A_149 = arith.addi %mul3A_4, %add3A_148 : i32
    %dma_wait3A_150 = arith.constant 0 : i32
    %dma_wait3A_151 = tpu.memref_slice %arg31[%add3A_149, %dma_wait3A_150] : memref<10000x128xf32, #tpu.memory_space<vmem_shared>> -> memref<40x128xf32, #tpu.memory_space<vmem_shared>>
    %dma_wait3A_152 = arith.constant 0 : i32
    %dma_wait3A_153 = tpu.memref_slice %arg31[%add3A_149, %dma_wait3A_152] : memref<10000x128xf32, #tpu.memory_space<vmem_shared>> -> memref<40x128xf32, #tpu.memory_space<vmem_shared>>
    tpu.wait_dma2 semaphore(%arg21 : memref<!tpu.dma_semaphore, #tpu.memory_space<semaphore_mem>>) src(%arg6 : memref<40x128xf32, #tpu.memory_space<vmem>>) dst(%dma_wait3A_153 : memref<40x128xf32, #tpu.memory_space<vmem_shared>>)
    %add3A_154 = arith.constant 120 : i32
    %add3A_155 = arith.addi %mul3A_4, %add3A_154 : i32
    %dma_wait3A_156 = arith.constant 0 : i32
    %dma_wait3A_157 = tpu.memref_slice %arg31[%add3A_155, %dma_wait3A_156] : memref<10000x128xf32, #tpu.memory_space<vmem_shared>> -> memref<40x128xf32, #tpu.memory_space<vmem_shared>>
    %dma_wait3A_158 = arith.constant 0 : i32
    %dma_wait3A_159 = tpu.memref_slice %arg31[%add3A_155, %dma_wait3A_158] : memref<10000x128xf32, #tpu.memory_space<vmem_shared>> -> memref<40x128xf32, #tpu.memory_space<vmem_shared>>
    tpu.wait_dma2 semaphore(%arg21 : memref<!tpu.dma_semaphore, #tpu.memory_space<semaphore_mem>>) src(%arg6 : memref<40x128xf32, #tpu.memory_space<vmem>>) dst(%dma_wait3A_159 : memref<40x128xf32, #tpu.memory_space<vmem_shared>>)
    %add3A_160 = arith.constant 160 : i32
    %add3A_161 = arith.addi %mul3A_4, %add3A_160 : i32
    %dma_wait3A_162 = arith.constant 0 : i32
    %dma_wait3A_163 = tpu.memref_slice %arg31[%add3A_161, %dma_wait3A_162] : memref<10000x128xf32, #tpu.memory_space<vmem_shared>> -> memref<40x128xf32, #tpu.memory_space<vmem_shared>>
    %dma_wait3A_164 = arith.constant 0 : i32
    %dma_wait3A_165 = tpu.memref_slice %arg31[%add3A_161, %dma_wait3A_164] : memref<10000x128xf32, #tpu.memory_space<vmem_shared>> -> memref<40x128xf32, #tpu.memory_space<vmem_shared>>
    tpu.wait_dma2 semaphore(%arg21 : memref<!tpu.dma_semaphore, #tpu.memory_space<semaphore_mem>>) src(%arg6 : memref<40x128xf32, #tpu.memory_space<vmem>>) dst(%dma_wait3A_165 : memref<40x128xf32, #tpu.memory_space<vmem_shared>>)
    %add3A_166 = arith.constant 200 : i32
    %add3A_167 = arith.addi %mul3A_4, %add3A_166 : i32
    %dma_wait3A_168 = arith.constant 0 : i32
    %dma_wait3A_169 = tpu.memref_slice %arg31[%add3A_167, %dma_wait3A_168] : memref<10000x128xf32, #tpu.memory_space<vmem_shared>> -> memref<40x128xf32, #tpu.memory_space<vmem_shared>>
    %dma_wait3A_170 = arith.constant 0 : i32
    %dma_wait3A_171 = tpu.memref_slice %arg31[%add3A_167, %dma_wait3A_170] : memref<10000x128xf32, #tpu.memory_space<vmem_shared>> -> memref<40x128xf32, #tpu.memory_space<vmem_shared>>
    tpu.wait_dma2 semaphore(%arg21 : memref<!tpu.dma_semaphore, #tpu.memory_space<semaphore_mem>>) src(%arg6 : memref<40x128xf32, #tpu.memory_space<vmem>>) dst(%dma_wait3A_171 : memref<40x128xf32, #tpu.memory_space<vmem_shared>>)
    %add3A_172 = arith.constant 240 : i32
    %add3A_173 = arith.addi %mul3A_4, %add3A_172 : i32
    %dma_wait3A_174 = arith.constant 0 : i32
    %dma_wait3A_175 = tpu.memref_slice %arg31[%add3A_173, %dma_wait3A_174] : memref<10000x128xf32, #tpu.memory_space<vmem_shared>> -> memref<40x128xf32, #tpu.memory_space<vmem_shared>>
    %dma_wait3A_176 = arith.constant 0 : i32
    %dma_wait3A_177 = tpu.memref_slice %arg31[%add3A_173, %dma_wait3A_176] : memref<10000x128xf32, #tpu.memory_space<vmem_shared>> -> memref<40x128xf32, #tpu.memory_space<vmem_shared>>
    tpu.wait_dma2 semaphore(%arg21 : memref<!tpu.dma_semaphore, #tpu.memory_space<semaphore_mem>>) src(%arg6 : memref<40x128xf32, #tpu.memory_space<vmem>>) dst(%dma_wait3A_177 : memref<40x128xf32, #tpu.memory_space<vmem_shared>>)
    %add3A_178 = arith.constant 280 : i32
    %add3A_179 = arith.addi %mul3A_4, %add3A_178 : i32
    %dma_wait3A_180 = arith.constant 0 : i32
    %dma_wait3A_181 = tpu.memref_slice %arg31[%add3A_179, %dma_wait3A_180] : memref<10000x128xf32, #tpu.memory_space<vmem_shared>> -> memref<40x128xf32, #tpu.memory_space<vmem_shared>>
    %dma_wait3A_182 = arith.constant 0 : i32
    %dma_wait3A_183 = tpu.memref_slice %arg31[%add3A_179, %dma_wait3A_182] : memref<10000x128xf32, #tpu.memory_space<vmem_shared>> -> memref<40x128xf32, #tpu.memory_space<vmem_shared>>
    tpu.wait_dma2 semaphore(%arg21 : memref<!tpu.dma_semaphore, #tpu.memory_space<semaphore_mem>>) src(%arg6 : memref<40x128xf32, #tpu.memory_space<vmem>>) dst(%dma_wait3A_183 : memref<40x128xf32, #tpu.memory_space<vmem_shared>>)
    %add3A_184 = arith.constant 320 : i32
    %add3A_185 = arith.addi %mul3A_4, %add3A_184 : i32
    %dma_wait3A_186 = arith.constant 0 : i32
    %dma_wait3A_187 = tpu.memref_slice %arg31[%add3A_185, %dma_wait3A_186] : memref<10000x128xf32, #tpu.memory_space<vmem_shared>> -> memref<40x128xf32, #tpu.memory_space<vmem_shared>>
    %dma_wait3A_188 = arith.constant 0 : i32
    %dma_wait3A_189 = tpu.memref_slice %arg31[%add3A_185, %dma_wait3A_188] : memref<10000x128xf32, #tpu.memory_space<vmem_shared>> -> memref<40x128xf32, #tpu.memory_space<vmem_shared>>
    tpu.wait_dma2 semaphore(%arg21 : memref<!tpu.dma_semaphore, #tpu.memory_space<semaphore_mem>>) src(%arg6 : memref<40x128xf32, #tpu.memory_space<vmem>>) dst(%dma_wait3A_189 : memref<40x128xf32, #tpu.memory_space<vmem_shared>>)
    %add3A_190 = arith.constant 360 : i32
    %add3A_191 = arith.addi %mul3A_4, %add3A_190 : i32
    %dma_wait3A_192 = arith.constant 0 : i32
    %dma_wait3A_193 = tpu.memref_slice %arg31[%add3A_191, %dma_wait3A_192] : memref<10000x128xf32, #tpu.memory_space<vmem_shared>> -> memref<40x128xf32, #tpu.memory_space<vmem_shared>>
    %dma_wait3A_194 = arith.constant 0 : i32
    %dma_wait3A_195 = tpu.memref_slice %arg31[%add3A_191, %dma_wait3A_194] : memref<10000x128xf32, #tpu.memory_space<vmem_shared>> -> memref<40x128xf32, #tpu.memory_space<vmem_shared>>
    tpu.wait_dma2 semaphore(%arg21 : memref<!tpu.dma_semaphore, #tpu.memory_space<semaphore_mem>>) src(%arg6 : memref<40x128xf32, #tpu.memory_space<vmem>>) dst(%dma_wait3A_195 : memref<40x128xf32, #tpu.memory_space<vmem_shared>>)
    %add3A_196 = arith.constant 400 : i32
    %add3A_197 = arith.addi %mul3A_4, %add3A_196 : i32
    %dma_wait3A_198 = arith.constant 0 : i32
    %dma_wait3A_199 = tpu.memref_slice %arg31[%add3A_197, %dma_wait3A_198] : memref<10000x128xf32, #tpu.memory_space<vmem_shared>> -> memref<40x128xf32, #tpu.memory_space<vmem_shared>>
    %dma_wait3A_200 = arith.constant 0 : i32
    %dma_wait3A_201 = tpu.memref_slice %arg31[%add3A_197, %dma_wait3A_200] : memref<10000x128xf32, #tpu.memory_space<vmem_shared>> -> memref<40x128xf32, #tpu.memory_space<vmem_shared>>
    tpu.wait_dma2 semaphore(%arg21 : memref<!tpu.dma_semaphore, #tpu.memory_space<semaphore_mem>>) src(%arg6 : memref<40x128xf32, #tpu.memory_space<vmem>>) dst(%dma_wait3A_201 : memref<40x128xf32, #tpu.memory_space<vmem_shared>>)
    %add3A_202 = arith.constant 440 : i32
    %add3A_203 = arith.addi %mul3A_4, %add3A_202 : i32
    %dma_wait3A_204 = arith.constant 0 : i32
    %dma_wait3A_205 = tpu.memref_slice %arg31[%add3A_203, %dma_wait3A_204] : memref<10000x128xf32, #tpu.memory_space<vmem_shared>> -> memref<40x128xf32, #tpu.memory_space<vmem_shared>>
    %dma_wait3A_206 = arith.constant 0 : i32
    %dma_wait3A_207 = tpu.memref_slice %arg31[%add3A_203, %dma_wait3A_206] : memref<10000x128xf32, #tpu.memory_space<vmem_shared>> -> memref<40x128xf32, #tpu.memory_space<vmem_shared>>
    tpu.wait_dma2 semaphore(%arg21 : memref<!tpu.dma_semaphore, #tpu.memory_space<semaphore_mem>>) src(%arg6 : memref<40x128xf32, #tpu.memory_space<vmem>>) dst(%dma_wait3A_207 : memref<40x128xf32, #tpu.memory_space<vmem_shared>>)
    %add3A_208 = arith.constant 480 : i32
    %add3A_209 = arith.addi %mul3A_4, %add3A_208 : i32
    %dma_wait3A_210 = arith.constant 0 : i32
    %dma_wait3A_211 = tpu.memref_slice %arg31[%add3A_209, %dma_wait3A_210] : memref<10000x128xf32, #tpu.memory_space<vmem_shared>> -> memref<40x128xf32, #tpu.memory_space<vmem_shared>>
    %dma_wait3A_212 = arith.constant 0 : i32
    %dma_wait3A_213 = tpu.memref_slice %arg31[%add3A_209, %dma_wait3A_212] : memref<10000x128xf32, #tpu.memory_space<vmem_shared>> -> memref<40x128xf32, #tpu.memory_space<vmem_shared>>
    tpu.wait_dma2 semaphore(%arg21 : memref<!tpu.dma_semaphore, #tpu.memory_space<semaphore_mem>>) src(%arg6 : memref<40x128xf32, #tpu.memory_space<vmem>>) dst(%dma_wait3A_213 : memref<40x128xf32, #tpu.memory_space<vmem_shared>>)
    %add3A_214 = arith.constant 520 : i32
    %add3A_215 = arith.addi %mul3A_4, %add3A_214 : i32
    %dma_wait3A_216 = arith.constant 0 : i32
    %dma_wait3A_217 = tpu.memref_slice %arg31[%add3A_215, %dma_wait3A_216] : memref<10000x128xf32, #tpu.memory_space<vmem_shared>> -> memref<40x128xf32, #tpu.memory_space<vmem_shared>>
    %dma_wait3A_218 = arith.constant 0 : i32
    %dma_wait3A_219 = tpu.memref_slice %arg31[%add3A_215, %dma_wait3A_218] : memref<10000x128xf32, #tpu.memory_space<vmem_shared>> -> memref<40x128xf32, #tpu.memory_space<vmem_shared>>
    tpu.wait_dma2 semaphore(%arg21 : memref<!tpu.dma_semaphore, #tpu.memory_space<semaphore_mem>>) src(%arg6 : memref<40x128xf32, #tpu.memory_space<vmem>>) dst(%dma_wait3A_219 : memref<40x128xf32, #tpu.memory_space<vmem_shared>>)
    %add3A_220 = arith.constant 560 : i32
    %add3A_221 = arith.addi %mul3A_4, %add3A_220 : i32
    %dma_wait3A_222 = arith.constant 0 : i32
    %dma_wait3A_223 = tpu.memref_slice %arg31[%add3A_221, %dma_wait3A_222] : memref<10000x128xf32, #tpu.memory_space<vmem_shared>> -> memref<40x128xf32, #tpu.memory_space<vmem_shared>>
    %dma_wait3A_224 = arith.constant 0 : i32
    %dma_wait3A_225 = tpu.memref_slice %arg31[%add3A_221, %dma_wait3A_224] : memref<10000x128xf32, #tpu.memory_space<vmem_shared>> -> memref<40x128xf32, #tpu.memory_space<vmem_shared>>
    tpu.wait_dma2 semaphore(%arg21 : memref<!tpu.dma_semaphore, #tpu.memory_space<semaphore_mem>>) src(%arg6 : memref<40x128xf32, #tpu.memory_space<vmem>>) dst(%dma_wait3A_225 : memref<40x128xf32, #tpu.memory_space<vmem_shared>>)
    %add3A_226 = arith.constant 600 : i32
    %add3A_227 = arith.addi %mul3A_4, %add3A_226 : i32
    %dma_wait3A_228 = arith.constant 0 : i32
    %dma_wait3A_229 = tpu.memref_slice %arg31[%add3A_227, %dma_wait3A_228] : memref<10000x128xf32, #tpu.memory_space<vmem_shared>> -> memref<40x128xf32, #tpu.memory_space<vmem_shared>>
    %dma_wait3A_230 = arith.constant 0 : i32
    %dma_wait3A_231 = tpu.memref_slice %arg31[%add3A_227, %dma_wait3A_230] : memref<10000x128xf32, #tpu.memory_space<vmem_shared>> -> memref<40x128xf32, #tpu.memory_space<vmem_shared>>
    tpu.wait_dma2 semaphore(%arg21 : memref<!tpu.dma_semaphore, #tpu.memory_space<semaphore_mem>>) src(%arg6 : memref<40x128xf32, #tpu.memory_space<vmem>>) dst(%dma_wait3A_231 : memref<40x128xf32, #tpu.memory_space<vmem_shared>>)
    %dma_wait3A_232 = tpu.memref_slice %arg2[%mul3A_2] : memref<640000xi32, #tpu.memory_space<hbm>> -> memref<10000xi32, #tpu.memory_space<hbm>>
    %dma_wait3A_233 = tpu.memref_slice %arg2[%mul3A_2] : memref<640000xi32, #tpu.memory_space<hbm>> -> memref<10000xi32, #tpu.memory_space<hbm>>
    tpu.wait_dma2 semaphore(%arg16 : memref<!tpu.dma_semaphore, #tpu.memory_space<semaphore_mem>>) src(%dma_wait3A_233 : memref<10000xi32, #tpu.memory_space<hbm>>) dst(%arg5 : memref<10000xi32, #tpu.memory_space<vmem>>)
    %barrier3A = arith.constant 0 : index
    tpu.barrier barrier_id(%barrier3A)
    %dma_start3A_234 = arith.constant 0 : i32
    %dma_start3A_235 = tpu.memref_slice %arg5[%dma_start3A_234] : memref<10000xi32, #tpu.memory_space<vmem>> -> memref<40xi32, #tpu.memory_space<vmem>>
    %dma_start3A_236 = arith.constant 0 : i32
    %dma_start3A_237 = arith.constant 0 : i32
    %dma_start3A_238 = tpu.memref_slice %arg3[%dma_start3A_236, %dma_start3A_237] : memref<10000x128xf32, #tpu.memory_space<hbm>> -> memref<10000x128xf32, #tpu.memory_space<hbm>>
    tpu.enqueue_indirect_dma source(%dma_start3A_238 : memref<10000x128xf32, #tpu.memory_space<hbm>>) target(%arg6 : memref<40x128xf32, #tpu.memory_space<vmem>>) offsets(%dma_start3A_235 : memref<40xi32, #tpu.memory_space<vmem>>) semaphore(%arg16 : memref<!tpu.dma_semaphore, #tpu.memory_space<semaphore_mem>>)
    %dma_start3A_239 = arith.constant 40 : i32
    %dma_start3A_240 = tpu.memref_slice %arg5[%dma_start3A_239] : memref<10000xi32, #tpu.memory_space<vmem>> -> memref<40xi32, #tpu.memory_space<vmem>>
    %dma_start3A_241 = arith.constant 0 : i32
    %dma_start3A_242 = arith.constant 0 : i32
    %dma_start3A_243 = tpu.memref_slice %arg3[%dma_start3A_241, %dma_start3A_242] : memref<10000x128xf32, #tpu.memory_space<hbm>> -> memref<10000x128xf32, #tpu.memory_space<hbm>>
    tpu.enqueue_indirect_dma source(%dma_start3A_243 : memref<10000x128xf32, #tpu.memory_space<hbm>>) target(%arg7 : memref<40x128xf32, #tpu.memory_space<vmem>>) offsets(%dma_start3A_240 : memref<40xi32, #tpu.memory_space<vmem>>) semaphore(%arg17 : memref<!tpu.dma_semaphore, #tpu.memory_space<semaphore_mem>>)
    %dma_start3A_244 = arith.constant 80 : i32
    %dma_start3A_245 = tpu.memref_slice %arg5[%dma_start3A_244] : memref<10000xi32, #tpu.memory_space<vmem>> -> memref<40xi32, #tpu.memory_space<vmem>>
    %dma_start3A_246 = arith.constant 0 : i32
    %dma_start3A_247 = arith.constant 0 : i32
    %dma_start3A_248 = tpu.memref_slice %arg3[%dma_start3A_246, %dma_start3A_247] : memref<10000x128xf32, #tpu.memory_space<hbm>> -> memref<10000x128xf32, #tpu.memory_space<hbm>>
    tpu.enqueue_indirect_dma source(%dma_start3A_248 : memref<10000x128xf32, #tpu.memory_space<hbm>>) target(%arg8 : memref<40x128xf32, #tpu.memory_space<vmem>>) offsets(%dma_start3A_245 : memref<40xi32, #tpu.memory_space<vmem>>) semaphore(%arg18 : memref<!tpu.dma_semaphore, #tpu.memory_space<semaphore_mem>>)
    %dma_start3A_249 = arith.constant 120 : i32
    %dma_start3A_250 = tpu.memref_slice %arg5[%dma_start3A_249] : memref<10000xi32, #tpu.memory_space<vmem>> -> memref<40xi32, #tpu.memory_space<vmem>>
    %dma_start3A_251 = arith.constant 0 : i32
    %dma_start3A_252 = arith.constant 0 : i32
    %dma_start3A_253 = tpu.memref_slice %arg3[%dma_start3A_251, %dma_start3A_252] : memref<10000x128xf32, #tpu.memory_space<hbm>> -> memref<10000x128xf32, #tpu.memory_space<hbm>>
    tpu.enqueue_indirect_dma source(%dma_start3A_253 : memref<10000x128xf32, #tpu.memory_space<hbm>>) target(%arg9 : memref<40x128xf32, #tpu.memory_space<vmem>>) offsets(%dma_start3A_250 : memref<40xi32, #tpu.memory_space<vmem>>) semaphore(%arg19 : memref<!tpu.dma_semaphore, #tpu.memory_space<semaphore_mem>>)
    %dma_start3A_254 = arith.constant 160 : i32
    %dma_start3A_255 = tpu.memref_slice %arg5[%dma_start3A_254] : memref<10000xi32, #tpu.memory_space<vmem>> -> memref<40xi32, #tpu.memory_space<vmem>>
    %dma_start3A_256 = arith.constant 0 : i32
    %dma_start3A_257 = arith.constant 0 : i32
    %dma_start3A_258 = tpu.memref_slice %arg3[%dma_start3A_256, %dma_start3A_257] : memref<10000x128xf32, #tpu.memory_space<hbm>> -> memref<10000x128xf32, #tpu.memory_space<hbm>>
    tpu.enqueue_indirect_dma source(%dma_start3A_258 : memref<10000x128xf32, #tpu.memory_space<hbm>>) target(%arg10 : memref<40x128xf32, #tpu.memory_space<vmem>>) offsets(%dma_start3A_255 : memref<40xi32, #tpu.memory_space<vmem>>) semaphore(%arg20 : memref<!tpu.dma_semaphore, #tpu.memory_space<semaphore_mem>>)
    %scan3A_259 = arith.constant 0 : i32
    %scan3A_260 = arith.constant 49 : i32
    %scan3A_261 = arith.addi %scan3A_259, %scan3A_260 : i32
    %scan3A_262 = arith.constant 1 : i32
    scf.for %scan3A_340 = %scan3A_259 to %scan3A_261 step %scan3A_262  : i32 {
      %mul3A_341 = arith.constant 5 : i32
      %mul3A_342 = arith.muli %scan3A_340, %mul3A_341 : i32
      %dma_wait3A_343 = arith.constant 0 : i32
      %dma_wait3A_344 = tpu.memref_slice %arg5[%dma_wait3A_343] : memref<10000xi32, #tpu.memory_space<vmem>> -> memref<40xi32, #tpu.memory_space<vmem>>
      %dma_wait3A_345 = arith.constant 0 : i32
      %dma_wait3A_346 = arith.constant 0 : i32
      %dma_wait3A_347 = tpu.memref_slice %arg3[%dma_wait3A_345, %dma_wait3A_346] : memref<10000x128xf32, #tpu.memory_space<hbm>> -> memref<10000x128xf32, #tpu.memory_space<hbm>>
      tpu.wait_indirect_dma semaphore(%arg16 : memref<!tpu.dma_semaphore, #tpu.memory_space<semaphore_mem>>) src(%dma_wait3A_347 : memref<10000x128xf32, #tpu.memory_space<hbm>>) dst(%arg6 : memref<40x128xf32, #tpu.memory_space<vmem>>)
      %add3A_348 = arith.constant 320000 : i32
      %add3A_349 = arith.addi %add3A_348, %mul3A_2 : i32
      %dma_wait3A_350 = tpu.memref_slice %arg2[%add3A_349] : memref<640000xi32, #tpu.memory_space<hbm>> -> memref<40xi32, #tpu.memory_space<hbm>>
      %dma_wait3A_351 = tpu.memref_slice %arg2[%add3A_349] : memref<640000xi32, #tpu.memory_space<hbm>> -> memref<40xi32, #tpu.memory_space<hbm>>
      tpu.wait_dma2 semaphore(%arg26 : memref<!tpu.dma_semaphore, #tpu.memory_space<semaphore_mem>>) src(%dma_wait3A_351 : memref<40xi32, #tpu.memory_space<hbm>>) dst(%arg11 : memref<40xi32, #tpu.memory_space<vmem>>)
      %dma_start3A_352 = arith.constant 0 : i32
      %dma_start3A_353 = arith.constant 0 : i32
      %dma_start3A_354 = tpu.memref_slice %arg31[%dma_start3A_352, %dma_start3A_353] : memref<10000x128xf32, #tpu.memory_space<vmem_shared>> -> memref<10000x128xf32, #tpu.memory_space<vmem_shared>>
      tpu.enqueue_indirect_dma source(%arg6 : memref<40x128xf32, #tpu.memory_space<vmem>>) target(%dma_start3A_354 : memref<10000x128xf32, #tpu.memory_space<vmem_shared>>) offsets(%arg11 : memref<40xi32, #tpu.memory_space<vmem>>) semaphore(%arg21 : memref<!tpu.dma_semaphore, #tpu.memory_space<semaphore_mem>>) {add = true}
      %dma_wait3A_355 = arith.constant 0 : i32
      %dma_wait3A_356 = tpu.memref_slice %arg5[%dma_wait3A_355] : memref<10000xi32, #tpu.memory_space<vmem>> -> memref<40xi32, #tpu.memory_space<vmem>>
      %dma_wait3A_357 = arith.constant 0 : i32
      %dma_wait3A_358 = arith.constant 0 : i32
      %dma_wait3A_359 = tpu.memref_slice %arg3[%dma_wait3A_357, %dma_wait3A_358] : memref<10000x128xf32, #tpu.memory_space<hbm>> -> memref<10000x128xf32, #tpu.memory_space<hbm>>
      tpu.wait_indirect_dma semaphore(%arg17 : memref<!tpu.dma_semaphore, #tpu.memory_space<semaphore_mem>>) src(%dma_wait3A_359 : memref<10000x128xf32, #tpu.memory_space<hbm>>) dst(%arg7 : memref<40x128xf32, #tpu.memory_space<vmem>>)
      %add3A_360 = arith.constant 320000 : i32
      %add3A_361 = arith.addi %add3A_360, %mul3A_2 : i32
      %dma_wait3A_362 = tpu.memref_slice %arg2[%add3A_361] : memref<640000xi32, #tpu.memory_space<hbm>> -> memref<40xi32, #tpu.memory_space<hbm>>
      %dma_wait3A_363 = tpu.memref_slice %arg2[%add3A_361] : memref<640000xi32, #tpu.memory_space<hbm>> -> memref<40xi32, #tpu.memory_space<hbm>>
      tpu.wait_dma2 semaphore(%arg27 : memref<!tpu.dma_semaphore, #tpu.memory_space<semaphore_mem>>) src(%dma_wait3A_363 : memref<40xi32, #tpu.memory_space<hbm>>) dst(%arg12 : memref<40xi32, #tpu.memory_space<vmem>>)
      %dma_start3A_364 = arith.constant 0 : i32
      %dma_start3A_365 = arith.constant 0 : i32
      %dma_start3A_366 = tpu.memref_slice %arg31[%dma_start3A_364, %dma_start3A_365] : memref<10000x128xf32, #tpu.memory_space<vmem_shared>> -> memref<10000x128xf32, #tpu.memory_space<vmem_shared>>
      tpu.enqueue_indirect_dma source(%arg7 : memref<40x128xf32, #tpu.memory_space<vmem>>) target(%dma_start3A_366 : memref<10000x128xf32, #tpu.memory_space<vmem_shared>>) offsets(%arg12 : memref<40xi32, #tpu.memory_space<vmem>>) semaphore(%arg22 : memref<!tpu.dma_semaphore, #tpu.memory_space<semaphore_mem>>) {add = true}
      %dma_wait3A_367 = arith.constant 0 : i32
      %dma_wait3A_368 = tpu.memref_slice %arg5[%dma_wait3A_367] : memref<10000xi32, #tpu.memory_space<vmem>> -> memref<40xi32, #tpu.memory_space<vmem>>
      %dma_wait3A_369 = arith.constant 0 : i32
      %dma_wait3A_370 = arith.constant 0 : i32
      %dma_wait3A_371 = tpu.memref_slice %arg3[%dma_wait3A_369, %dma_wait3A_370] : memref<10000x128xf32, #tpu.memory_space<hbm>> -> memref<10000x128xf32, #tpu.memory_space<hbm>>
      tpu.wait_indirect_dma semaphore(%arg18 : memref<!tpu.dma_semaphore, #tpu.memory_space<semaphore_mem>>) src(%dma_wait3A_371 : memref<10000x128xf32, #tpu.memory_space<hbm>>) dst(%arg8 : memref<40x128xf32, #tpu.memory_space<vmem>>)
      %add3A_372 = arith.constant 320000 : i32
      %add3A_373 = arith.addi %add3A_372, %mul3A_2 : i32
      %dma_wait3A_374 = tpu.memref_slice %arg2[%add3A_373] : memref<640000xi32, #tpu.memory_space<hbm>> -> memref<40xi32, #tpu.memory_space<hbm>>
      %dma_wait3A_375 = tpu.memref_slice %arg2[%add3A_373] : memref<640000xi32, #tpu.memory_space<hbm>> -> memref<40xi32, #tpu.memory_space<hbm>>
      tpu.wait_dma2 semaphore(%arg28 : memref<!tpu.dma_semaphore, #tpu.memory_space<semaphore_mem>>) src(%dma_wait3A_375 : memref<40xi32, #tpu.memory_space<hbm>>) dst(%arg13 : memref<40xi32, #tpu.memory_space<vmem>>)
      %dma_start3A_376 = arith.constant 0 : i32
      %dma_start3A_377 = arith.constant 0 : i32
      %dma_start3A_378 = tpu.memref_slice %arg31[%dma_start3A_376, %dma_start3A_377] : memref<10000x128xf32, #tpu.memory_space<vmem_shared>> -> memref<10000x128xf32, #tpu.memory_space<vmem_shared>>
      tpu.enqueue_indirect_dma source(%arg8 : memref<40x128xf32, #tpu.memory_space<vmem>>) target(%dma_start3A_378 : memref<10000x128xf32, #tpu.memory_space<vmem_shared>>) offsets(%arg13 : memref<40xi32, #tpu.memory_space<vmem>>) semaphore(%arg23 : memref<!tpu.dma_semaphore, #tpu.memory_space<semaphore_mem>>) {add = true}
      %dma_wait3A_379 = arith.constant 0 : i32
      %dma_wait3A_380 = tpu.memref_slice %arg5[%dma_wait3A_379] : memref<10000xi32, #tpu.memory_space<vmem>> -> memref<40xi32, #tpu.memory_space<vmem>>
      %dma_wait3A_381 = arith.constant 0 : i32
      %dma_wait3A_382 = arith.constant 0 : i32
      %dma_wait3A_383 = tpu.memref_slice %arg3[%dma_wait3A_381, %dma_wait3A_382] : memref<10000x128xf32, #tpu.memory_space<hbm>> -> memref<10000x128xf32, #tpu.memory_space<hbm>>
      tpu.wait_indirect_dma semaphore(%arg19 : memref<!tpu.dma_semaphore, #tpu.memory_space<semaphore_mem>>) src(%dma_wait3A_383 : memref<10000x128xf32, #tpu.memory_space<hbm>>) dst(%arg9 : memref<40x128xf32, #tpu.memory_space<vmem>>)
      %add3A_384 = arith.constant 320000 : i32
      %add3A_385 = arith.addi %add3A_384, %mul3A_2 : i32
      %dma_wait3A_386 = tpu.memref_slice %arg2[%add3A_385] : memref<640000xi32, #tpu.memory_space<hbm>> -> memref<40xi32, #tpu.memory_space<hbm>>
      %dma_wait3A_387 = tpu.memref_slice %arg2[%add3A_385] : memref<640000xi32, #tpu.memory_space<hbm>> -> memref<40xi32, #tpu.memory_space<hbm>>
      tpu.wait_dma2 semaphore(%arg29 : memref<!tpu.dma_semaphore, #tpu.memory_space<semaphore_mem>>) src(%dma_wait3A_387 : memref<40xi32, #tpu.memory_space<hbm>>) dst(%arg14 : memref<40xi32, #tpu.memory_space<vmem>>)
      %dma_start3A_388 = arith.constant 0 : i32
      %dma_start3A_389 = arith.constant 0 : i32
      %dma_start3A_390 = tpu.memref_slice %arg31[%dma_start3A_388, %dma_start3A_389] : memref<10000x128xf32, #tpu.memory_space<vmem_shared>> -> memref<10000x128xf32, #tpu.memory_space<vmem_shared>>
      tpu.enqueue_indirect_dma source(%arg9 : memref<40x128xf32, #tpu.memory_space<vmem>>) target(%dma_start3A_390 : memref<10000x128xf32, #tpu.memory_space<vmem_shared>>) offsets(%arg14 : memref<40xi32, #tpu.memory_space<vmem>>) semaphore(%arg24 : memref<!tpu.dma_semaphore, #tpu.memory_space<semaphore_mem>>) {add = true}
      %dma_wait3A_391 = arith.constant 0 : i32
      %dma_wait3A_392 = tpu.memref_slice %arg5[%dma_wait3A_391] : memref<10000xi32, #tpu.memory_space<vmem>> -> memref<40xi32, #tpu.memory_space<vmem>>
      %dma_wait3A_393 = arith.constant 0 : i32
      %dma_wait3A_394 = arith.constant 0 : i32
      %dma_wait3A_395 = tpu.memref_slice %arg3[%dma_wait3A_393, %dma_wait3A_394] : memref<10000x128xf32, #tpu.memory_space<hbm>> -> memref<10000x128xf32, #tpu.memory_space<hbm>>
      tpu.wait_indirect_dma semaphore(%arg20 : memref<!tpu.dma_semaphore, #tpu.memory_space<semaphore_mem>>) src(%dma_wait3A_395 : memref<10000x128xf32, #tpu.memory_space<hbm>>) dst(%arg10 : memref<40x128xf32, #tpu.memory_space<vmem>>)
      %add3A_396 = arith.constant 320000 : i32
      %add3A_397 = arith.addi %add3A_396, %mul3A_2 : i32
      %dma_wait3A_398 = tpu.memref_slice %arg2[%add3A_397] : memref<640000xi32, #tpu.memory_space<hbm>> -> memref<40xi32, #tpu.memory_space<hbm>>
      %dma_wait3A_399 = tpu.memref_slice %arg2[%add3A_397] : memref<640000xi32, #tpu.memory_space<hbm>> -> memref<40xi32, #tpu.memory_space<hbm>>
      tpu.wait_dma2 semaphore(%arg30 : memref<!tpu.dma_semaphore, #tpu.memory_space<semaphore_mem>>) src(%dma_wait3A_399 : memref<40xi32, #tpu.memory_space<hbm>>) dst(%arg15 : memref<40xi32, #tpu.memory_space<vmem>>)
      %dma_start3A_400 = arith.constant 0 : i32
      %dma_start3A_401 = arith.constant 0 : i32
      %dma_start3A_402 = tpu.memref_slice %arg31[%dma_start3A_400, %dma_start3A_401] : memref<10000x128xf32, #tpu.memory_space<vmem_shared>> -> memref<10000x128xf32, #tpu.memory_space<vmem_shared>>
      tpu.enqueue_indirect_dma source(%arg10 : memref<40x128xf32, #tpu.memory_space<vmem>>) target(%dma_start3A_402 : memref<10000x128xf32, #tpu.memory_space<vmem_shared>>) offsets(%arg15 : memref<40xi32, #tpu.memory_space<vmem>>) semaphore(%arg25 : memref<!tpu.dma_semaphore, #tpu.memory_space<semaphore_mem>>) {add = true}
      %dma_wait3A_403 = arith.constant 0 : i32
      %dma_wait3A_404 = arith.constant 0 : i32
      %dma_wait3A_405 = tpu.memref_slice %arg31[%dma_wait3A_403, %dma_wait3A_404] : memref<10000x128xf32, #tpu.memory_space<vmem_shared>> -> memref<10000x128xf32, #tpu.memory_space<vmem_shared>>
      tpu.wait_indirect_dma semaphore(%arg21 : memref<!tpu.dma_semaphore, #tpu.memory_space<semaphore_mem>>) src(%arg6 : memref<40x128xf32, #tpu.memory_space<vmem>>) dst(%dma_wait3A_405 : memref<10000x128xf32, #tpu.memory_space<vmem_shared>>)
      %add3A_406 = arith.constant 5 : i32
      %add3A_407 = arith.addi %mul3A_342, %add3A_406 : i32
      %add3A_408 = arith.constant 0 : i32
      %add3A_409 = arith.addi %add3A_407, %add3A_408 : i32
      %add3A_410 = arith.constant 320000 : i32
      %add3A_411 = arith.addi %add3A_410, %mul3A_2 : i32
      %mul3A_412 = arith.constant 40 : i32
      %mul3A_413 = arith.muli %add3A_409, %mul3A_412 : i32
      %add3A_414 = arith.addi %add3A_411, %mul3A_413 : i32
      %dma_start3A_415 = tpu.memref_slice %arg2[%add3A_414] : memref<640000xi32, #tpu.memory_space<hbm>> -> memref<40xi32, #tpu.memory_space<hbm>>
      %dma_start3A_416 = tpu.memref_slice %arg2[%add3A_414] : memref<640000xi32, #tpu.memory_space<hbm>> -> memref<40xi32, #tpu.memory_space<hbm>>
      tpu.enqueue_dma source(%dma_start3A_416 : memref<40xi32, #tpu.memory_space<hbm>>) target(%arg11 : memref<40xi32, #tpu.memory_space<vmem>>) target_semaphore(%arg26 : memref<!tpu.dma_semaphore, #tpu.memory_space<semaphore_mem>>)
      %add3A_417 = arith.constant 5 : i32
      %add3A_418 = arith.addi %mul3A_342, %add3A_417 : i32
      %add3A_419 = arith.constant 0 : i32
      %add3A_420 = arith.addi %add3A_418, %add3A_419 : i32
      %mul3A_421 = arith.constant 40 : i32
      %mul3A_422 = arith.muli %add3A_420, %mul3A_421 : i32
      %dma_start3A_423 = tpu.memref_slice %arg5[%mul3A_422] : memref<10000xi32, #tpu.memory_space<vmem>> -> memref<40xi32, #tpu.memory_space<vmem>>
      %dma_start3A_424 = arith.constant 0 : i32
      %dma_start3A_425 = arith.constant 0 : i32
      %dma_start3A_426 = tpu.memref_slice %arg3[%dma_start3A_424, %dma_start3A_425] : memref<10000x128xf32, #tpu.memory_space<hbm>> -> memref<10000x128xf32, #tpu.memory_space<hbm>>
      tpu.enqueue_indirect_dma source(%dma_start3A_426 : memref<10000x128xf32, #tpu.memory_space<hbm>>) target(%arg6 : memref<40x128xf32, #tpu.memory_space<vmem>>) offsets(%dma_start3A_423 : memref<40xi32, #tpu.memory_space<vmem>>) semaphore(%arg16 : memref<!tpu.dma_semaphore, #tpu.memory_space<semaphore_mem>>)
      %dma_wait3A_427 = arith.constant 0 : i32
      %dma_wait3A_428 = arith.constant 0 : i32
      %dma_wait3A_429 = tpu.memref_slice %arg31[%dma_wait3A_427, %dma_wait3A_428] : memref<10000x128xf32, #tpu.memory_space<vmem_shared>> -> memref<10000x128xf32, #tpu.memory_space<vmem_shared>>
      tpu.wait_indirect_dma semaphore(%arg22 : memref<!tpu.dma_semaphore, #tpu.memory_space<semaphore_mem>>) src(%arg7 : memref<40x128xf32, #tpu.memory_space<vmem>>) dst(%dma_wait3A_429 : memref<10000x128xf32, #tpu.memory_space<vmem_shared>>)
      %add3A_430 = arith.constant 5 : i32
      %add3A_431 = arith.addi %mul3A_342, %add3A_430 : i32
      %add3A_432 = arith.constant 1 : i32
      %add3A_433 = arith.addi %add3A_431, %add3A_432 : i32
      %add3A_434 = arith.constant 320000 : i32
      %add3A_435 = arith.addi %add3A_434, %mul3A_2 : i32
      %mul3A_436 = arith.constant 40 : i32
      %mul3A_437 = arith.muli %add3A_433, %mul3A_436 : i32
      %add3A_438 = arith.addi %add3A_435, %mul3A_437 : i32
      %dma_start3A_439 = tpu.memref_slice %arg2[%add3A_438] : memref<640000xi32, #tpu.memory_space<hbm>> -> memref<40xi32, #tpu.memory_space<hbm>>
      %dma_start3A_440 = tpu.memref_slice %arg2[%add3A_438] : memref<640000xi32, #tpu.memory_space<hbm>> -> memref<40xi32, #tpu.memory_space<hbm>>
      tpu.enqueue_dma source(%dma_start3A_440 : memref<40xi32, #tpu.memory_space<hbm>>) target(%arg12 : memref<40xi32, #tpu.memory_space<vmem>>) target_semaphore(%arg27 : memref<!tpu.dma_semaphore, #tpu.memory_space<semaphore_mem>>)
      %add3A_441 = arith.constant 5 : i32
      %add3A_442 = arith.addi %mul3A_342, %add3A_441 : i32
      %add3A_443 = arith.constant 1 : i32
      %add3A_444 = arith.addi %add3A_442, %add3A_443 : i32
      %mul3A_445 = arith.constant 40 : i32
      %mul3A_446 = arith.muli %add3A_444, %mul3A_445 : i32
      %dma_start3A_447 = tpu.memref_slice %arg5[%mul3A_446] : memref<10000xi32, #tpu.memory_space<vmem>> -> memref<40xi32, #tpu.memory_space<vmem>>
      %dma_start3A_448 = arith.constant 0 : i32
      %dma_start3A_449 = arith.constant 0 : i32
      %dma_start3A_450 = tpu.memref_slice %arg3[%dma_start3A_448, %dma_start3A_449] : memref<10000x128xf32, #tpu.memory_space<hbm>> -> memref<10000x128xf32, #tpu.memory_space<hbm>>
      tpu.enqueue_indirect_dma source(%dma_start3A_450 : memref<10000x128xf32, #tpu.memory_space<hbm>>) target(%arg7 : memref<40x128xf32, #tpu.memory_space<vmem>>) offsets(%dma_start3A_447 : memref<40xi32, #tpu.memory_space<vmem>>) semaphore(%arg17 : memref<!tpu.dma_semaphore, #tpu.memory_space<semaphore_mem>>)
      %dma_wait3A_451 = arith.constant 0 : i32
      %dma_wait3A_452 = arith.constant 0 : i32
      %dma_wait3A_453 = tpu.memref_slice %arg31[%dma_wait3A_451, %dma_wait3A_452] : memref<10000x128xf32, #tpu.memory_space<vmem_shared>> -> memref<10000x128xf32, #tpu.memory_space<vmem_shared>>
      tpu.wait_indirect_dma semaphore(%arg23 : memref<!tpu.dma_semaphore, #tpu.memory_space<semaphore_mem>>) src(%arg8 : memref<40x128xf32, #tpu.memory_space<vmem>>) dst(%dma_wait3A_453 : memref<10000x128xf32, #tpu.memory_space<vmem_shared>>)
      %add3A_454 = arith.constant 5 : i32
      %add3A_455 = arith.addi %mul3A_342, %add3A_454 : i32
      %add3A_456 = arith.constant 2 : i32
      %add3A_457 = arith.addi %add3A_455, %add3A_456 : i32
      %add3A_458 = arith.constant 320000 : i32
      %add3A_459 = arith.addi %add3A_458, %mul3A_2 : i32
      %mul3A_460 = arith.constant 40 : i32
      %mul3A_461 = arith.muli %add3A_457, %mul3A_460 : i32
      %add3A_462 = arith.addi %add3A_459, %mul3A_461 : i32
      %dma_start3A_463 = tpu.memref_slice %arg2[%add3A_462] : memref<640000xi32, #tpu.memory_space<hbm>> -> memref<40xi32, #tpu.memory_space<hbm>>
      %dma_start3A_464 = tpu.memref_slice %arg2[%add3A_462] : memref<640000xi32, #tpu.memory_space<hbm>> -> memref<40xi32, #tpu.memory_space<hbm>>
      tpu.enqueue_dma source(%dma_start3A_464 : memref<40xi32, #tpu.memory_space<hbm>>) target(%arg13 : memref<40xi32, #tpu.memory_space<vmem>>) target_semaphore(%arg28 : memref<!tpu.dma_semaphore, #tpu.memory_space<semaphore_mem>>)
      %add3A_465 = arith.constant 5 : i32
      %add3A_466 = arith.addi %mul3A_342, %add3A_465 : i32
      %add3A_467 = arith.constant 2 : i32
      %add3A_468 = arith.addi %add3A_466, %add3A_467 : i32
      %mul3A_469 = arith.constant 40 : i32
      %mul3A_470 = arith.muli %add3A_468, %mul3A_469 : i32
      %dma_start3A_471 = tpu.memref_slice %arg5[%mul3A_470] : memref<10000xi32, #tpu.memory_space<vmem>> -> memref<40xi32, #tpu.memory_space<vmem>>
      %dma_start3A_472 = arith.constant 0 : i32
      %dma_start3A_473 = arith.constant 0 : i32
      %dma_start3A_474 = tpu.memref_slice %arg3[%dma_start3A_472, %dma_start3A_473] : memref<10000x128xf32, #tpu.memory_space<hbm>> -> memref<10000x128xf32, #tpu.memory_space<hbm>>
      tpu.enqueue_indirect_dma source(%dma_start3A_474 : memref<10000x128xf32, #tpu.memory_space<hbm>>) target(%arg8 : memref<40x128xf32, #tpu.memory_space<vmem>>) offsets(%dma_start3A_471 : memref<40xi32, #tpu.memory_space<vmem>>) semaphore(%arg18 : memref<!tpu.dma_semaphore, #tpu.memory_space<semaphore_mem>>)
      %dma_wait3A_475 = arith.constant 0 : i32
      %dma_wait3A_476 = arith.constant 0 : i32
      %dma_wait3A_477 = tpu.memref_slice %arg31[%dma_wait3A_475, %dma_wait3A_476] : memref<10000x128xf32, #tpu.memory_space<vmem_shared>> -> memref<10000x128xf32, #tpu.memory_space<vmem_shared>>
      tpu.wait_indirect_dma semaphore(%arg24 : memref<!tpu.dma_semaphore, #tpu.memory_space<semaphore_mem>>) src(%arg9 : memref<40x128xf32, #tpu.memory_space<vmem>>) dst(%dma_wait3A_477 : memref<10000x128xf32, #tpu.memory_space<vmem_shared>>)
      %add3A_478 = arith.constant 5 : i32
      %add3A_479 = arith.addi %mul3A_342, %add3A_478 : i32
      %add3A_480 = arith.constant 3 : i32
      %add3A_481 = arith.addi %add3A_479, %add3A_480 : i32
      %add3A_482 = arith.constant 320000 : i32
      %add3A_483 = arith.addi %add3A_482, %mul3A_2 : i32
      %mul3A_484 = arith.constant 40 : i32
      %mul3A_485 = arith.muli %add3A_481, %mul3A_484 : i32
      %add3A_486 = arith.addi %add3A_483, %mul3A_485 : i32
      %dma_start3A_487 = tpu.memref_slice %arg2[%add3A_486] : memref<640000xi32, #tpu.memory_space<hbm>> -> memref<40xi32, #tpu.memory_space<hbm>>
      %dma_start3A_488 = tpu.memref_slice %arg2[%add3A_486] : memref<640000xi32, #tpu.memory_space<hbm>> -> memref<40xi32, #tpu.memory_space<hbm>>
      tpu.enqueue_dma source(%dma_start3A_488 : memref<40xi32, #tpu.memory_space<hbm>>) target(%arg14 : memref<40xi32, #tpu.memory_space<vmem>>) target_semaphore(%arg29 : memref<!tpu.dma_semaphore, #tpu.memory_space<semaphore_mem>>)
      %add3A_489 = arith.constant 5 : i32
      %add3A_490 = arith.addi %mul3A_342, %add3A_489 : i32
      %add3A_491 = arith.constant 3 : i32
      %add3A_492 = arith.addi %add3A_490, %add3A_491 : i32
      %mul3A_493 = arith.constant 40 : i32
      %mul3A_494 = arith.muli %add3A_492, %mul3A_493 : i32
      %dma_start3A_495 = tpu.memref_slice %arg5[%mul3A_494] : memref<10000xi32, #tpu.memory_space<vmem>> -> memref<40xi32, #tpu.memory_space<vmem>>
      %dma_start3A_496 = arith.constant 0 : i32
      %dma_start3A_497 = arith.constant 0 : i32
      %dma_start3A_498 = tpu.memref_slice %arg3[%dma_start3A_496, %dma_start3A_497] : memref<10000x128xf32, #tpu.memory_space<hbm>> -> memref<10000x128xf32, #tpu.memory_space<hbm>>
      tpu.enqueue_indirect_dma source(%dma_start3A_498 : memref<10000x128xf32, #tpu.memory_space<hbm>>) target(%arg9 : memref<40x128xf32, #tpu.memory_space<vmem>>) offsets(%dma_start3A_495 : memref<40xi32, #tpu.memory_space<vmem>>) semaphore(%arg19 : memref<!tpu.dma_semaphore, #tpu.memory_space<semaphore_mem>>)
      %dma_wait3A_499 = arith.constant 0 : i32
      %dma_wait3A_500 = arith.constant 0 : i32
      %dma_wait3A_501 = tpu.memref_slice %arg31[%dma_wait3A_499, %dma_wait3A_500] : memref<10000x128xf32, #tpu.memory_space<vmem_shared>> -> memref<10000x128xf32, #tpu.memory_space<vmem_shared>>
      tpu.wait_indirect_dma semaphore(%arg25 : memref<!tpu.dma_semaphore, #tpu.memory_space<semaphore_mem>>) src(%arg10 : memref<40x128xf32, #tpu.memory_space<vmem>>) dst(%dma_wait3A_501 : memref<10000x128xf32, #tpu.memory_space<vmem_shared>>)
      %add3A_502 = arith.constant 5 : i32
      %add3A_503 = arith.addi %mul3A_342, %add3A_502 : i32
      %add3A_504 = arith.constant 4 : i32
      %add3A_505 = arith.addi %add3A_503, %add3A_504 : i32
      %add3A_506 = arith.constant 320000 : i32
      %add3A_507 = arith.addi %add3A_506, %mul3A_2 : i32
      %mul3A_508 = arith.constant 40 : i32
      %mul3A_509 = arith.muli %add3A_505, %mul3A_508 : i32
      %add3A_510 = arith.addi %add3A_507, %mul3A_509 : i32
      %dma_start3A_511 = tpu.memref_slice %arg2[%add3A_510] : memref<640000xi32, #tpu.memory_space<hbm>> -> memref<40xi32, #tpu.memory_space<hbm>>
      %dma_start3A_512 = tpu.memref_slice %arg2[%add3A_510] : memref<640000xi32, #tpu.memory_space<hbm>> -> memref<40xi32, #tpu.memory_space<hbm>>
      tpu.enqueue_dma source(%dma_start3A_512 : memref<40xi32, #tpu.memory_space<hbm>>) target(%arg15 : memref<40xi32, #tpu.memory_space<vmem>>) target_semaphore(%arg30 : memref<!tpu.dma_semaphore, #tpu.memory_space<semaphore_mem>>)
      %add3A_513 = arith.constant 5 : i32
      %add3A_514 = arith.addi %mul3A_342, %add3A_513 : i32
      %add3A_515 = arith.constant 4 : i32
      %add3A_516 = arith.addi %add3A_514, %add3A_515 : i32
      %mul3A_517 = arith.constant 40 : i32
      %mul3A_518 = arith.muli %add3A_516, %mul3A_517 : i32
      %dma_start3A_519 = tpu.memref_slice %arg5[%mul3A_518] : memref<10000xi32, #tpu.memory_space<vmem>> -> memref<40xi32, #tpu.memory_space<vmem>>
      %dma_start3A_520 = arith.constant 0 : i32
      %dma_start3A_521 = arith.constant 0 : i32
      %dma_start3A_522 = tpu.memref_slice %arg3[%dma_start3A_520, %dma_start3A_521] : memref<10000x128xf32, #tpu.memory_space<hbm>> -> memref<10000x128xf32, #tpu.memory_space<hbm>>
      tpu.enqueue_indirect_dma source(%dma_start3A_522 : memref<10000x128xf32, #tpu.memory_space<hbm>>) target(%arg10 : memref<40x128xf32, #tpu.memory_space<vmem>>) offsets(%dma_start3A_519 : memref<40xi32, #tpu.memory_space<vmem>>) semaphore(%arg20 : memref<!tpu.dma_semaphore, #tpu.memory_space<semaphore_mem>>)
    }
    %scan3A_263 = arith.constant 49 : i32
    %dma_wait3A_264 = arith.constant 0 : i32
    %dma_wait3A_265 = tpu.memref_slice %arg5[%dma_wait3A_264] : memref<10000xi32, #tpu.memory_space<vmem>> -> memref<40xi32, #tpu.memory_space<vmem>>
    %dma_wait3A_266 = arith.constant 0 : i32
    %dma_wait3A_267 = arith.constant 0 : i32
    %dma_wait3A_268 = tpu.memref_slice %arg3[%dma_wait3A_266, %dma_wait3A_267] : memref<10000x128xf32, #tpu.memory_space<hbm>> -> memref<10000x128xf32, #tpu.memory_space<hbm>>
    tpu.wait_indirect_dma semaphore(%arg16 : memref<!tpu.dma_semaphore, #tpu.memory_space<semaphore_mem>>) src(%dma_wait3A_268 : memref<10000x128xf32, #tpu.memory_space<hbm>>) dst(%arg6 : memref<40x128xf32, #tpu.memory_space<vmem>>)
    %add3A_269 = arith.constant 320000 : i32
    %add3A_270 = arith.addi %add3A_269, %mul3A_2 : i32
    %dma_wait3A_271 = tpu.memref_slice %arg2[%add3A_270] : memref<640000xi32, #tpu.memory_space<hbm>> -> memref<40xi32, #tpu.memory_space<hbm>>
    %dma_wait3A_272 = tpu.memref_slice %arg2[%add3A_270] : memref<640000xi32, #tpu.memory_space<hbm>> -> memref<40xi32, #tpu.memory_space<hbm>>
    tpu.wait_dma2 semaphore(%arg26 : memref<!tpu.dma_semaphore, #tpu.memory_space<semaphore_mem>>) src(%dma_wait3A_272 : memref<40xi32, #tpu.memory_space<hbm>>) dst(%arg11 : memref<40xi32, #tpu.memory_space<vmem>>)
    %dma_start3A_273 = arith.constant 0 : i32
    %dma_start3A_274 = arith.constant 0 : i32
    %dma_start3A_275 = tpu.memref_slice %arg31[%dma_start3A_273, %dma_start3A_274] : memref<10000x128xf32, #tpu.memory_space<vmem_shared>> -> memref<10000x128xf32, #tpu.memory_space<vmem_shared>>
    tpu.enqueue_indirect_dma source(%arg6 : memref<40x128xf32, #tpu.memory_space<vmem>>) target(%dma_start3A_275 : memref<10000x128xf32, #tpu.memory_space<vmem_shared>>) offsets(%arg11 : memref<40xi32, #tpu.memory_space<vmem>>) semaphore(%arg21 : memref<!tpu.dma_semaphore, #tpu.memory_space<semaphore_mem>>) {add = true}
    %dma_wait3A_276 = arith.constant 0 : i32
    %dma_wait3A_277 = tpu.memref_slice %arg5[%dma_wait3A_276] : memref<10000xi32, #tpu.memory_space<vmem>> -> memref<40xi32, #tpu.memory_space<vmem>>
    %dma_wait3A_278 = arith.constant 0 : i32
    %dma_wait3A_279 = arith.constant 0 : i32
    %dma_wait3A_280 = tpu.memref_slice %arg3[%dma_wait3A_278, %dma_wait3A_279] : memref<10000x128xf32, #tpu.memory_space<hbm>> -> memref<10000x128xf32, #tpu.memory_space<hbm>>
    tpu.wait_indirect_dma semaphore(%arg17 : memref<!tpu.dma_semaphore, #tpu.memory_space<semaphore_mem>>) src(%dma_wait3A_280 : memref<10000x128xf32, #tpu.memory_space<hbm>>) dst(%arg7 : memref<40x128xf32, #tpu.memory_space<vmem>>)
    %add3A_281 = arith.constant 320000 : i32
    %add3A_282 = arith.addi %add3A_281, %mul3A_2 : i32
    %dma_wait3A_283 = tpu.memref_slice %arg2[%add3A_282] : memref<640000xi32, #tpu.memory_space<hbm>> -> memref<40xi32, #tpu.memory_space<hbm>>
    %dma_wait3A_284 = tpu.memref_slice %arg2[%add3A_282] : memref<640000xi32, #tpu.memory_space<hbm>> -> memref<40xi32, #tpu.memory_space<hbm>>
    tpu.wait_dma2 semaphore(%arg27 : memref<!tpu.dma_semaphore, #tpu.memory_space<semaphore_mem>>) src(%dma_wait3A_284 : memref<40xi32, #tpu.memory_space<hbm>>) dst(%arg12 : memref<40xi32, #tpu.memory_space<vmem>>)
    %dma_start3A_285 = arith.constant 0 : i32
    %dma_start3A_286 = arith.constant 0 : i32
    %dma_start3A_287 = tpu.memref_slice %arg31[%dma_start3A_285, %dma_start3A_286] : memref<10000x128xf32, #tpu.memory_space<vmem_shared>> -> memref<10000x128xf32, #tpu.memory_space<vmem_shared>>
    tpu.enqueue_indirect_dma source(%arg7 : memref<40x128xf32, #tpu.memory_space<vmem>>) target(%dma_start3A_287 : memref<10000x128xf32, #tpu.memory_space<vmem_shared>>) offsets(%arg12 : memref<40xi32, #tpu.memory_space<vmem>>) semaphore(%arg22 : memref<!tpu.dma_semaphore, #tpu.memory_space<semaphore_mem>>) {add = true}
    %dma_wait3A_288 = arith.constant 0 : i32
    %dma_wait3A_289 = tpu.memref_slice %arg5[%dma_wait3A_288] : memref<10000xi32, #tpu.memory_space<vmem>> -> memref<40xi32, #tpu.memory_space<vmem>>
    %dma_wait3A_290 = arith.constant 0 : i32
    %dma_wait3A_291 = arith.constant 0 : i32
    %dma_wait3A_292 = tpu.memref_slice %arg3[%dma_wait3A_290, %dma_wait3A_291] : memref<10000x128xf32, #tpu.memory_space<hbm>> -> memref<10000x128xf32, #tpu.memory_space<hbm>>
    tpu.wait_indirect_dma semaphore(%arg18 : memref<!tpu.dma_semaphore, #tpu.memory_space<semaphore_mem>>) src(%dma_wait3A_292 : memref<10000x128xf32, #tpu.memory_space<hbm>>) dst(%arg8 : memref<40x128xf32, #tpu.memory_space<vmem>>)
    %add3A_293 = arith.constant 320000 : i32
    %add3A_294 = arith.addi %add3A_293, %mul3A_2 : i32
    %dma_wait3A_295 = tpu.memref_slice %arg2[%add3A_294] : memref<640000xi32, #tpu.memory_space<hbm>> -> memref<40xi32, #tpu.memory_space<hbm>>
    %dma_wait3A_296 = tpu.memref_slice %arg2[%add3A_294] : memref<640000xi32, #tpu.memory_space<hbm>> -> memref<40xi32, #tpu.memory_space<hbm>>
    tpu.wait_dma2 semaphore(%arg28 : memref<!tpu.dma_semaphore, #tpu.memory_space<semaphore_mem>>) src(%dma_wait3A_296 : memref<40xi32, #tpu.memory_space<hbm>>) dst(%arg13 : memref<40xi32, #tpu.memory_space<vmem>>)
    %dma_start3A_297 = arith.constant 0 : i32
    %dma_start3A_298 = arith.constant 0 : i32
    %dma_start3A_299 = tpu.memref_slice %arg31[%dma_start3A_297, %dma_start3A_298] : memref<10000x128xf32, #tpu.memory_space<vmem_shared>> -> memref<10000x128xf32, #tpu.memory_space<vmem_shared>>
    tpu.enqueue_indirect_dma source(%arg8 : memref<40x128xf32, #tpu.memory_space<vmem>>) target(%dma_start3A_299 : memref<10000x128xf32, #tpu.memory_space<vmem_shared>>) offsets(%arg13 : memref<40xi32, #tpu.memory_space<vmem>>) semaphore(%arg23 : memref<!tpu.dma_semaphore, #tpu.memory_space<semaphore_mem>>) {add = true}
    %dma_wait3A_300 = arith.constant 0 : i32
    %dma_wait3A_301 = tpu.memref_slice %arg5[%dma_wait3A_300] : memref<10000xi32, #tpu.memory_space<vmem>> -> memref<40xi32, #tpu.memory_space<vmem>>
    %dma_wait3A_302 = arith.constant 0 : i32
    %dma_wait3A_303 = arith.constant 0 : i32
    %dma_wait3A_304 = tpu.memref_slice %arg3[%dma_wait3A_302, %dma_wait3A_303] : memref<10000x128xf32, #tpu.memory_space<hbm>> -> memref<10000x128xf32, #tpu.memory_space<hbm>>
    tpu.wait_indirect_dma semaphore(%arg19 : memref<!tpu.dma_semaphore, #tpu.memory_space<semaphore_mem>>) src(%dma_wait3A_304 : memref<10000x128xf32, #tpu.memory_space<hbm>>) dst(%arg9 : memref<40x128xf32, #tpu.memory_space<vmem>>)
    %add3A_305 = arith.constant 320000 : i32
    %add3A_306 = arith.addi %add3A_305, %mul3A_2 : i32
    %dma_wait3A_307 = tpu.memref_slice %arg2[%add3A_306] : memref<640000xi32, #tpu.memory_space<hbm>> -> memref<40xi32, #tpu.memory_space<hbm>>
    %dma_wait3A_308 = tpu.memref_slice %arg2[%add3A_306] : memref<640000xi32, #tpu.memory_space<hbm>> -> memref<40xi32, #tpu.memory_space<hbm>>
    tpu.wait_dma2 semaphore(%arg29 : memref<!tpu.dma_semaphore, #tpu.memory_space<semaphore_mem>>) src(%dma_wait3A_308 : memref<40xi32, #tpu.memory_space<hbm>>) dst(%arg14 : memref<40xi32, #tpu.memory_space<vmem>>)
    %dma_start3A_309 = arith.constant 0 : i32
    %dma_start3A_310 = arith.constant 0 : i32
    %dma_start3A_311 = tpu.memref_slice %arg31[%dma_start3A_309, %dma_start3A_310] : memref<10000x128xf32, #tpu.memory_space<vmem_shared>> -> memref<10000x128xf32, #tpu.memory_space<vmem_shared>>
    tpu.enqueue_indirect_dma source(%arg9 : memref<40x128xf32, #tpu.memory_space<vmem>>) target(%dma_start3A_311 : memref<10000x128xf32, #tpu.memory_space<vmem_shared>>) offsets(%arg14 : memref<40xi32, #tpu.memory_space<vmem>>) semaphore(%arg24 : memref<!tpu.dma_semaphore, #tpu.memory_space<semaphore_mem>>) {add = true}
    %dma_wait3A_312 = arith.constant 0 : i32
    %dma_wait3A_313 = tpu.memref_slice %arg5[%dma_wait3A_312] : memref<10000xi32, #tpu.memory_space<vmem>> -> memref<40xi32, #tpu.memory_space<vmem>>
    %dma_wait3A_314 = arith.constant 0 : i32
    %dma_wait3A_315 = arith.constant 0 : i32
    %dma_wait3A_316 = tpu.memref_slice %arg3[%dma_wait3A_314, %dma_wait3A_315] : memref<10000x128xf32, #tpu.memory_space<hbm>> -> memref<10000x128xf32, #tpu.memory_space<hbm>>
    tpu.wait_indirect_dma semaphore(%arg20 : memref<!tpu.dma_semaphore, #tpu.memory_space<semaphore_mem>>) src(%dma_wait3A_316 : memref<10000x128xf32, #tpu.memory_space<hbm>>) dst(%arg10 : memref<40x128xf32, #tpu.memory_space<vmem>>)
    %add3A_317 = arith.constant 320000 : i32
    %add3A_318 = arith.addi %add3A_317, %mul3A_2 : i32
    %dma_wait3A_319 = tpu.memref_slice %arg2[%add3A_318] : memref<640000xi32, #tpu.memory_space<hbm>> -> memref<40xi32, #tpu.memory_space<hbm>>
    %dma_wait3A_320 = tpu.memref_slice %arg2[%add3A_318] : memref<640000xi32, #tpu.memory_space<hbm>> -> memref<40xi32, #tpu.memory_space<hbm>>
    tpu.wait_dma2 semaphore(%arg30 : memref<!tpu.dma_semaphore, #tpu.memory_space<semaphore_mem>>) src(%dma_wait3A_320 : memref<40xi32, #tpu.memory_space<hbm>>) dst(%arg15 : memref<40xi32, #tpu.memory_space<vmem>>)
    %dma_start3A_321 = arith.constant 0 : i32
    %dma_start3A_322 = arith.constant 0 : i32
    %dma_start3A_323 = tpu.memref_slice %arg31[%dma_start3A_321, %dma_start3A_322] : memref<10000x128xf32, #tpu.memory_space<vmem_shared>> -> memref<10000x128xf32, #tpu.memory_space<vmem_shared>>
    tpu.enqueue_indirect_dma source(%arg10 : memref<40x128xf32, #tpu.memory_space<vmem>>) target(%dma_start3A_323 : memref<10000x128xf32, #tpu.memory_space<vmem_shared>>) offsets(%arg15 : memref<40xi32, #tpu.memory_space<vmem>>) semaphore(%arg25 : memref<!tpu.dma_semaphore, #tpu.memory_space<semaphore_mem>>) {add = true}
    %dma_wait3A_324 = arith.constant 0 : i32
    %dma_wait3A_325 = arith.constant 0 : i32
    %dma_wait3A_326 = tpu.memref_slice %arg31[%dma_wait3A_324, %dma_wait3A_325] : memref<10000x128xf32, #tpu.memory_space<vmem_shared>> -> memref<10000x128xf32, #tpu.memory_space<vmem_shared>>
    tpu.wait_indirect_dma semaphore(%arg21 : memref<!tpu.dma_semaphore, #tpu.memory_space<semaphore_mem>>) src(%arg6 : memref<40x128xf32, #tpu.memory_space<vmem>>) dst(%dma_wait3A_326 : memref<10000x128xf32, #tpu.memory_space<vmem_shared>>)
    %dma_wait3A_327 = arith.constant 0 : i32
    %dma_wait3A_328 = arith.constant 0 : i32
    %dma_wait3A_329 = tpu.memref_slice %arg31[%dma_wait3A_327, %dma_wait3A_328] : memref<10000x128xf32, #tpu.memory_space<vmem_shared>> -> memref<10000x128xf32, #tpu.memory_space<vmem_shared>>
    tpu.wait_indirect_dma semaphore(%arg22 : memref<!tpu.dma_semaphore, #tpu.memory_space<semaphore_mem>>) src(%arg7 : memref<40x128xf32, #tpu.memory_space<vmem>>) dst(%dma_wait3A_329 : memref<10000x128xf32, #tpu.memory_space<vmem_shared>>)
    %dma_wait3A_330 = arith.constant 0 : i32
    %dma_wait3A_331 = arith.constant 0 : i32
    %dma_wait3A_332 = tpu.memref_slice %arg31[%dma_wait3A_330, %dma_wait3A_331] : memref<10000x128xf32, #tpu.memory_space<vmem_shared>> -> memref<10000x128xf32, #tpu.memory_space<vmem_shared>>
    tpu.wait_indirect_dma semaphore(%arg23 : memref<!tpu.dma_semaphore, #tpu.memory_space<semaphore_mem>>) src(%arg8 : memref<40x128xf32, #tpu.memory_space<vmem>>) dst(%dma_wait3A_332 : memref<10000x128xf32, #tpu.memory_space<vmem_shared>>)
    %dma_wait3A_333 = arith.constant 0 : i32
    %dma_wait3A_334 = arith.constant 0 : i32
    %dma_wait3A_335 = tpu.memref_slice %arg31[%dma_wait3A_333, %dma_wait3A_334] : memref<10000x128xf32, #tpu.memory_space<vmem_shared>> -> memref<10000x128xf32, #tpu.memory_space<vmem_shared>>
    tpu.wait_indirect_dma semaphore(%arg24 : memref<!tpu.dma_semaphore, #tpu.memory_space<semaphore_mem>>) src(%arg9 : memref<40x128xf32, #tpu.memory_space<vmem>>) dst(%dma_wait3A_335 : memref<10000x128xf32, #tpu.memory_space<vmem_shared>>)
    %dma_wait3A_336 = arith.constant 0 : i32
    %dma_wait3A_337 = arith.constant 0 : i32
    %dma_wait3A_338 = tpu.memref_slice %arg31[%dma_wait3A_336, %dma_wait3A_337] : memref<10000x128xf32, #tpu.memory_space<vmem_shared>> -> memref<10000x128xf32, #tpu.memory_space<vmem_shared>>
    tpu.wait_indirect_dma semaphore(%arg25 : memref<!tpu.dma_semaphore, #tpu.memory_space<semaphore_mem>>) src(%arg10 : memref<40x128xf32, #tpu.memory_space<vmem>>) dst(%dma_wait3A_338 : memref<10000x128xf32, #tpu.memory_space<vmem_shared>>)
    %barrier3A_339 = arith.constant 0 : index
    tpu.barrier barrier_id(%barrier3A_339)
    "tpu.region"() ({
      %run_scoped3A = tpu.sem_alloc : memref<!tpu.dma_semaphore, #tpu.memory_space<semaphore_mem>>
      %dma_start3A_340 = arith.constant 0 : i32
      %dma_start3A_341 = tpu.memref_slice %arg4[%arg0, %mul3A_4, %dma_start3A_340] : memref<2x10000x128xf32, #tpu.memory_space<hbm>> -> memref<1x640x128xf32, #tpu.memory_space<hbm>>
      %dma_start3A_342 = tpu.memref_squeeze %dma_start3A_341 : memref<1x640x128xf32, #tpu.memory_space<hbm>> -> memref<640x128xf32, #tpu.memory_space<hbm>>
      %dma_start3A_343 = arith.constant 0 : i32
      %dma_start3A_344 = tpu.memref_slice %arg31[%mul3A_4, %dma_start3A_343] : memref<10000x128xf32, #tpu.memory_space<vmem_shared>> -> memref<640x128xf32, #tpu.memory_space<vmem_shared>>
      tpu.enqueue_dma source(%dma_start3A_344 : memref<640x128xf32, #tpu.memory_space<vmem_shared>>) target(%dma_start3A_342 : memref<640x128xf32, #tpu.memory_space<hbm>>) target_semaphore(%run_scoped3A : memref<!tpu.dma_semaphore, #tpu.memory_space<semaphore_mem>>)
      %dma_wait3A_345 = arith.constant 0 : i32
      %dma_wait3A_346 = tpu.memref_slice %arg4[%arg0, %mul3A_4, %dma_wait3A_345] : memref<2x10000x128xf32, #tpu.memory_space<hbm>> -> memref<1x640x128xf32, #tpu.memory_space<hbm>>
      %dma_wait3A_347 = tpu.memref_squeeze %dma_wait3A_346 : memref<1x640x128xf32, #tpu.memory_space<hbm>> -> memref<640x128xf32, #tpu.memory_space<hbm>>
      %dma_wait3A_348 = arith.constant 0 : i32
      %dma_wait3A_349 = tpu.memref_slice %arg31[%mul3A_4, %dma_wait3A_348] : memref<10000x128xf32, #tpu.memory_space<vmem_shared>> -> memref<640x128xf32, #tpu.memory_space<vmem_shared>>
      tpu.wait_dma2 semaphore(%run_scoped3A : memref<!tpu.dma_semaphore, #tpu.memory_space<semaphore_mem>>) src(%dma_wait3A_349 : memref<640x128xf32, #tpu.memory_space<vmem_shared>>) dst(%dma_wait3A_347 : memref<640x128xf32, #tpu.memory_space<hbm>>)
      tpu.yield
    }) : () -> ()
    return
  }
}

#map = affine_map<(d0, d1) -> (0)>
module attributes {stable_mosaic.version = 14 : i64} {
  func.func @_deg_body(%arg0: i32, %arg1: i32, %arg2: memref<640000xi32, #tpu.memory_space<hbm>>, %arg3: memref<320000xf32, #tpu.memory_space<hbm>>, %arg4: memref<10000xi32, #tpu.memory_space<vmem>>, %arg5: memref<10000xf32, #tpu.memory_space<vmem>>) attributes {dimension_semantics = [#tpu.dimension_semantics<core_parallel>, #tpu.dimension_semantics<subcore_parallel>], iteration_bounds = array<i64: 2, 16>, scalar_prefetch = 0 : i64, scratch_operands = 2 : i64, tpu.core_type = #tpu.core_type<sc_vector_subcore>, window_params = [{transform_indices = #map}, {transform_indices = #map}]} {
    %mul3A = arith.constant 16 : i32
    %mul3A_0 = arith.muli %arg0, %mul3A : i32
    %add3A = arith.addi %mul3A_0, %arg1 : i32
    %broadcast_in_dim3A = arith.constant 0.000000e+00 : f32
    %broadcast_in_dim3A_1 = vector.broadcast %broadcast_in_dim3A : f32 to vector<16xf32>
    %scan3A = arith.constant 0 : i32
    %scan3A_2 = arith.constant 125 : i32
    %scan3A_3 = arith.addi %scan3A, %scan3A_2 : i32
    %scan3A_4 = arith.constant 1 : i32
    scf.for %scan3A_19 = %scan3A to %scan3A_3 step %scan3A_4  : i32 {
      %mul3A_20 = arith.constant 5 : i32
      %mul3A_21 = arith.muli %scan3A_19, %mul3A_20 : i32
      %add3A_22 = arith.constant 0 : i32
      %add3A_23 = arith.addi %mul3A_21, %add3A_22 : i32
      %mul3A_24 = arith.constant 16 : i32
      %mul3A_25 = arith.muli %add3A_23, %mul3A_24 : i32
      %swap3A = arith.index_cast %mul3A_25 : i32 to index
      %swap3A_26 = tpu.vector_load %arg5[%swap3A] {strides = array<i32>} : memref<10000xf32, #tpu.memory_space<vmem>>, vector<16xf32>,
      tpu.vector_store %arg5[%swap3A], %broadcast_in_dim3A_1 {strides = array<i32>} : memref<10000xf32, #tpu.memory_space<vmem>>, vector<16xf32>,
      %mul3A_27 = arith.constant 5 : i32
      %mul3A_28 = arith.muli %scan3A_19, %mul3A_27 : i32
      %add3A_29 = arith.constant 1 : i32
      %add3A_30 = arith.addi %mul3A_28, %add3A_29 : i32
      %mul3A_31 = arith.constant 16 : i32
      %mul3A_32 = arith.muli %add3A_30, %mul3A_31 : i32
      %swap3A_33 = arith.index_cast %mul3A_32 : i32 to index
      %swap3A_34 = tpu.vector_load %arg5[%swap3A_33] {strides = array<i32>} : memref<10000xf32, #tpu.memory_space<vmem>>, vector<16xf32>,
      tpu.vector_store %arg5[%swap3A_33], %broadcast_in_dim3A_1 {strides = array<i32>} : memref<10000xf32, #tpu.memory_space<vmem>>, vector<16xf32>,
      %mul3A_35 = arith.constant 5 : i32
      %mul3A_36 = arith.muli %scan3A_19, %mul3A_35 : i32
      %add3A_37 = arith.constant 2 : i32
      %add3A_38 = arith.addi %mul3A_36, %add3A_37 : i32
      %mul3A_39 = arith.constant 16 : i32
      %mul3A_40 = arith.muli %add3A_38, %mul3A_39 : i32
      %swap3A_41 = arith.index_cast %mul3A_40 : i32 to index
      %swap3A_42 = tpu.vector_load %arg5[%swap3A_41] {strides = array<i32>} : memref<10000xf32, #tpu.memory_space<vmem>>, vector<16xf32>,
      tpu.vector_store %arg5[%swap3A_41], %broadcast_in_dim3A_1 {strides = array<i32>} : memref<10000xf32, #tpu.memory_space<vmem>>, vector<16xf32>,
      %mul3A_43 = arith.constant 5 : i32
      %mul3A_44 = arith.muli %scan3A_19, %mul3A_43 : i32
      %add3A_45 = arith.constant 3 : i32
      %add3A_46 = arith.addi %mul3A_44, %add3A_45 : i32
      %mul3A_47 = arith.constant 16 : i32
      %mul3A_48 = arith.muli %add3A_46, %mul3A_47 : i32
      %swap3A_49 = arith.index_cast %mul3A_48 : i32 to index
      %swap3A_50 = tpu.vector_load %arg5[%swap3A_49] {strides = array<i32>} : memref<10000xf32, #tpu.memory_space<vmem>>, vector<16xf32>,
      tpu.vector_store %arg5[%swap3A_49], %broadcast_in_dim3A_1 {strides = array<i32>} : memref<10000xf32, #tpu.memory_space<vmem>>, vector<16xf32>,
      %mul3A_51 = arith.constant 5 : i32
      %mul3A_52 = arith.muli %scan3A_19, %mul3A_51 : i32
      %add3A_53 = arith.constant 4 : i32
      %add3A_54 = arith.addi %mul3A_52, %add3A_53 : i32
      %mul3A_55 = arith.constant 16 : i32
      %mul3A_56 = arith.muli %add3A_54, %mul3A_55 : i32
      %swap3A_57 = arith.index_cast %mul3A_56 : i32 to index
      %swap3A_58 = tpu.vector_load %arg5[%swap3A_57] {strides = array<i32>} : memref<10000xf32, #tpu.memory_space<vmem>>, vector<16xf32>,
      tpu.vector_store %arg5[%swap3A_57], %broadcast_in_dim3A_1 {strides = array<i32>} : memref<10000xf32, #tpu.memory_space<vmem>>, vector<16xf32>,
    }
    %scan3A_5 = arith.constant 125 : i32
    %mul3A_6 = arith.constant 10000 : i32
    %mul3A_7 = arith.muli %add3A, %mul3A_6 : i32
    %add3A_8 = arith.constant 320000 : i32
    %add3A_9 = arith.addi %add3A_8, %mul3A_7 : i32
    "tpu.region"() ({
      %run_scoped3A = tpu.sem_alloc : memref<!tpu.dma_semaphore, #tpu.memory_space<semaphore_mem>>
      %dma_start3A = tpu.memref_slice %arg2[%add3A_9] : memref<640000xi32, #tpu.memory_space<hbm>> -> memref<10000xi32, #tpu.memory_space<hbm>>
      %dma_start3A_19 = tpu.memref_slice %arg2[%add3A_9] : memref<640000xi32, #tpu.memory_space<hbm>> -> memref<10000xi32, #tpu.memory_space<hbm>>
      tpu.enqueue_dma source(%dma_start3A_19 : memref<10000xi32, #tpu.memory_space<hbm>>) target(%arg4 : memref<10000xi32, #tpu.memory_space<vmem>>) target_semaphore(%run_scoped3A : memref<!tpu.dma_semaphore, #tpu.memory_space<semaphore_mem>>)
      %dma_wait3A = tpu.memref_slice %arg2[%add3A_9] : memref<640000xi32, #tpu.memory_space<hbm>> -> memref<10000xi32, #tpu.memory_space<hbm>>
      %dma_wait3A_20 = tpu.memref_slice %arg2[%add3A_9] : memref<640000xi32, #tpu.memory_space<hbm>> -> memref<10000xi32, #tpu.memory_space<hbm>>
      tpu.wait_dma2 semaphore(%run_scoped3A : memref<!tpu.dma_semaphore, #tpu.memory_space<semaphore_mem>>) src(%dma_wait3A_20 : memref<10000xi32, #tpu.memory_space<hbm>>) dst(%arg4 : memref<10000xi32, #tpu.memory_space<vmem>>)
      tpu.yield
    }) : () -> ()
    %broadcast_in_dim3A_10 = arith.constant 1.000000e+00 : f32
    %broadcast_in_dim3A_11 = vector.broadcast %broadcast_in_dim3A_10 : f32 to vector<16xf32>
    %scan3A_12 = arith.constant 0 : i32
    %scan3A_13 = arith.constant 125 : i32
    %scan3A_14 = arith.addi %scan3A_12, %scan3A_13 : i32
    %scan3A_15 = arith.constant 1 : i32
    scf.for %scan3A_19 = %scan3A_12 to %scan3A_14 step %scan3A_15  : i32 {
      %mul3A_20 = arith.constant 5 : i32
      %mul3A_21 = arith.muli %scan3A_19, %mul3A_20 : i32
      %add3A_22 = arith.constant 0 : i32
      %add3A_23 = arith.addi %mul3A_21, %add3A_22 : i32
      %mul3A_24 = arith.constant 16 : i32
      %mul3A_25 = arith.muli %add3A_23, %mul3A_24 : i32
      %get3A = arith.index_cast %mul3A_25 : i32 to index
      %get3A_26 = tpu.vector_load %arg4[%get3A] {strides = array<i32>} : memref<10000xi32, #tpu.memory_space<vmem>>, vector<16xi32>,
      tpu.vector_store_idx %arg5[%get3A_26], %broadcast_in_dim3A_11 {add = true} : memref<10000xf32, #tpu.memory_space<vmem>>[vector<16xi32>], vector<16xf32>,
      %mul3A_27 = arith.constant 5 : i32
      %mul3A_28 = arith.muli %scan3A_19, %mul3A_27 : i32
      %add3A_29 = arith.constant 1 : i32
      %add3A_30 = arith.addi %mul3A_28, %add3A_29 : i32
      %mul3A_31 = arith.constant 16 : i32
      %mul3A_32 = arith.muli %add3A_30, %mul3A_31 : i32
      %get3A_33 = arith.index_cast %mul3A_32 : i32 to index
      %get3A_34 = tpu.vector_load %arg4[%get3A_33] {strides = array<i32>} : memref<10000xi32, #tpu.memory_space<vmem>>, vector<16xi32>,
      tpu.vector_store_idx %arg5[%get3A_34], %broadcast_in_dim3A_11 {add = true} : memref<10000xf32, #tpu.memory_space<vmem>>[vector<16xi32>], vector<16xf32>,
      %mul3A_35 = arith.constant 5 : i32
      %mul3A_36 = arith.muli %scan3A_19, %mul3A_35 : i32
      %add3A_37 = arith.constant 2 : i32
      %add3A_38 = arith.addi %mul3A_36, %add3A_37 : i32
      %mul3A_39 = arith.constant 16 : i32
      %mul3A_40 = arith.muli %add3A_38, %mul3A_39 : i32
      %get3A_41 = arith.index_cast %mul3A_40 : i32 to index
      %get3A_42 = tpu.vector_load %arg4[%get3A_41] {strides = array<i32>} : memref<10000xi32, #tpu.memory_space<vmem>>, vector<16xi32>,
      tpu.vector_store_idx %arg5[%get3A_42], %broadcast_in_dim3A_11 {add = true} : memref<10000xf32, #tpu.memory_space<vmem>>[vector<16xi32>], vector<16xf32>,
      %mul3A_43 = arith.constant 5 : i32
      %mul3A_44 = arith.muli %scan3A_19, %mul3A_43 : i32
      %add3A_45 = arith.constant 3 : i32
      %add3A_46 = arith.addi %mul3A_44, %add3A_45 : i32
      %mul3A_47 = arith.constant 16 : i32
      %mul3A_48 = arith.muli %add3A_46, %mul3A_47 : i32
      %get3A_49 = arith.index_cast %mul3A_48 : i32 to index
      %get3A_50 = tpu.vector_load %arg4[%get3A_49] {strides = array<i32>} : memref<10000xi32, #tpu.memory_space<vmem>>, vector<16xi32>,
      tpu.vector_store_idx %arg5[%get3A_50], %broadcast_in_dim3A_11 {add = true} : memref<10000xf32, #tpu.memory_space<vmem>>[vector<16xi32>], vector<16xf32>,
      %mul3A_51 = arith.constant 5 : i32
      %mul3A_52 = arith.muli %scan3A_19, %mul3A_51 : i32
      %add3A_53 = arith.constant 4 : i32
      %add3A_54 = arith.addi %mul3A_52, %add3A_53 : i32
      %mul3A_55 = arith.constant 16 : i32
      %mul3A_56 = arith.muli %add3A_54, %mul3A_55 : i32
      %get3A_57 = arith.index_cast %mul3A_56 : i32 to index
      %get3A_58 = tpu.vector_load %arg4[%get3A_57] {strides = array<i32>} : memref<10000xi32, #tpu.memory_space<vmem>>, vector<16xi32>,
      tpu.vector_store_idx %arg5[%get3A_58], %broadcast_in_dim3A_11 {add = true} : memref<10000xf32, #tpu.memory_space<vmem>>[vector<16xi32>], vector<16xf32>,
    }
    %scan3A_16 = arith.constant 125 : i32
    %mul3A_17 = arith.constant 10000 : i32
    %mul3A_18 = arith.muli %add3A, %mul3A_17 : i32
    "tpu.region"() ({
      %run_scoped3A = tpu.sem_alloc : memref<!tpu.dma_semaphore, #tpu.memory_space<semaphore_mem>>
      %dma_start3A = tpu.memref_slice %arg3[%mul3A_18] : memref<320000xf32, #tpu.memory_space<hbm>> -> memref<10000xf32, #tpu.memory_space<hbm>>
      %dma_start3A_19 = tpu.memref_slice %arg3[%mul3A_18] : memref<320000xf32, #tpu.memory_space<hbm>> -> memref<10000xf32, #tpu.memory_space<hbm>>
      tpu.enqueue_dma source(%arg5 : memref<10000xf32, #tpu.memory_space<vmem>>) target(%dma_start3A_19 : memref<10000xf32, #tpu.memory_space<hbm>>) target_semaphore(%run_scoped3A : memref<!tpu.dma_semaphore, #tpu.memory_space<semaphore_mem>>)
      %dma_wait3A = tpu.memref_slice %arg3[%mul3A_18] : memref<320000xf32, #tpu.memory_space<hbm>> -> memref<10000xf32, #tpu.memory_space<hbm>>
      %dma_wait3A_20 = tpu.memref_slice %arg3[%mul3A_18] : memref<320000xf32, #tpu.memory_space<hbm>> -> memref<10000xf32, #tpu.memory_space<hbm>>
      tpu.wait_dma2 semaphore(%run_scoped3A : memref<!tpu.dma_semaphore, #tpu.memory_space<semaphore_mem>>) src(%arg5 : memref<10000xf32, #tpu.memory_space<vmem>>) dst(%dma_wait3A_20 : memref<10000xf32, #tpu.memory_space<hbm>>)
      tpu.yield
    }) : () -> ()
    return
  }
}

#map = affine_map<(d0, d1) -> (0)>
#map1 = affine_map<(d0, d1) -> (0, 0)>
#map2 = affine_map<(d0, d1) -> (0, 0, 0)>
module attributes {stable_mosaic.version = 14 : i64} {
  func.func @_agg_body(%arg0: i32, %arg1: i32, %arg2: memref<640000xi32, #tpu.memory_space<hbm>>, %arg3: memref<10000x128xf32, #tpu.memory_space<hbm>>, %arg4: memref<2x10000x128xf32, #tpu.memory_space<hbm>>, %arg5: memref<10000xi32, #tpu.memory_space<vmem>>, %arg6: memref<40x128xf32, #tpu.memory_space<vmem>>, %arg7: memref<40x128xf32, #tpu.memory_space<vmem>>, %arg8: memref<40x128xf32, #tpu.memory_space<vmem>>, %arg9: memref<40x128xf32, #tpu.memory_space<vmem>>, %arg10: memref<40x128xf32, #tpu.memory_space<vmem>>, %arg11: memref<40xi32, #tpu.memory_space<vmem>>, %arg12: memref<40xi32, #tpu.memory_space<vmem>>, %arg13: memref<40xi32, #tpu.memory_space<vmem>>, %arg14: memref<40xi32, #tpu.memory_space<vmem>>, %arg15: memref<40xi32, #tpu.memory_space<vmem>>, %arg16: memref<!tpu.dma_semaphore, #tpu.memory_space<semaphore_mem>>, %arg17: memref<!tpu.dma_semaphore, #tpu.memory_space<semaphore_mem>>, %arg18: memref<!tpu.dma_semaphore, #tpu.memory_space<semaphore_mem>>, %arg19: memref<!tpu.dma_semaphore, #tpu.memory_space<semaphore_mem>>, %arg20: memref<!tpu.dma_semaphore, #tpu.memory_space<semaphore_mem>>, %arg21: memref<!tpu.dma_semaphore, #tpu.memory_space<semaphore_mem>>, %arg22: memref<!tpu.dma_semaphore, #tpu.memory_space<semaphore_mem>>, %arg23: memref<!tpu.dma_semaphore, #tpu.memory_space<semaphore_mem>>, %arg24: memref<!tpu.dma_semaphore, #tpu.memory_space<semaphore_mem>>, %arg25: memref<!tpu.dma_semaphore, #tpu.memory_space<semaphore_mem>>, %arg26: memref<!tpu.dma_semaphore, #tpu.memory_space<semaphore_mem>>, %arg27: memref<!tpu.dma_semaphore, #tpu.memory_space<semaphore_mem>>, %arg28: memref<!tpu.dma_semaphore, #tpu.memory_space<semaphore_mem>>, %arg29: memref<!tpu.dma_semaphore, #tpu.memory_space<semaphore_mem>>, %arg30: memref<!tpu.dma_semaphore, #tpu.memory_space<semaphore_mem>>, %arg31: memref<10000x128xf32, #tpu.memory_space<vmem_shared>>) attributes {dimension_semantics = [#tpu.dimension_semantics<core_parallel>, #tpu.dimension_semantics<subcore_parallel>], iteration_bounds = array<i64: 2, 16>, scalar_prefetch = 0 : i64, scratch_operands = 27 : i64, tpu.core_type = #tpu.core_type<sc_vector_subcore>, window_params = [{transform_indices = #map}, {transform_indices = #map1}, {transform_indices = #map2}]} {
    %mul3A = arith.constant 16 : i32
    %mul3A_0 = arith.muli %arg0, %mul3A : i32
    %add3A = arith.addi %mul3A_0, %arg1 : i32
    %mul3A_1 = arith.constant 10000 : i32
    %mul3A_2 = arith.muli %add3A, %mul3A_1 : i32
    %mul3A_3 = arith.constant 624 : i32
    %mul3A_4 = arith.muli %arg1, %mul3A_3 : i32
    %broadcast_in_dim3A = arith.constant 0.000000e+00 : f32
    %broadcast_in_dim3A_5 = vector.broadcast %broadcast_in_dim3A : f32 to vector<16xf32>
    %scan3A = arith.constant 0 : i32
    %scan3A_6 = arith.constant 320 : i32
    %scan3A_7 = arith.addi %scan3A, %scan3A_6 : i32
    %scan3A_8 = arith.constant 1 : i32
    scf.for %scan3A_340 = %scan3A to %scan3A_7 step %scan3A_8  : i32 {
      %shift_right_arithmetic3A = arith.constant 3 : i32
      %shift_right_arithmetic3A_341 = arith.shrsi %scan3A_340, %shift_right_arithmetic3A : i32
      %and3A = arith.constant 7 : i32
      %and3A_342 = arith.andi %scan3A_340, %and3A : i32
      %mul3A_343 = arith.constant 16 : i32
      %mul3A_344 = arith.muli %and3A_342, %mul3A_343 : i32
      %swap3A = arith.index_cast %shift_right_arithmetic3A_341 : i32 to index
      %swap3A_345 = arith.index_cast %mul3A_344 : i32 to index
      %swap3A_346 = tpu.vector_load %arg6[%swap3A, %swap3A_345] {strides = array<i32>} : memref<40x128xf32, #tpu.memory_space<vmem>>, vector<16xf32>,
      tpu.vector_store %arg6[%swap3A, %swap3A_345], %broadcast_in_dim3A_5 {strides = array<i32>} : memref<40x128xf32, #tpu.memory_space<vmem>>, vector<16xf32>,
    }
    %scan3A_9 = arith.constant 320 : i32
    %add3A_10 = arith.constant 0 : i32
    %add3A_11 = arith.addi %mul3A_4, %add3A_10 : i32
    %dma_start3A = arith.constant 0 : i32
    %dma_start3A_12 = tpu.memref_slice %arg31[%add3A_11, %dma_start3A] : memref<10000x128xf32, #tpu.memory_space<vmem_shared>> -> memref<40x128xf32, #tpu.memory_space<vmem_shared>>
    %dma_start3A_13 = arith.constant 0 : i32
    %dma_start3A_14 = tpu.memref_slice %arg31[%add3A_11, %dma_start3A_13] : memref<10000x128xf32, #tpu.memory_space<vmem_shared>> -> memref<40x128xf32, #tpu.memory_space<vmem_shared>>
    tpu.enqueue_dma source(%arg6 : memref<40x128xf32, #tpu.memory_space<vmem>>) target(%dma_start3A_14 : memref<40x128xf32, #tpu.memory_space<vmem_shared>>) target_semaphore(%arg21 : memref<!tpu.dma_semaphore, #tpu.memory_space<semaphore_mem>>)
    %add3A_15 = arith.constant 40 : i32
    %add3A_16 = arith.addi %mul3A_4, %add3A_15 : i32
    %dma_start3A_17 = arith.constant 0 : i32
    %dma_start3A_18 = tpu.memref_slice %arg31[%add3A_16, %dma_start3A_17] : memref<10000x128xf32, #tpu.memory_space<vmem_shared>> -> memref<40x128xf32, #tpu.memory_space<vmem_shared>>
    %dma_start3A_19 = arith.constant 0 : i32
    %dma_start3A_20 = tpu.memref_slice %arg31[%add3A_16, %dma_start3A_19] : memref<10000x128xf32, #tpu.memory_space<vmem_shared>> -> memref<40x128xf32, #tpu.memory_space<vmem_shared>>
    tpu.enqueue_dma source(%arg6 : memref<40x128xf32, #tpu.memory_space<vmem>>) target(%dma_start3A_20 : memref<40x128xf32, #tpu.memory_space<vmem_shared>>) target_semaphore(%arg21 : memref<!tpu.dma_semaphore, #tpu.memory_space<semaphore_mem>>)
    %add3A_21 = arith.constant 80 : i32
    %add3A_22 = arith.addi %mul3A_4, %add3A_21 : i32
    %dma_start3A_23 = arith.constant 0 : i32
    %dma_start3A_24 = tpu.memref_slice %arg31[%add3A_22, %dma_start3A_23] : memref<10000x128xf32, #tpu.memory_space<vmem_shared>> -> memref<40x128xf32, #tpu.memory_space<vmem_shared>>
    %dma_start3A_25 = arith.constant 0 : i32
    %dma_start3A_26 = tpu.memref_slice %arg31[%add3A_22, %dma_start3A_25] : memref<10000x128xf32, #tpu.memory_space<vmem_shared>> -> memref<40x128xf32, #tpu.memory_space<vmem_shared>>
    tpu.enqueue_dma source(%arg6 : memref<40x128xf32, #tpu.memory_space<vmem>>) target(%dma_start3A_26 : memref<40x128xf32, #tpu.memory_space<vmem_shared>>) target_semaphore(%arg21 : memref<!tpu.dma_semaphore, #tpu.memory_space<semaphore_mem>>)
    %add3A_27 = arith.constant 120 : i32
    %add3A_28 = arith.addi %mul3A_4, %add3A_27 : i32
    %dma_start3A_29 = arith.constant 0 : i32
    %dma_start3A_30 = tpu.memref_slice %arg31[%add3A_28, %dma_start3A_29] : memref<10000x128xf32, #tpu.memory_space<vmem_shared>> -> memref<40x128xf32, #tpu.memory_space<vmem_shared>>
    %dma_start3A_31 = arith.constant 0 : i32
    %dma_start3A_32 = tpu.memref_slice %arg31[%add3A_28, %dma_start3A_31] : memref<10000x128xf32, #tpu.memory_space<vmem_shared>> -> memref<40x128xf32, #tpu.memory_space<vmem_shared>>
    tpu.enqueue_dma source(%arg6 : memref<40x128xf32, #tpu.memory_space<vmem>>) target(%dma_start3A_32 : memref<40x128xf32, #tpu.memory_space<vmem_shared>>) target_semaphore(%arg21 : memref<!tpu.dma_semaphore, #tpu.memory_space<semaphore_mem>>)
    %add3A_33 = arith.constant 160 : i32
    %add3A_34 = arith.addi %mul3A_4, %add3A_33 : i32
    %dma_start3A_35 = arith.constant 0 : i32
    %dma_start3A_36 = tpu.memref_slice %arg31[%add3A_34, %dma_start3A_35] : memref<10000x128xf32, #tpu.memory_space<vmem_shared>> -> memref<40x128xf32, #tpu.memory_space<vmem_shared>>
    %dma_start3A_37 = arith.constant 0 : i32
    %dma_start3A_38 = tpu.memref_slice %arg31[%add3A_34, %dma_start3A_37] : memref<10000x128xf32, #tpu.memory_space<vmem_shared>> -> memref<40x128xf32, #tpu.memory_space<vmem_shared>>
    tpu.enqueue_dma source(%arg6 : memref<40x128xf32, #tpu.memory_space<vmem>>) target(%dma_start3A_38 : memref<40x128xf32, #tpu.memory_space<vmem_shared>>) target_semaphore(%arg21 : memref<!tpu.dma_semaphore, #tpu.memory_space<semaphore_mem>>)
    %add3A_39 = arith.constant 200 : i32
    %add3A_40 = arith.addi %mul3A_4, %add3A_39 : i32
    %dma_start3A_41 = arith.constant 0 : i32
    %dma_start3A_42 = tpu.memref_slice %arg31[%add3A_40, %dma_start3A_41] : memref<10000x128xf32, #tpu.memory_space<vmem_shared>> -> memref<40x128xf32, #tpu.memory_space<vmem_shared>>
    %dma_start3A_43 = arith.constant 0 : i32
    %dma_start3A_44 = tpu.memref_slice %arg31[%add3A_40, %dma_start3A_43] : memref<10000x128xf32, #tpu.memory_space<vmem_shared>> -> memref<40x128xf32, #tpu.memory_space<vmem_shared>>
    tpu.enqueue_dma source(%arg6 : memref<40x128xf32, #tpu.memory_space<vmem>>) target(%dma_start3A_44 : memref<40x128xf32, #tpu.memory_space<vmem_shared>>) target_semaphore(%arg21 : memref<!tpu.dma_semaphore, #tpu.memory_space<semaphore_mem>>)
    %add3A_45 = arith.constant 240 : i32
    %add3A_46 = arith.addi %mul3A_4, %add3A_45 : i32
    %dma_start3A_47 = arith.constant 0 : i32
    %dma_start3A_48 = tpu.memref_slice %arg31[%add3A_46, %dma_start3A_47] : memref<10000x128xf32, #tpu.memory_space<vmem_shared>> -> memref<40x128xf32, #tpu.memory_space<vmem_shared>>
    %dma_start3A_49 = arith.constant 0 : i32
    %dma_start3A_50 = tpu.memref_slice %arg31[%add3A_46, %dma_start3A_49] : memref<10000x128xf32, #tpu.memory_space<vmem_shared>> -> memref<40x128xf32, #tpu.memory_space<vmem_shared>>
    tpu.enqueue_dma source(%arg6 : memref<40x128xf32, #tpu.memory_space<vmem>>) target(%dma_start3A_50 : memref<40x128xf32, #tpu.memory_space<vmem_shared>>) target_semaphore(%arg21 : memref<!tpu.dma_semaphore, #tpu.memory_space<semaphore_mem>>)
    %add3A_51 = arith.constant 280 : i32
    %add3A_52 = arith.addi %mul3A_4, %add3A_51 : i32
    %dma_start3A_53 = arith.constant 0 : i32
    %dma_start3A_54 = tpu.memref_slice %arg31[%add3A_52, %dma_start3A_53] : memref<10000x128xf32, #tpu.memory_space<vmem_shared>> -> memref<40x128xf32, #tpu.memory_space<vmem_shared>>
    %dma_start3A_55 = arith.constant 0 : i32
    %dma_start3A_56 = tpu.memref_slice %arg31[%add3A_52, %dma_start3A_55] : memref<10000x128xf32, #tpu.memory_space<vmem_shared>> -> memref<40x128xf32, #tpu.memory_space<vmem_shared>>
    tpu.enqueue_dma source(%arg6 : memref<40x128xf32, #tpu.memory_space<vmem>>) target(%dma_start3A_56 : memref<40x128xf32, #tpu.memory_space<vmem_shared>>) target_semaphore(%arg21 : memref<!tpu.dma_semaphore, #tpu.memory_space<semaphore_mem>>)
    %add3A_57 = arith.constant 320 : i32
    %add3A_58 = arith.addi %mul3A_4, %add3A_57 : i32
    %dma_start3A_59 = arith.constant 0 : i32
    %dma_start3A_60 = tpu.memref_slice %arg31[%add3A_58, %dma_start3A_59] : memref<10000x128xf32, #tpu.memory_space<vmem_shared>> -> memref<40x128xf32, #tpu.memory_space<vmem_shared>>
    %dma_start3A_61 = arith.constant 0 : i32
    %dma_start3A_62 = tpu.memref_slice %arg31[%add3A_58, %dma_start3A_61] : memref<10000x128xf32, #tpu.memory_space<vmem_shared>> -> memref<40x128xf32, #tpu.memory_space<vmem_shared>>
    tpu.enqueue_dma source(%arg6 : memref<40x128xf32, #tpu.memory_space<vmem>>) target(%dma_start3A_62 : memref<40x128xf32, #tpu.memory_space<vmem_shared>>) target_semaphore(%arg21 : memref<!tpu.dma_semaphore, #tpu.memory_space<semaphore_mem>>)
    %add3A_63 = arith.constant 360 : i32
    %add3A_64 = arith.addi %mul3A_4, %add3A_63 : i32
    %dma_start3A_65 = arith.constant 0 : i32
    %dma_start3A_66 = tpu.memref_slice %arg31[%add3A_64, %dma_start3A_65] : memref<10000x128xf32, #tpu.memory_space<vmem_shared>> -> memref<40x128xf32, #tpu.memory_space<vmem_shared>>
    %dma_start3A_67 = arith.constant 0 : i32
    %dma_start3A_68 = tpu.memref_slice %arg31[%add3A_64, %dma_start3A_67] : memref<10000x128xf32, #tpu.memory_space<vmem_shared>> -> memref<40x128xf32, #tpu.memory_space<vmem_shared>>
    tpu.enqueue_dma source(%arg6 : memref<40x128xf32, #tpu.memory_space<vmem>>) target(%dma_start3A_68 : memref<40x128xf32, #tpu.memory_space<vmem_shared>>) target_semaphore(%arg21 : memref<!tpu.dma_semaphore, #tpu.memory_space<semaphore_mem>>)
    %add3A_69 = arith.constant 400 : i32
    %add3A_70 = arith.addi %mul3A_4, %add3A_69 : i32
    %dma_start3A_71 = arith.constant 0 : i32
    %dma_start3A_72 = tpu.memref_slice %arg31[%add3A_70, %dma_start3A_71] : memref<10000x128xf32, #tpu.memory_space<vmem_shared>> -> memref<40x128xf32, #tpu.memory_space<vmem_shared>>
    %dma_start3A_73 = arith.constant 0 : i32
    %dma_start3A_74 = tpu.memref_slice %arg31[%add3A_70, %dma_start3A_73] : memref<10000x128xf32, #tpu.memory_space<vmem_shared>> -> memref<40x128xf32, #tpu.memory_space<vmem_shared>>
    tpu.enqueue_dma source(%arg6 : memref<40x128xf32, #tpu.memory_space<vmem>>) target(%dma_start3A_74 : memref<40x128xf32, #tpu.memory_space<vmem_shared>>) target_semaphore(%arg21 : memref<!tpu.dma_semaphore, #tpu.memory_space<semaphore_mem>>)
    %add3A_75 = arith.constant 440 : i32
    %add3A_76 = arith.addi %mul3A_4, %add3A_75 : i32
    %dma_start3A_77 = arith.constant 0 : i32
    %dma_start3A_78 = tpu.memref_slice %arg31[%add3A_76, %dma_start3A_77] : memref<10000x128xf32, #tpu.memory_space<vmem_shared>> -> memref<40x128xf32, #tpu.memory_space<vmem_shared>>
    %dma_start3A_79 = arith.constant 0 : i32
    %dma_start3A_80 = tpu.memref_slice %arg31[%add3A_76, %dma_start3A_79] : memref<10000x128xf32, #tpu.memory_space<vmem_shared>> -> memref<40x128xf32, #tpu.memory_space<vmem_shared>>
    tpu.enqueue_dma source(%arg6 : memref<40x128xf32, #tpu.memory_space<vmem>>) target(%dma_start3A_80 : memref<40x128xf32, #tpu.memory_space<vmem_shared>>) target_semaphore(%arg21 : memref<!tpu.dma_semaphore, #tpu.memory_space<semaphore_mem>>)
    %add3A_81 = arith.constant 480 : i32
    %add3A_82 = arith.addi %mul3A_4, %add3A_81 : i32
    %dma_start3A_83 = arith.constant 0 : i32
    %dma_start3A_84 = tpu.memref_slice %arg31[%add3A_82, %dma_start3A_83] : memref<10000x128xf32, #tpu.memory_space<vmem_shared>> -> memref<40x128xf32, #tpu.memory_space<vmem_shared>>
    %dma_start3A_85 = arith.constant 0 : i32
    %dma_start3A_86 = tpu.memref_slice %arg31[%add3A_82, %dma_start3A_85] : memref<10000x128xf32, #tpu.memory_space<vmem_shared>> -> memref<40x128xf32, #tpu.memory_space<vmem_shared>>
    tpu.enqueue_dma source(%arg6 : memref<40x128xf32, #tpu.memory_space<vmem>>) target(%dma_start3A_86 : memref<40x128xf32, #tpu.memory_space<vmem_shared>>) target_semaphore(%arg21 : memref<!tpu.dma_semaphore, #tpu.memory_space<semaphore_mem>>)
    %add3A_87 = arith.constant 520 : i32
    %add3A_88 = arith.addi %mul3A_4, %add3A_87 : i32
    %dma_start3A_89 = arith.constant 0 : i32
    %dma_start3A_90 = tpu.memref_slice %arg31[%add3A_88, %dma_start3A_89] : memref<10000x128xf32, #tpu.memory_space<vmem_shared>> -> memref<40x128xf32, #tpu.memory_space<vmem_shared>>
    %dma_start3A_91 = arith.constant 0 : i32
    %dma_start3A_92 = tpu.memref_slice %arg31[%add3A_88, %dma_start3A_91] : memref<10000x128xf32, #tpu.memory_space<vmem_shared>> -> memref<40x128xf32, #tpu.memory_space<vmem_shared>>
    tpu.enqueue_dma source(%arg6 : memref<40x128xf32, #tpu.memory_space<vmem>>) target(%dma_start3A_92 : memref<40x128xf32, #tpu.memory_space<vmem_shared>>) target_semaphore(%arg21 : memref<!tpu.dma_semaphore, #tpu.memory_space<semaphore_mem>>)
    %add3A_93 = arith.constant 560 : i32
    %add3A_94 = arith.addi %mul3A_4, %add3A_93 : i32
    %dma_start3A_95 = arith.constant 0 : i32
    %dma_start3A_96 = tpu.memref_slice %arg31[%add3A_94, %dma_start3A_95] : memref<10000x128xf32, #tpu.memory_space<vmem_shared>> -> memref<40x128xf32, #tpu.memory_space<vmem_shared>>
    %dma_start3A_97 = arith.constant 0 : i32
    %dma_start3A_98 = tpu.memref_slice %arg31[%add3A_94, %dma_start3A_97] : memref<10000x128xf32, #tpu.memory_space<vmem_shared>> -> memref<40x128xf32, #tpu.memory_space<vmem_shared>>
    tpu.enqueue_dma source(%arg6 : memref<40x128xf32, #tpu.memory_space<vmem>>) target(%dma_start3A_98 : memref<40x128xf32, #tpu.memory_space<vmem_shared>>) target_semaphore(%arg21 : memref<!tpu.dma_semaphore, #tpu.memory_space<semaphore_mem>>)
    %add3A_99 = arith.constant 600 : i32
    %add3A_100 = arith.addi %mul3A_4, %add3A_99 : i32
    %dma_start3A_101 = arith.constant 0 : i32
    %dma_start3A_102 = tpu.memref_slice %arg31[%add3A_100, %dma_start3A_101] : memref<10000x128xf32, #tpu.memory_space<vmem_shared>> -> memref<40x128xf32, #tpu.memory_space<vmem_shared>>
    %dma_start3A_103 = arith.constant 0 : i32
    %dma_start3A_104 = tpu.memref_slice %arg31[%add3A_100, %dma_start3A_103] : memref<10000x128xf32, #tpu.memory_space<vmem_shared>> -> memref<40x128xf32, #tpu.memory_space<vmem_shared>>
    tpu.enqueue_dma source(%arg6 : memref<40x128xf32, #tpu.memory_space<vmem>>) target(%dma_start3A_104 : memref<40x128xf32, #tpu.memory_space<vmem_shared>>) target_semaphore(%arg21 : memref<!tpu.dma_semaphore, #tpu.memory_space<semaphore_mem>>)
    %dma_start3A_105 = tpu.memref_slice %arg2[%mul3A_2] : memref<640000xi32, #tpu.memory_space<hbm>> -> memref<10000xi32, #tpu.memory_space<hbm>>
    %dma_start3A_106 = tpu.memref_slice %arg2[%mul3A_2] : memref<640000xi32, #tpu.memory_space<hbm>> -> memref<10000xi32, #tpu.memory_space<hbm>>
    tpu.enqueue_dma source(%dma_start3A_106 : memref<10000xi32, #tpu.memory_space<hbm>>) target(%arg5 : memref<10000xi32, #tpu.memory_space<vmem>>) target_semaphore(%arg16 : memref<!tpu.dma_semaphore, #tpu.memory_space<semaphore_mem>>)
    %add3A_107 = arith.constant 320000 : i32
    %add3A_108 = arith.addi %add3A_107, %mul3A_2 : i32
    %add3A_109 = arith.constant 0 : i32
    %add3A_110 = arith.addi %add3A_108, %add3A_109 : i32
    %dma_start3A_111 = tpu.memref_slice %arg2[%add3A_110] : memref<640000xi32, #tpu.memory_space<hbm>> -> memref<40xi32, #tpu.memory_space<hbm>>
    %dma_start3A_112 = tpu.memref_slice %arg2[%add3A_110] : memref<640000xi32, #tpu.memory_space<hbm>> -> memref<40xi32, #tpu.memory_space<hbm>>
    tpu.enqueue_dma source(%dma_start3A_112 : memref<40xi32, #tpu.memory_space<hbm>>) target(%arg11 : memref<40xi32, #tpu.memory_space<vmem>>) target_semaphore(%arg26 : memref<!tpu.dma_semaphore, #tpu.memory_space<semaphore_mem>>)
    %add3A_113 = arith.constant 320000 : i32
    %add3A_114 = arith.addi %add3A_113, %mul3A_2 : i32
    %add3A_115 = arith.constant 40 : i32
    %add3A_116 = arith.addi %add3A_114, %add3A_115 : i32
    %dma_start3A_117 = tpu.memref_slice %arg2[%add3A_116] : memref<640000xi32, #tpu.memory_space<hbm>> -> memref<40xi32, #tpu.memory_space<hbm>>
    %dma_start3A_118 = tpu.memref_slice %arg2[%add3A_116] : memref<640000xi32, #tpu.memory_space<hbm>> -> memref<40xi32, #tpu.memory_space<hbm>>
    tpu.enqueue_dma source(%dma_start3A_118 : memref<40xi32, #tpu.memory_space<hbm>>) target(%arg12 : memref<40xi32, #tpu.memory_space<vmem>>) target_semaphore(%arg27 : memref<!tpu.dma_semaphore, #tpu.memory_space<semaphore_mem>>)
    %add3A_119 = arith.constant 320000 : i32
    %add3A_120 = arith.addi %add3A_119, %mul3A_2 : i32
    %add3A_121 = arith.constant 80 : i32
    %add3A_122 = arith.addi %add3A_120, %add3A_121 : i32
    %dma_start3A_123 = tpu.memref_slice %arg2[%add3A_122] : memref<640000xi32, #tpu.memory_space<hbm>> -> memref<40xi32, #tpu.memory_space<hbm>>
    %dma_start3A_124 = tpu.memref_slice %arg2[%add3A_122] : memref<640000xi32, #tpu.memory_space<hbm>> -> memref<40xi32, #tpu.memory_space<hbm>>
    tpu.enqueue_dma source(%dma_start3A_124 : memref<40xi32, #tpu.memory_space<hbm>>) target(%arg13 : memref<40xi32, #tpu.memory_space<vmem>>) target_semaphore(%arg28 : memref<!tpu.dma_semaphore, #tpu.memory_space<semaphore_mem>>)
    %add3A_125 = arith.constant 320000 : i32
    %add3A_126 = arith.addi %add3A_125, %mul3A_2 : i32
    %add3A_127 = arith.constant 120 : i32
    %add3A_128 = arith.addi %add3A_126, %add3A_127 : i32
    %dma_start3A_129 = tpu.memref_slice %arg2[%add3A_128] : memref<640000xi32, #tpu.memory_space<hbm>> -> memref<40xi32, #tpu.memory_space<hbm>>
    %dma_start3A_130 = tpu.memref_slice %arg2[%add3A_128] : memref<640000xi32, #tpu.memory_space<hbm>> -> memref<40xi32, #tpu.memory_space<hbm>>
    tpu.enqueue_dma source(%dma_start3A_130 : memref<40xi32, #tpu.memory_space<hbm>>) target(%arg14 : memref<40xi32, #tpu.memory_space<vmem>>) target_semaphore(%arg29 : memref<!tpu.dma_semaphore, #tpu.memory_space<semaphore_mem>>)
    %add3A_131 = arith.constant 320000 : i32
    %add3A_132 = arith.addi %add3A_131, %mul3A_2 : i32
    %add3A_133 = arith.constant 160 : i32
    %add3A_134 = arith.addi %add3A_132, %add3A_133 : i32
    %dma_start3A_135 = tpu.memref_slice %arg2[%add3A_134] : memref<640000xi32, #tpu.memory_space<hbm>> -> memref<40xi32, #tpu.memory_space<hbm>>
    %dma_start3A_136 = tpu.memref_slice %arg2[%add3A_134] : memref<640000xi32, #tpu.memory_space<hbm>> -> memref<40xi32, #tpu.memory_space<hbm>>
    tpu.enqueue_dma source(%dma_start3A_136 : memref<40xi32, #tpu.memory_space<hbm>>) target(%arg15 : memref<40xi32, #tpu.memory_space<vmem>>) target_semaphore(%arg30 : memref<!tpu.dma_semaphore, #tpu.memory_space<semaphore_mem>>)
    %add3A_137 = arith.constant 0 : i32
    %add3A_138 = arith.addi %mul3A_4, %add3A_137 : i32
    %dma_wait3A = arith.constant 0 : i32
    %dma_wait3A_139 = tpu.memref_slice %arg31[%add3A_138, %dma_wait3A] : memref<10000x128xf32, #tpu.memory_space<vmem_shared>> -> memref<40x128xf32, #tpu.memory_space<vmem_shared>>
    %dma_wait3A_140 = arith.constant 0 : i32
    %dma_wait3A_141 = tpu.memref_slice %arg31[%add3A_138, %dma_wait3A_140] : memref<10000x128xf32, #tpu.memory_space<vmem_shared>> -> memref<40x128xf32, #tpu.memory_space<vmem_shared>>
    tpu.wait_dma2 semaphore(%arg21 : memref<!tpu.dma_semaphore, #tpu.memory_space<semaphore_mem>>) src(%arg6 : memref<40x128xf32, #tpu.memory_space<vmem>>) dst(%dma_wait3A_141 : memref<40x128xf32, #tpu.memory_space<vmem_shared>>)
    %add3A_142 = arith.constant 40 : i32
    %add3A_143 = arith.addi %mul3A_4, %add3A_142 : i32
    %dma_wait3A_144 = arith.constant 0 : i32
    %dma_wait3A_145 = tpu.memref_slice %arg31[%add3A_143, %dma_wait3A_144] : memref<10000x128xf32, #tpu.memory_space<vmem_shared>> -> memref<40x128xf32, #tpu.memory_space<vmem_shared>>
    %dma_wait3A_146 = arith.constant 0 : i32
    %dma_wait3A_147 = tpu.memref_slice %arg31[%add3A_143, %dma_wait3A_146] : memref<10000x128xf32, #tpu.memory_space<vmem_shared>> -> memref<40x128xf32, #tpu.memory_space<vmem_shared>>
    tpu.wait_dma2 semaphore(%arg21 : memref<!tpu.dma_semaphore, #tpu.memory_space<semaphore_mem>>) src(%arg6 : memref<40x128xf32, #tpu.memory_space<vmem>>) dst(%dma_wait3A_147 : memref<40x128xf32, #tpu.memory_space<vmem_shared>>)
    %add3A_148 = arith.constant 80 : i32
    %add3A_149 = arith.addi %mul3A_4, %add3A_148 : i32
    %dma_wait3A_150 = arith.constant 0 : i32
    %dma_wait3A_151 = tpu.memref_slice %arg31[%add3A_149, %dma_wait3A_150] : memref<10000x128xf32, #tpu.memory_space<vmem_shared>> -> memref<40x128xf32, #tpu.memory_space<vmem_shared>>
    %dma_wait3A_152 = arith.constant 0 : i32
    %dma_wait3A_153 = tpu.memref_slice %arg31[%add3A_149, %dma_wait3A_152] : memref<10000x128xf32, #tpu.memory_space<vmem_shared>> -> memref<40x128xf32, #tpu.memory_space<vmem_shared>>
    tpu.wait_dma2 semaphore(%arg21 : memref<!tpu.dma_semaphore, #tpu.memory_space<semaphore_mem>>) src(%arg6 : memref<40x128xf32, #tpu.memory_space<vmem>>) dst(%dma_wait3A_153 : memref<40x128xf32, #tpu.memory_space<vmem_shared>>)
    %add3A_154 = arith.constant 120 : i32
    %add3A_155 = arith.addi %mul3A_4, %add3A_154 : i32
    %dma_wait3A_156 = arith.constant 0 : i32
    %dma_wait3A_157 = tpu.memref_slice %arg31[%add3A_155, %dma_wait3A_156] : memref<10000x128xf32, #tpu.memory_space<vmem_shared>> -> memref<40x128xf32, #tpu.memory_space<vmem_shared>>
    %dma_wait3A_158 = arith.constant 0 : i32
    %dma_wait3A_159 = tpu.memref_slice %arg31[%add3A_155, %dma_wait3A_158] : memref<10000x128xf32, #tpu.memory_space<vmem_shared>> -> memref<40x128xf32, #tpu.memory_space<vmem_shared>>
    tpu.wait_dma2 semaphore(%arg21 : memref<!tpu.dma_semaphore, #tpu.memory_space<semaphore_mem>>) src(%arg6 : memref<40x128xf32, #tpu.memory_space<vmem>>) dst(%dma_wait3A_159 : memref<40x128xf32, #tpu.memory_space<vmem_shared>>)
    %add3A_160 = arith.constant 160 : i32
    %add3A_161 = arith.addi %mul3A_4, %add3A_160 : i32
    %dma_wait3A_162 = arith.constant 0 : i32
    %dma_wait3A_163 = tpu.memref_slice %arg31[%add3A_161, %dma_wait3A_162] : memref<10000x128xf32, #tpu.memory_space<vmem_shared>> -> memref<40x128xf32, #tpu.memory_space<vmem_shared>>
    %dma_wait3A_164 = arith.constant 0 : i32
    %dma_wait3A_165 = tpu.memref_slice %arg31[%add3A_161, %dma_wait3A_164] : memref<10000x128xf32, #tpu.memory_space<vmem_shared>> -> memref<40x128xf32, #tpu.memory_space<vmem_shared>>
    tpu.wait_dma2 semaphore(%arg21 : memref<!tpu.dma_semaphore, #tpu.memory_space<semaphore_mem>>) src(%arg6 : memref<40x128xf32, #tpu.memory_space<vmem>>) dst(%dma_wait3A_165 : memref<40x128xf32, #tpu.memory_space<vmem_shared>>)
    %add3A_166 = arith.constant 200 : i32
    %add3A_167 = arith.addi %mul3A_4, %add3A_166 : i32
    %dma_wait3A_168 = arith.constant 0 : i32
    %dma_wait3A_169 = tpu.memref_slice %arg31[%add3A_167, %dma_wait3A_168] : memref<10000x128xf32, #tpu.memory_space<vmem_shared>> -> memref<40x128xf32, #tpu.memory_space<vmem_shared>>
    %dma_wait3A_170 = arith.constant 0 : i32
    %dma_wait3A_171 = tpu.memref_slice %arg31[%add3A_167, %dma_wait3A_170] : memref<10000x128xf32, #tpu.memory_space<vmem_shared>> -> memref<40x128xf32, #tpu.memory_space<vmem_shared>>
    tpu.wait_dma2 semaphore(%arg21 : memref<!tpu.dma_semaphore, #tpu.memory_space<semaphore_mem>>) src(%arg6 : memref<40x128xf32, #tpu.memory_space<vmem>>) dst(%dma_wait3A_171 : memref<40x128xf32, #tpu.memory_space<vmem_shared>>)
    %add3A_172 = arith.constant 240 : i32
    %add3A_173 = arith.addi %mul3A_4, %add3A_172 : i32
    %dma_wait3A_174 = arith.constant 0 : i32
    %dma_wait3A_175 = tpu.memref_slice %arg31[%add3A_173, %dma_wait3A_174] : memref<10000x128xf32, #tpu.memory_space<vmem_shared>> -> memref<40x128xf32, #tpu.memory_space<vmem_shared>>
    %dma_wait3A_176 = arith.constant 0 : i32
    %dma_wait3A_177 = tpu.memref_slice %arg31[%add3A_173, %dma_wait3A_176] : memref<10000x128xf32, #tpu.memory_space<vmem_shared>> -> memref<40x128xf32, #tpu.memory_space<vmem_shared>>
    tpu.wait_dma2 semaphore(%arg21 : memref<!tpu.dma_semaphore, #tpu.memory_space<semaphore_mem>>) src(%arg6 : memref<40x128xf32, #tpu.memory_space<vmem>>) dst(%dma_wait3A_177 : memref<40x128xf32, #tpu.memory_space<vmem_shared>>)
    %add3A_178 = arith.constant 280 : i32
    %add3A_179 = arith.addi %mul3A_4, %add3A_178 : i32
    %dma_wait3A_180 = arith.constant 0 : i32
    %dma_wait3A_181 = tpu.memref_slice %arg31[%add3A_179, %dma_wait3A_180] : memref<10000x128xf32, #tpu.memory_space<vmem_shared>> -> memref<40x128xf32, #tpu.memory_space<vmem_shared>>
    %dma_wait3A_182 = arith.constant 0 : i32
    %dma_wait3A_183 = tpu.memref_slice %arg31[%add3A_179, %dma_wait3A_182] : memref<10000x128xf32, #tpu.memory_space<vmem_shared>> -> memref<40x128xf32, #tpu.memory_space<vmem_shared>>
    tpu.wait_dma2 semaphore(%arg21 : memref<!tpu.dma_semaphore, #tpu.memory_space<semaphore_mem>>) src(%arg6 : memref<40x128xf32, #tpu.memory_space<vmem>>) dst(%dma_wait3A_183 : memref<40x128xf32, #tpu.memory_space<vmem_shared>>)
    %add3A_184 = arith.constant 320 : i32
    %add3A_185 = arith.addi %mul3A_4, %add3A_184 : i32
    %dma_wait3A_186 = arith.constant 0 : i32
    %dma_wait3A_187 = tpu.memref_slice %arg31[%add3A_185, %dma_wait3A_186] : memref<10000x128xf32, #tpu.memory_space<vmem_shared>> -> memref<40x128xf32, #tpu.memory_space<vmem_shared>>
    %dma_wait3A_188 = arith.constant 0 : i32
    %dma_wait3A_189 = tpu.memref_slice %arg31[%add3A_185, %dma_wait3A_188] : memref<10000x128xf32, #tpu.memory_space<vmem_shared>> -> memref<40x128xf32, #tpu.memory_space<vmem_shared>>
    tpu.wait_dma2 semaphore(%arg21 : memref<!tpu.dma_semaphore, #tpu.memory_space<semaphore_mem>>) src(%arg6 : memref<40x128xf32, #tpu.memory_space<vmem>>) dst(%dma_wait3A_189 : memref<40x128xf32, #tpu.memory_space<vmem_shared>>)
    %add3A_190 = arith.constant 360 : i32
    %add3A_191 = arith.addi %mul3A_4, %add3A_190 : i32
    %dma_wait3A_192 = arith.constant 0 : i32
    %dma_wait3A_193 = tpu.memref_slice %arg31[%add3A_191, %dma_wait3A_192] : memref<10000x128xf32, #tpu.memory_space<vmem_shared>> -> memref<40x128xf32, #tpu.memory_space<vmem_shared>>
    %dma_wait3A_194 = arith.constant 0 : i32
    %dma_wait3A_195 = tpu.memref_slice %arg31[%add3A_191, %dma_wait3A_194] : memref<10000x128xf32, #tpu.memory_space<vmem_shared>> -> memref<40x128xf32, #tpu.memory_space<vmem_shared>>
    tpu.wait_dma2 semaphore(%arg21 : memref<!tpu.dma_semaphore, #tpu.memory_space<semaphore_mem>>) src(%arg6 : memref<40x128xf32, #tpu.memory_space<vmem>>) dst(%dma_wait3A_195 : memref<40x128xf32, #tpu.memory_space<vmem_shared>>)
    %add3A_196 = arith.constant 400 : i32
    %add3A_197 = arith.addi %mul3A_4, %add3A_196 : i32
    %dma_wait3A_198 = arith.constant 0 : i32
    %dma_wait3A_199 = tpu.memref_slice %arg31[%add3A_197, %dma_wait3A_198] : memref<10000x128xf32, #tpu.memory_space<vmem_shared>> -> memref<40x128xf32, #tpu.memory_space<vmem_shared>>
    %dma_wait3A_200 = arith.constant 0 : i32
    %dma_wait3A_201 = tpu.memref_slice %arg31[%add3A_197, %dma_wait3A_200] : memref<10000x128xf32, #tpu.memory_space<vmem_shared>> -> memref<40x128xf32, #tpu.memory_space<vmem_shared>>
    tpu.wait_dma2 semaphore(%arg21 : memref<!tpu.dma_semaphore, #tpu.memory_space<semaphore_mem>>) src(%arg6 : memref<40x128xf32, #tpu.memory_space<vmem>>) dst(%dma_wait3A_201 : memref<40x128xf32, #tpu.memory_space<vmem_shared>>)
    %add3A_202 = arith.constant 440 : i32
    %add3A_203 = arith.addi %mul3A_4, %add3A_202 : i32
    %dma_wait3A_204 = arith.constant 0 : i32
    %dma_wait3A_205 = tpu.memref_slice %arg31[%add3A_203, %dma_wait3A_204] : memref<10000x128xf32, #tpu.memory_space<vmem_shared>> -> memref<40x128xf32, #tpu.memory_space<vmem_shared>>
    %dma_wait3A_206 = arith.constant 0 : i32
    %dma_wait3A_207 = tpu.memref_slice %arg31[%add3A_203, %dma_wait3A_206] : memref<10000x128xf32, #tpu.memory_space<vmem_shared>> -> memref<40x128xf32, #tpu.memory_space<vmem_shared>>
    tpu.wait_dma2 semaphore(%arg21 : memref<!tpu.dma_semaphore, #tpu.memory_space<semaphore_mem>>) src(%arg6 : memref<40x128xf32, #tpu.memory_space<vmem>>) dst(%dma_wait3A_207 : memref<40x128xf32, #tpu.memory_space<vmem_shared>>)
    %add3A_208 = arith.constant 480 : i32
    %add3A_209 = arith.addi %mul3A_4, %add3A_208 : i32
    %dma_wait3A_210 = arith.constant 0 : i32
    %dma_wait3A_211 = tpu.memref_slice %arg31[%add3A_209, %dma_wait3A_210] : memref<10000x128xf32, #tpu.memory_space<vmem_shared>> -> memref<40x128xf32, #tpu.memory_space<vmem_shared>>
    %dma_wait3A_212 = arith.constant 0 : i32
    %dma_wait3A_213 = tpu.memref_slice %arg31[%add3A_209, %dma_wait3A_212] : memref<10000x128xf32, #tpu.memory_space<vmem_shared>> -> memref<40x128xf32, #tpu.memory_space<vmem_shared>>
    tpu.wait_dma2 semaphore(%arg21 : memref<!tpu.dma_semaphore, #tpu.memory_space<semaphore_mem>>) src(%arg6 : memref<40x128xf32, #tpu.memory_space<vmem>>) dst(%dma_wait3A_213 : memref<40x128xf32, #tpu.memory_space<vmem_shared>>)
    %add3A_214 = arith.constant 520 : i32
    %add3A_215 = arith.addi %mul3A_4, %add3A_214 : i32
    %dma_wait3A_216 = arith.constant 0 : i32
    %dma_wait3A_217 = tpu.memref_slice %arg31[%add3A_215, %dma_wait3A_216] : memref<10000x128xf32, #tpu.memory_space<vmem_shared>> -> memref<40x128xf32, #tpu.memory_space<vmem_shared>>
    %dma_wait3A_218 = arith.constant 0 : i32
    %dma_wait3A_219 = tpu.memref_slice %arg31[%add3A_215, %dma_wait3A_218] : memref<10000x128xf32, #tpu.memory_space<vmem_shared>> -> memref<40x128xf32, #tpu.memory_space<vmem_shared>>
    tpu.wait_dma2 semaphore(%arg21 : memref<!tpu.dma_semaphore, #tpu.memory_space<semaphore_mem>>) src(%arg6 : memref<40x128xf32, #tpu.memory_space<vmem>>) dst(%dma_wait3A_219 : memref<40x128xf32, #tpu.memory_space<vmem_shared>>)
    %add3A_220 = arith.constant 560 : i32
    %add3A_221 = arith.addi %mul3A_4, %add3A_220 : i32
    %dma_wait3A_222 = arith.constant 0 : i32
    %dma_wait3A_223 = tpu.memref_slice %arg31[%add3A_221, %dma_wait3A_222] : memref<10000x128xf32, #tpu.memory_space<vmem_shared>> -> memref<40x128xf32, #tpu.memory_space<vmem_shared>>
    %dma_wait3A_224 = arith.constant 0 : i32
    %dma_wait3A_225 = tpu.memref_slice %arg31[%add3A_221, %dma_wait3A_224] : memref<10000x128xf32, #tpu.memory_space<vmem_shared>> -> memref<40x128xf32, #tpu.memory_space<vmem_shared>>
    tpu.wait_dma2 semaphore(%arg21 : memref<!tpu.dma_semaphore, #tpu.memory_space<semaphore_mem>>) src(%arg6 : memref<40x128xf32, #tpu.memory_space<vmem>>) dst(%dma_wait3A_225 : memref<40x128xf32, #tpu.memory_space<vmem_shared>>)
    %add3A_226 = arith.constant 600 : i32
    %add3A_227 = arith.addi %mul3A_4, %add3A_226 : i32
    %dma_wait3A_228 = arith.constant 0 : i32
    %dma_wait3A_229 = tpu.memref_slice %arg31[%add3A_227, %dma_wait3A_228] : memref<10000x128xf32, #tpu.memory_space<vmem_shared>> -> memref<40x128xf32, #tpu.memory_space<vmem_shared>>
    %dma_wait3A_230 = arith.constant 0 : i32
    %dma_wait3A_231 = tpu.memref_slice %arg31[%add3A_227, %dma_wait3A_230] : memref<10000x128xf32, #tpu.memory_space<vmem_shared>> -> memref<40x128xf32, #tpu.memory_space<vmem_shared>>
    tpu.wait_dma2 semaphore(%arg21 : memref<!tpu.dma_semaphore, #tpu.memory_space<semaphore_mem>>) src(%arg6 : memref<40x128xf32, #tpu.memory_space<vmem>>) dst(%dma_wait3A_231 : memref<40x128xf32, #tpu.memory_space<vmem_shared>>)
    %dma_wait3A_232 = tpu.memref_slice %arg2[%mul3A_2] : memref<640000xi32, #tpu.memory_space<hbm>> -> memref<10000xi32, #tpu.memory_space<hbm>>
    %dma_wait3A_233 = tpu.memref_slice %arg2[%mul3A_2] : memref<640000xi32, #tpu.memory_space<hbm>> -> memref<10000xi32, #tpu.memory_space<hbm>>
    tpu.wait_dma2 semaphore(%arg16 : memref<!tpu.dma_semaphore, #tpu.memory_space<semaphore_mem>>) src(%dma_wait3A_233 : memref<10000xi32, #tpu.memory_space<hbm>>) dst(%arg5 : memref<10000xi32, #tpu.memory_space<vmem>>)
    %barrier3A = arith.constant 0 : index
    tpu.barrier barrier_id(%barrier3A)
    %dma_start3A_234 = arith.constant 0 : i32
    %dma_start3A_235 = tpu.memref_slice %arg5[%dma_start3A_234] : memref<10000xi32, #tpu.memory_space<vmem>> -> memref<40xi32, #tpu.memory_space<vmem>>
    %dma_start3A_236 = arith.constant 0 : i32
    %dma_start3A_237 = arith.constant 0 : i32
    %dma_start3A_238 = tpu.memref_slice %arg3[%dma_start3A_236, %dma_start3A_237] : memref<10000x128xf32, #tpu.memory_space<hbm>> -> memref<10000x128xf32, #tpu.memory_space<hbm>>
    tpu.enqueue_indirect_dma source(%dma_start3A_238 : memref<10000x128xf32, #tpu.memory_space<hbm>>) target(%arg6 : memref<40x128xf32, #tpu.memory_space<vmem>>) offsets(%dma_start3A_235 : memref<40xi32, #tpu.memory_space<vmem>>) semaphore(%arg16 : memref<!tpu.dma_semaphore, #tpu.memory_space<semaphore_mem>>)
    %dma_start3A_239 = arith.constant 40 : i32
    %dma_start3A_240 = tpu.memref_slice %arg5[%dma_start3A_239] : memref<10000xi32, #tpu.memory_space<vmem>> -> memref<40xi32, #tpu.memory_space<vmem>>
    %dma_start3A_241 = arith.constant 0 : i32
    %dma_start3A_242 = arith.constant 0 : i32
    %dma_start3A_243 = tpu.memref_slice %arg3[%dma_start3A_241, %dma_start3A_242] : memref<10000x128xf32, #tpu.memory_space<hbm>> -> memref<10000x128xf32, #tpu.memory_space<hbm>>
    tpu.enqueue_indirect_dma source(%dma_start3A_243 : memref<10000x128xf32, #tpu.memory_space<hbm>>) target(%arg7 : memref<40x128xf32, #tpu.memory_space<vmem>>) offsets(%dma_start3A_240 : memref<40xi32, #tpu.memory_space<vmem>>) semaphore(%arg17 : memref<!tpu.dma_semaphore, #tpu.memory_space<semaphore_mem>>)
    %dma_start3A_244 = arith.constant 80 : i32
    %dma_start3A_245 = tpu.memref_slice %arg5[%dma_start3A_244] : memref<10000xi32, #tpu.memory_space<vmem>> -> memref<40xi32, #tpu.memory_space<vmem>>
    %dma_start3A_246 = arith.constant 0 : i32
    %dma_start3A_247 = arith.constant 0 : i32
    %dma_start3A_248 = tpu.memref_slice %arg3[%dma_start3A_246, %dma_start3A_247] : memref<10000x128xf32, #tpu.memory_space<hbm>> -> memref<10000x128xf32, #tpu.memory_space<hbm>>
    tpu.enqueue_indirect_dma source(%dma_start3A_248 : memref<10000x128xf32, #tpu.memory_space<hbm>>) target(%arg8 : memref<40x128xf32, #tpu.memory_space<vmem>>) offsets(%dma_start3A_245 : memref<40xi32, #tpu.memory_space<vmem>>) semaphore(%arg18 : memref<!tpu.dma_semaphore, #tpu.memory_space<semaphore_mem>>)
    %dma_start3A_249 = arith.constant 120 : i32
    %dma_start3A_250 = tpu.memref_slice %arg5[%dma_start3A_249] : memref<10000xi32, #tpu.memory_space<vmem>> -> memref<40xi32, #tpu.memory_space<vmem>>
    %dma_start3A_251 = arith.constant 0 : i32
    %dma_start3A_252 = arith.constant 0 : i32
    %dma_start3A_253 = tpu.memref_slice %arg3[%dma_start3A_251, %dma_start3A_252] : memref<10000x128xf32, #tpu.memory_space<hbm>> -> memref<10000x128xf32, #tpu.memory_space<hbm>>
    tpu.enqueue_indirect_dma source(%dma_start3A_253 : memref<10000x128xf32, #tpu.memory_space<hbm>>) target(%arg9 : memref<40x128xf32, #tpu.memory_space<vmem>>) offsets(%dma_start3A_250 : memref<40xi32, #tpu.memory_space<vmem>>) semaphore(%arg19 : memref<!tpu.dma_semaphore, #tpu.memory_space<semaphore_mem>>)
    %dma_start3A_254 = arith.constant 160 : i32
    %dma_start3A_255 = tpu.memref_slice %arg5[%dma_start3A_254] : memref<10000xi32, #tpu.memory_space<vmem>> -> memref<40xi32, #tpu.memory_space<vmem>>
    %dma_start3A_256 = arith.constant 0 : i32
    %dma_start3A_257 = arith.constant 0 : i32
    %dma_start3A_258 = tpu.memref_slice %arg3[%dma_start3A_256, %dma_start3A_257] : memref<10000x128xf32, #tpu.memory_space<hbm>> -> memref<10000x128xf32, #tpu.memory_space<hbm>>
    tpu.enqueue_indirect_dma source(%dma_start3A_258 : memref<10000x128xf32, #tpu.memory_space<hbm>>) target(%arg10 : memref<40x128xf32, #tpu.memory_space<vmem>>) offsets(%dma_start3A_255 : memref<40xi32, #tpu.memory_space<vmem>>) semaphore(%arg20 : memref<!tpu.dma_semaphore, #tpu.memory_space<semaphore_mem>>)
    %scan3A_259 = arith.constant 0 : i32
    %scan3A_260 = arith.constant 49 : i32
    %scan3A_261 = arith.addi %scan3A_259, %scan3A_260 : i32
    %scan3A_262 = arith.constant 1 : i32
    scf.for %scan3A_340 = %scan3A_259 to %scan3A_261 step %scan3A_262  : i32 {
      %mul3A_341 = arith.constant 5 : i32
      %mul3A_342 = arith.muli %scan3A_340, %mul3A_341 : i32
      %dma_wait3A_343 = arith.constant 0 : i32
      %dma_wait3A_344 = tpu.memref_slice %arg5[%dma_wait3A_343] : memref<10000xi32, #tpu.memory_space<vmem>> -> memref<40xi32, #tpu.memory_space<vmem>>
      %dma_wait3A_345 = arith.constant 0 : i32
      %dma_wait3A_346 = arith.constant 0 : i32
      %dma_wait3A_347 = tpu.memref_slice %arg3[%dma_wait3A_345, %dma_wait3A_346] : memref<10000x128xf32, #tpu.memory_space<hbm>> -> memref<10000x128xf32, #tpu.memory_space<hbm>>
      tpu.wait_indirect_dma semaphore(%arg16 : memref<!tpu.dma_semaphore, #tpu.memory_space<semaphore_mem>>) src(%dma_wait3A_347 : memref<10000x128xf32, #tpu.memory_space<hbm>>) dst(%arg6 : memref<40x128xf32, #tpu.memory_space<vmem>>)
      %add3A_348 = arith.constant 320000 : i32
      %add3A_349 = arith.addi %add3A_348, %mul3A_2 : i32
      %dma_wait3A_350 = tpu.memref_slice %arg2[%add3A_349] : memref<640000xi32, #tpu.memory_space<hbm>> -> memref<40xi32, #tpu.memory_space<hbm>>
      %dma_wait3A_351 = tpu.memref_slice %arg2[%add3A_349] : memref<640000xi32, #tpu.memory_space<hbm>> -> memref<40xi32, #tpu.memory_space<hbm>>
      tpu.wait_dma2 semaphore(%arg26 : memref<!tpu.dma_semaphore, #tpu.memory_space<semaphore_mem>>) src(%dma_wait3A_351 : memref<40xi32, #tpu.memory_space<hbm>>) dst(%arg11 : memref<40xi32, #tpu.memory_space<vmem>>)
      %dma_start3A_352 = arith.constant 0 : i32
      %dma_start3A_353 = arith.constant 0 : i32
      %dma_start3A_354 = tpu.memref_slice %arg31[%dma_start3A_352, %dma_start3A_353] : memref<10000x128xf32, #tpu.memory_space<vmem_shared>> -> memref<10000x128xf32, #tpu.memory_space<vmem_shared>>
      tpu.enqueue_indirect_dma source(%arg6 : memref<40x128xf32, #tpu.memory_space<vmem>>) target(%dma_start3A_354 : memref<10000x128xf32, #tpu.memory_space<vmem_shared>>) offsets(%arg11 : memref<40xi32, #tpu.memory_space<vmem>>) semaphore(%arg21 : memref<!tpu.dma_semaphore, #tpu.memory_space<semaphore_mem>>) {add = true}
      %dma_wait3A_355 = arith.constant 0 : i32
      %dma_wait3A_356 = tpu.memref_slice %arg5[%dma_wait3A_355] : memref<10000xi32, #tpu.memory_space<vmem>> -> memref<40xi32, #tpu.memory_space<vmem>>
      %dma_wait3A_357 = arith.constant 0 : i32
      %dma_wait3A_358 = arith.constant 0 : i32
      %dma_wait3A_359 = tpu.memref_slice %arg3[%dma_wait3A_357, %dma_wait3A_358] : memref<10000x128xf32, #tpu.memory_space<hbm>> -> memref<10000x128xf32, #tpu.memory_space<hbm>>
      tpu.wait_indirect_dma semaphore(%arg17 : memref<!tpu.dma_semaphore, #tpu.memory_space<semaphore_mem>>) src(%dma_wait3A_359 : memref<10000x128xf32, #tpu.memory_space<hbm>>) dst(%arg7 : memref<40x128xf32, #tpu.memory_space<vmem>>)
      %add3A_360 = arith.constant 320000 : i32
      %add3A_361 = arith.addi %add3A_360, %mul3A_2 : i32
      %dma_wait3A_362 = tpu.memref_slice %arg2[%add3A_361] : memref<640000xi32, #tpu.memory_space<hbm>> -> memref<40xi32, #tpu.memory_space<hbm>>
      %dma_wait3A_363 = tpu.memref_slice %arg2[%add3A_361] : memref<640000xi32, #tpu.memory_space<hbm>> -> memref<40xi32, #tpu.memory_space<hbm>>
      tpu.wait_dma2 semaphore(%arg27 : memref<!tpu.dma_semaphore, #tpu.memory_space<semaphore_mem>>) src(%dma_wait3A_363 : memref<40xi32, #tpu.memory_space<hbm>>) dst(%arg12 : memref<40xi32, #tpu.memory_space<vmem>>)
      %dma_start3A_364 = arith.constant 0 : i32
      %dma_start3A_365 = arith.constant 0 : i32
      %dma_start3A_366 = tpu.memref_slice %arg31[%dma_start3A_364, %dma_start3A_365] : memref<10000x128xf32, #tpu.memory_space<vmem_shared>> -> memref<10000x128xf32, #tpu.memory_space<vmem_shared>>
      tpu.enqueue_indirect_dma source(%arg7 : memref<40x128xf32, #tpu.memory_space<vmem>>) target(%dma_start3A_366 : memref<10000x128xf32, #tpu.memory_space<vmem_shared>>) offsets(%arg12 : memref<40xi32, #tpu.memory_space<vmem>>) semaphore(%arg22 : memref<!tpu.dma_semaphore, #tpu.memory_space<semaphore_mem>>) {add = true}
      %dma_wait3A_367 = arith.constant 0 : i32
      %dma_wait3A_368 = tpu.memref_slice %arg5[%dma_wait3A_367] : memref<10000xi32, #tpu.memory_space<vmem>> -> memref<40xi32, #tpu.memory_space<vmem>>
      %dma_wait3A_369 = arith.constant 0 : i32
      %dma_wait3A_370 = arith.constant 0 : i32
      %dma_wait3A_371 = tpu.memref_slice %arg3[%dma_wait3A_369, %dma_wait3A_370] : memref<10000x128xf32, #tpu.memory_space<hbm>> -> memref<10000x128xf32, #tpu.memory_space<hbm>>
      tpu.wait_indirect_dma semaphore(%arg18 : memref<!tpu.dma_semaphore, #tpu.memory_space<semaphore_mem>>) src(%dma_wait3A_371 : memref<10000x128xf32, #tpu.memory_space<hbm>>) dst(%arg8 : memref<40x128xf32, #tpu.memory_space<vmem>>)
      %add3A_372 = arith.constant 320000 : i32
      %add3A_373 = arith.addi %add3A_372, %mul3A_2 : i32
      %dma_wait3A_374 = tpu.memref_slice %arg2[%add3A_373] : memref<640000xi32, #tpu.memory_space<hbm>> -> memref<40xi32, #tpu.memory_space<hbm>>
      %dma_wait3A_375 = tpu.memref_slice %arg2[%add3A_373] : memref<640000xi32, #tpu.memory_space<hbm>> -> memref<40xi32, #tpu.memory_space<hbm>>
      tpu.wait_dma2 semaphore(%arg28 : memref<!tpu.dma_semaphore, #tpu.memory_space<semaphore_mem>>) src(%dma_wait3A_375 : memref<40xi32, #tpu.memory_space<hbm>>) dst(%arg13 : memref<40xi32, #tpu.memory_space<vmem>>)
      %dma_start3A_376 = arith.constant 0 : i32
      %dma_start3A_377 = arith.constant 0 : i32
      %dma_start3A_378 = tpu.memref_slice %arg31[%dma_start3A_376, %dma_start3A_377] : memref<10000x128xf32, #tpu.memory_space<vmem_shared>> -> memref<10000x128xf32, #tpu.memory_space<vmem_shared>>
      tpu.enqueue_indirect_dma source(%arg8 : memref<40x128xf32, #tpu.memory_space<vmem>>) target(%dma_start3A_378 : memref<10000x128xf32, #tpu.memory_space<vmem_shared>>) offsets(%arg13 : memref<40xi32, #tpu.memory_space<vmem>>) semaphore(%arg23 : memref<!tpu.dma_semaphore, #tpu.memory_space<semaphore_mem>>) {add = true}
      %dma_wait3A_379 = arith.constant 0 : i32
      %dma_wait3A_380 = tpu.memref_slice %arg5[%dma_wait3A_379] : memref<10000xi32, #tpu.memory_space<vmem>> -> memref<40xi32, #tpu.memory_space<vmem>>
      %dma_wait3A_381 = arith.constant 0 : i32
      %dma_wait3A_382 = arith.constant 0 : i32
      %dma_wait3A_383 = tpu.memref_slice %arg3[%dma_wait3A_381, %dma_wait3A_382] : memref<10000x128xf32, #tpu.memory_space<hbm>> -> memref<10000x128xf32, #tpu.memory_space<hbm>>
      tpu.wait_indirect_dma semaphore(%arg19 : memref<!tpu.dma_semaphore, #tpu.memory_space<semaphore_mem>>) src(%dma_wait3A_383 : memref<10000x128xf32, #tpu.memory_space<hbm>>) dst(%arg9 : memref<40x128xf32, #tpu.memory_space<vmem>>)
      %add3A_384 = arith.constant 320000 : i32
      %add3A_385 = arith.addi %add3A_384, %mul3A_2 : i32
      %dma_wait3A_386 = tpu.memref_slice %arg2[%add3A_385] : memref<640000xi32, #tpu.memory_space<hbm>> -> memref<40xi32, #tpu.memory_space<hbm>>
      %dma_wait3A_387 = tpu.memref_slice %arg2[%add3A_385] : memref<640000xi32, #tpu.memory_space<hbm>> -> memref<40xi32, #tpu.memory_space<hbm>>
      tpu.wait_dma2 semaphore(%arg29 : memref<!tpu.dma_semaphore, #tpu.memory_space<semaphore_mem>>) src(%dma_wait3A_387 : memref<40xi32, #tpu.memory_space<hbm>>) dst(%arg14 : memref<40xi32, #tpu.memory_space<vmem>>)
      %dma_start3A_388 = arith.constant 0 : i32
      %dma_start3A_389 = arith.constant 0 : i32
      %dma_start3A_390 = tpu.memref_slice %arg31[%dma_start3A_388, %dma_start3A_389] : memref<10000x128xf32, #tpu.memory_space<vmem_shared>> -> memref<10000x128xf32, #tpu.memory_space<vmem_shared>>
      tpu.enqueue_indirect_dma source(%arg9 : memref<40x128xf32, #tpu.memory_space<vmem>>) target(%dma_start3A_390 : memref<10000x128xf32, #tpu.memory_space<vmem_shared>>) offsets(%arg14 : memref<40xi32, #tpu.memory_space<vmem>>) semaphore(%arg24 : memref<!tpu.dma_semaphore, #tpu.memory_space<semaphore_mem>>) {add = true}
      %dma_wait3A_391 = arith.constant 0 : i32
      %dma_wait3A_392 = tpu.memref_slice %arg5[%dma_wait3A_391] : memref<10000xi32, #tpu.memory_space<vmem>> -> memref<40xi32, #tpu.memory_space<vmem>>
      %dma_wait3A_393 = arith.constant 0 : i32
      %dma_wait3A_394 = arith.constant 0 : i32
      %dma_wait3A_395 = tpu.memref_slice %arg3[%dma_wait3A_393, %dma_wait3A_394] : memref<10000x128xf32, #tpu.memory_space<hbm>> -> memref<10000x128xf32, #tpu.memory_space<hbm>>
      tpu.wait_indirect_dma semaphore(%arg20 : memref<!tpu.dma_semaphore, #tpu.memory_space<semaphore_mem>>) src(%dma_wait3A_395 : memref<10000x128xf32, #tpu.memory_space<hbm>>) dst(%arg10 : memref<40x128xf32, #tpu.memory_space<vmem>>)
      %add3A_396 = arith.constant 320000 : i32
      %add3A_397 = arith.addi %add3A_396, %mul3A_2 : i32
      %dma_wait3A_398 = tpu.memref_slice %arg2[%add3A_397] : memref<640000xi32, #tpu.memory_space<hbm>> -> memref<40xi32, #tpu.memory_space<hbm>>
      %dma_wait3A_399 = tpu.memref_slice %arg2[%add3A_397] : memref<640000xi32, #tpu.memory_space<hbm>> -> memref<40xi32, #tpu.memory_space<hbm>>
      tpu.wait_dma2 semaphore(%arg30 : memref<!tpu.dma_semaphore, #tpu.memory_space<semaphore_mem>>) src(%dma_wait3A_399 : memref<40xi32, #tpu.memory_space<hbm>>) dst(%arg15 : memref<40xi32, #tpu.memory_space<vmem>>)
      %dma_start3A_400 = arith.constant 0 : i32
      %dma_start3A_401 = arith.constant 0 : i32
      %dma_start3A_402 = tpu.memref_slice %arg31[%dma_start3A_400, %dma_start3A_401] : memref<10000x128xf32, #tpu.memory_space<vmem_shared>> -> memref<10000x128xf32, #tpu.memory_space<vmem_shared>>
      tpu.enqueue_indirect_dma source(%arg10 : memref<40x128xf32, #tpu.memory_space<vmem>>) target(%dma_start3A_402 : memref<10000x128xf32, #tpu.memory_space<vmem_shared>>) offsets(%arg15 : memref<40xi32, #tpu.memory_space<vmem>>) semaphore(%arg25 : memref<!tpu.dma_semaphore, #tpu.memory_space<semaphore_mem>>) {add = true}
      %dma_wait3A_403 = arith.constant 0 : i32
      %dma_wait3A_404 = arith.constant 0 : i32
      %dma_wait3A_405 = tpu.memref_slice %arg31[%dma_wait3A_403, %dma_wait3A_404] : memref<10000x128xf32, #tpu.memory_space<vmem_shared>> -> memref<10000x128xf32, #tpu.memory_space<vmem_shared>>
      tpu.wait_indirect_dma semaphore(%arg21 : memref<!tpu.dma_semaphore, #tpu.memory_space<semaphore_mem>>) src(%arg6 : memref<40x128xf32, #tpu.memory_space<vmem>>) dst(%dma_wait3A_405 : memref<10000x128xf32, #tpu.memory_space<vmem_shared>>)
      %add3A_406 = arith.constant 5 : i32
      %add3A_407 = arith.addi %mul3A_342, %add3A_406 : i32
      %add3A_408 = arith.constant 0 : i32
      %add3A_409 = arith.addi %add3A_407, %add3A_408 : i32
      %add3A_410 = arith.constant 320000 : i32
      %add3A_411 = arith.addi %add3A_410, %mul3A_2 : i32
      %mul3A_412 = arith.constant 40 : i32
      %mul3A_413 = arith.muli %add3A_409, %mul3A_412 : i32
      %add3A_414 = arith.addi %add3A_411, %mul3A_413 : i32
      %dma_start3A_415 = tpu.memref_slice %arg2[%add3A_414] : memref<640000xi32, #tpu.memory_space<hbm>> -> memref<40xi32, #tpu.memory_space<hbm>>
      %dma_start3A_416 = tpu.memref_slice %arg2[%add3A_414] : memref<640000xi32, #tpu.memory_space<hbm>> -> memref<40xi32, #tpu.memory_space<hbm>>
      tpu.enqueue_dma source(%dma_start3A_416 : memref<40xi32, #tpu.memory_space<hbm>>) target(%arg11 : memref<40xi32, #tpu.memory_space<vmem>>) target_semaphore(%arg26 : memref<!tpu.dma_semaphore, #tpu.memory_space<semaphore_mem>>)
      %add3A_417 = arith.constant 5 : i32
      %add3A_418 = arith.addi %mul3A_342, %add3A_417 : i32
      %add3A_419 = arith.constant 0 : i32
      %add3A_420 = arith.addi %add3A_418, %add3A_419 : i32
      %mul3A_421 = arith.constant 40 : i32
      %mul3A_422 = arith.muli %add3A_420, %mul3A_421 : i32
      %dma_start3A_423 = tpu.memref_slice %arg5[%mul3A_422] : memref<10000xi32, #tpu.memory_space<vmem>> -> memref<40xi32, #tpu.memory_space<vmem>>
      %dma_start3A_424 = arith.constant 0 : i32
      %dma_start3A_425 = arith.constant 0 : i32
      %dma_start3A_426 = tpu.memref_slice %arg3[%dma_start3A_424, %dma_start3A_425] : memref<10000x128xf32, #tpu.memory_space<hbm>> -> memref<10000x128xf32, #tpu.memory_space<hbm>>
      tpu.enqueue_indirect_dma source(%dma_start3A_426 : memref<10000x128xf32, #tpu.memory_space<hbm>>) target(%arg6 : memref<40x128xf32, #tpu.memory_space<vmem>>) offsets(%dma_start3A_423 : memref<40xi32, #tpu.memory_space<vmem>>) semaphore(%arg16 : memref<!tpu.dma_semaphore, #tpu.memory_space<semaphore_mem>>)
      %dma_wait3A_427 = arith.constant 0 : i32
      %dma_wait3A_428 = arith.constant 0 : i32
      %dma_wait3A_429 = tpu.memref_slice %arg31[%dma_wait3A_427, %dma_wait3A_428] : memref<10000x128xf32, #tpu.memory_space<vmem_shared>> -> memref<10000x128xf32, #tpu.memory_space<vmem_shared>>
      tpu.wait_indirect_dma semaphore(%arg22 : memref<!tpu.dma_semaphore, #tpu.memory_space<semaphore_mem>>) src(%arg7 : memref<40x128xf32, #tpu.memory_space<vmem>>) dst(%dma_wait3A_429 : memref<10000x128xf32, #tpu.memory_space<vmem_shared>>)
      %add3A_430 = arith.constant 5 : i32
      %add3A_431 = arith.addi %mul3A_342, %add3A_430 : i32
      %add3A_432 = arith.constant 1 : i32
      %add3A_433 = arith.addi %add3A_431, %add3A_432 : i32
      %add3A_434 = arith.constant 320000 : i32
      %add3A_435 = arith.addi %add3A_434, %mul3A_2 : i32
      %mul3A_436 = arith.constant 40 : i32
      %mul3A_437 = arith.muli %add3A_433, %mul3A_436 : i32
      %add3A_438 = arith.addi %add3A_435, %mul3A_437 : i32
      %dma_start3A_439 = tpu.memref_slice %arg2[%add3A_438] : memref<640000xi32, #tpu.memory_space<hbm>> -> memref<40xi32, #tpu.memory_space<hbm>>
      %dma_start3A_440 = tpu.memref_slice %arg2[%add3A_438] : memref<640000xi32, #tpu.memory_space<hbm>> -> memref<40xi32, #tpu.memory_space<hbm>>
      tpu.enqueue_dma source(%dma_start3A_440 : memref<40xi32, #tpu.memory_space<hbm>>) target(%arg12 : memref<40xi32, #tpu.memory_space<vmem>>) target_semaphore(%arg27 : memref<!tpu.dma_semaphore, #tpu.memory_space<semaphore_mem>>)
      %add3A_441 = arith.constant 5 : i32
      %add3A_442 = arith.addi %mul3A_342, %add3A_441 : i32
      %add3A_443 = arith.constant 1 : i32
      %add3A_444 = arith.addi %add3A_442, %add3A_443 : i32
      %mul3A_445 = arith.constant 40 : i32
      %mul3A_446 = arith.muli %add3A_444, %mul3A_445 : i32
      %dma_start3A_447 = tpu.memref_slice %arg5[%mul3A_446] : memref<10000xi32, #tpu.memory_space<vmem>> -> memref<40xi32, #tpu.memory_space<vmem>>
      %dma_start3A_448 = arith.constant 0 : i32
      %dma_start3A_449 = arith.constant 0 : i32
      %dma_start3A_450 = tpu.memref_slice %arg3[%dma_start3A_448, %dma_start3A_449] : memref<10000x128xf32, #tpu.memory_space<hbm>> -> memref<10000x128xf32, #tpu.memory_space<hbm>>
      tpu.enqueue_indirect_dma source(%dma_start3A_450 : memref<10000x128xf32, #tpu.memory_space<hbm>>) target(%arg7 : memref<40x128xf32, #tpu.memory_space<vmem>>) offsets(%dma_start3A_447 : memref<40xi32, #tpu.memory_space<vmem>>) semaphore(%arg17 : memref<!tpu.dma_semaphore, #tpu.memory_space<semaphore_mem>>)
      %dma_wait3A_451 = arith.constant 0 : i32
      %dma_wait3A_452 = arith.constant 0 : i32
      %dma_wait3A_453 = tpu.memref_slice %arg31[%dma_wait3A_451, %dma_wait3A_452] : memref<10000x128xf32, #tpu.memory_space<vmem_shared>> -> memref<10000x128xf32, #tpu.memory_space<vmem_shared>>
      tpu.wait_indirect_dma semaphore(%arg23 : memref<!tpu.dma_semaphore, #tpu.memory_space<semaphore_mem>>) src(%arg8 : memref<40x128xf32, #tpu.memory_space<vmem>>) dst(%dma_wait3A_453 : memref<10000x128xf32, #tpu.memory_space<vmem_shared>>)
      %add3A_454 = arith.constant 5 : i32
      %add3A_455 = arith.addi %mul3A_342, %add3A_454 : i32
      %add3A_456 = arith.constant 2 : i32
      %add3A_457 = arith.addi %add3A_455, %add3A_456 : i32
      %add3A_458 = arith.constant 320000 : i32
      %add3A_459 = arith.addi %add3A_458, %mul3A_2 : i32
      %mul3A_460 = arith.constant 40 : i32
      %mul3A_461 = arith.muli %add3A_457, %mul3A_460 : i32
      %add3A_462 = arith.addi %add3A_459, %mul3A_461 : i32
      %dma_start3A_463 = tpu.memref_slice %arg2[%add3A_462] : memref<640000xi32, #tpu.memory_space<hbm>> -> memref<40xi32, #tpu.memory_space<hbm>>
      %dma_start3A_464 = tpu.memref_slice %arg2[%add3A_462] : memref<640000xi32, #tpu.memory_space<hbm>> -> memref<40xi32, #tpu.memory_space<hbm>>
      tpu.enqueue_dma source(%dma_start3A_464 : memref<40xi32, #tpu.memory_space<hbm>>) target(%arg13 : memref<40xi32, #tpu.memory_space<vmem>>) target_semaphore(%arg28 : memref<!tpu.dma_semaphore, #tpu.memory_space<semaphore_mem>>)
      %add3A_465 = arith.constant 5 : i32
      %add3A_466 = arith.addi %mul3A_342, %add3A_465 : i32
      %add3A_467 = arith.constant 2 : i32
      %add3A_468 = arith.addi %add3A_466, %add3A_467 : i32
      %mul3A_469 = arith.constant 40 : i32
      %mul3A_470 = arith.muli %add3A_468, %mul3A_469 : i32
      %dma_start3A_471 = tpu.memref_slice %arg5[%mul3A_470] : memref<10000xi32, #tpu.memory_space<vmem>> -> memref<40xi32, #tpu.memory_space<vmem>>
      %dma_start3A_472 = arith.constant 0 : i32
      %dma_start3A_473 = arith.constant 0 : i32
      %dma_start3A_474 = tpu.memref_slice %arg3[%dma_start3A_472, %dma_start3A_473] : memref<10000x128xf32, #tpu.memory_space<hbm>> -> memref<10000x128xf32, #tpu.memory_space<hbm>>
      tpu.enqueue_indirect_dma source(%dma_start3A_474 : memref<10000x128xf32, #tpu.memory_space<hbm>>) target(%arg8 : memref<40x128xf32, #tpu.memory_space<vmem>>) offsets(%dma_start3A_471 : memref<40xi32, #tpu.memory_space<vmem>>) semaphore(%arg18 : memref<!tpu.dma_semaphore, #tpu.memory_space<semaphore_mem>>)
      %dma_wait3A_475 = arith.constant 0 : i32
      %dma_wait3A_476 = arith.constant 0 : i32
      %dma_wait3A_477 = tpu.memref_slice %arg31[%dma_wait3A_475, %dma_wait3A_476] : memref<10000x128xf32, #tpu.memory_space<vmem_shared>> -> memref<10000x128xf32, #tpu.memory_space<vmem_shared>>
      tpu.wait_indirect_dma semaphore(%arg24 : memref<!tpu.dma_semaphore, #tpu.memory_space<semaphore_mem>>) src(%arg9 : memref<40x128xf32, #tpu.memory_space<vmem>>) dst(%dma_wait3A_477 : memref<10000x128xf32, #tpu.memory_space<vmem_shared>>)
      %add3A_478 = arith.constant 5 : i32
      %add3A_479 = arith.addi %mul3A_342, %add3A_478 : i32
      %add3A_480 = arith.constant 3 : i32
      %add3A_481 = arith.addi %add3A_479, %add3A_480 : i32
      %add3A_482 = arith.constant 320000 : i32
      %add3A_483 = arith.addi %add3A_482, %mul3A_2 : i32
      %mul3A_484 = arith.constant 40 : i32
      %mul3A_485 = arith.muli %add3A_481, %mul3A_484 : i32
      %add3A_486 = arith.addi %add3A_483, %mul3A_485 : i32
      %dma_start3A_487 = tpu.memref_slice %arg2[%add3A_486] : memref<640000xi32, #tpu.memory_space<hbm>> -> memref<40xi32, #tpu.memory_space<hbm>>
      %dma_start3A_488 = tpu.memref_slice %arg2[%add3A_486] : memref<640000xi32, #tpu.memory_space<hbm>> -> memref<40xi32, #tpu.memory_space<hbm>>
      tpu.enqueue_dma source(%dma_start3A_488 : memref<40xi32, #tpu.memory_space<hbm>>) target(%arg14 : memref<40xi32, #tpu.memory_space<vmem>>) target_semaphore(%arg29 : memref<!tpu.dma_semaphore, #tpu.memory_space<semaphore_mem>>)
      %add3A_489 = arith.constant 5 : i32
      %add3A_490 = arith.addi %mul3A_342, %add3A_489 : i32
      %add3A_491 = arith.constant 3 : i32
      %add3A_492 = arith.addi %add3A_490, %add3A_491 : i32
      %mul3A_493 = arith.constant 40 : i32
      %mul3A_494 = arith.muli %add3A_492, %mul3A_493 : i32
      %dma_start3A_495 = tpu.memref_slice %arg5[%mul3A_494] : memref<10000xi32, #tpu.memory_space<vmem>> -> memref<40xi32, #tpu.memory_space<vmem>>
      %dma_start3A_496 = arith.constant 0 : i32
      %dma_start3A_497 = arith.constant 0 : i32
      %dma_start3A_498 = tpu.memref_slice %arg3[%dma_start3A_496, %dma_start3A_497] : memref<10000x128xf32, #tpu.memory_space<hbm>> -> memref<10000x128xf32, #tpu.memory_space<hbm>>
      tpu.enqueue_indirect_dma source(%dma_start3A_498 : memref<10000x128xf32, #tpu.memory_space<hbm>>) target(%arg9 : memref<40x128xf32, #tpu.memory_space<vmem>>) offsets(%dma_start3A_495 : memref<40xi32, #tpu.memory_space<vmem>>) semaphore(%arg19 : memref<!tpu.dma_semaphore, #tpu.memory_space<semaphore_mem>>)
      %dma_wait3A_499 = arith.constant 0 : i32
      %dma_wait3A_500 = arith.constant 0 : i32
      %dma_wait3A_501 = tpu.memref_slice %arg31[%dma_wait3A_499, %dma_wait3A_500] : memref<10000x128xf32, #tpu.memory_space<vmem_shared>> -> memref<10000x128xf32, #tpu.memory_space<vmem_shared>>
      tpu.wait_indirect_dma semaphore(%arg25 : memref<!tpu.dma_semaphore, #tpu.memory_space<semaphore_mem>>) src(%arg10 : memref<40x128xf32, #tpu.memory_space<vmem>>) dst(%dma_wait3A_501 : memref<10000x128xf32, #tpu.memory_space<vmem_shared>>)
      %add3A_502 = arith.constant 5 : i32
      %add3A_503 = arith.addi %mul3A_342, %add3A_502 : i32
      %add3A_504 = arith.constant 4 : i32
      %add3A_505 = arith.addi %add3A_503, %add3A_504 : i32
      %add3A_506 = arith.constant 320000 : i32
      %add3A_507 = arith.addi %add3A_506, %mul3A_2 : i32
      %mul3A_508 = arith.constant 40 : i32
      %mul3A_509 = arith.muli %add3A_505, %mul3A_508 : i32
      %add3A_510 = arith.addi %add3A_507, %mul3A_509 : i32
      %dma_start3A_511 = tpu.memref_slice %arg2[%add3A_510] : memref<640000xi32, #tpu.memory_space<hbm>> -> memref<40xi32, #tpu.memory_space<hbm>>
      %dma_start3A_512 = tpu.memref_slice %arg2[%add3A_510] : memref<640000xi32, #tpu.memory_space<hbm>> -> memref<40xi32, #tpu.memory_space<hbm>>
      tpu.enqueue_dma source(%dma_start3A_512 : memref<40xi32, #tpu.memory_space<hbm>>) target(%arg15 : memref<40xi32, #tpu.memory_space<vmem>>) target_semaphore(%arg30 : memref<!tpu.dma_semaphore, #tpu.memory_space<semaphore_mem>>)
      %add3A_513 = arith.constant 5 : i32
      %add3A_514 = arith.addi %mul3A_342, %add3A_513 : i32
      %add3A_515 = arith.constant 4 : i32
      %add3A_516 = arith.addi %add3A_514, %add3A_515 : i32
      %mul3A_517 = arith.constant 40 : i32
      %mul3A_518 = arith.muli %add3A_516, %mul3A_517 : i32
      %dma_start3A_519 = tpu.memref_slice %arg5[%mul3A_518] : memref<10000xi32, #tpu.memory_space<vmem>> -> memref<40xi32, #tpu.memory_space<vmem>>
      %dma_start3A_520 = arith.constant 0 : i32
      %dma_start3A_521 = arith.constant 0 : i32
      %dma_start3A_522 = tpu.memref_slice %arg3[%dma_start3A_520, %dma_start3A_521] : memref<10000x128xf32, #tpu.memory_space<hbm>> -> memref<10000x128xf32, #tpu.memory_space<hbm>>
      tpu.enqueue_indirect_dma source(%dma_start3A_522 : memref<10000x128xf32, #tpu.memory_space<hbm>>) target(%arg10 : memref<40x128xf32, #tpu.memory_space<vmem>>) offsets(%dma_start3A_519 : memref<40xi32, #tpu.memory_space<vmem>>) semaphore(%arg20 : memref<!tpu.dma_semaphore, #tpu.memory_space<semaphore_mem>>)
    }
    %scan3A_263 = arith.constant 49 : i32
    %dma_wait3A_264 = arith.constant 0 : i32
    %dma_wait3A_265 = tpu.memref_slice %arg5[%dma_wait3A_264] : memref<10000xi32, #tpu.memory_space<vmem>> -> memref<40xi32, #tpu.memory_space<vmem>>
    %dma_wait3A_266 = arith.constant 0 : i32
    %dma_wait3A_267 = arith.constant 0 : i32
    %dma_wait3A_268 = tpu.memref_slice %arg3[%dma_wait3A_266, %dma_wait3A_267] : memref<10000x128xf32, #tpu.memory_space<hbm>> -> memref<10000x128xf32, #tpu.memory_space<hbm>>
    tpu.wait_indirect_dma semaphore(%arg16 : memref<!tpu.dma_semaphore, #tpu.memory_space<semaphore_mem>>) src(%dma_wait3A_268 : memref<10000x128xf32, #tpu.memory_space<hbm>>) dst(%arg6 : memref<40x128xf32, #tpu.memory_space<vmem>>)
    %add3A_269 = arith.constant 320000 : i32
    %add3A_270 = arith.addi %add3A_269, %mul3A_2 : i32
    %dma_wait3A_271 = tpu.memref_slice %arg2[%add3A_270] : memref<640000xi32, #tpu.memory_space<hbm>> -> memref<40xi32, #tpu.memory_space<hbm>>
    %dma_wait3A_272 = tpu.memref_slice %arg2[%add3A_270] : memref<640000xi32, #tpu.memory_space<hbm>> -> memref<40xi32, #tpu.memory_space<hbm>>
    tpu.wait_dma2 semaphore(%arg26 : memref<!tpu.dma_semaphore, #tpu.memory_space<semaphore_mem>>) src(%dma_wait3A_272 : memref<40xi32, #tpu.memory_space<hbm>>) dst(%arg11 : memref<40xi32, #tpu.memory_space<vmem>>)
    %dma_start3A_273 = arith.constant 0 : i32
    %dma_start3A_274 = arith.constant 0 : i32
    %dma_start3A_275 = tpu.memref_slice %arg31[%dma_start3A_273, %dma_start3A_274] : memref<10000x128xf32, #tpu.memory_space<vmem_shared>> -> memref<10000x128xf32, #tpu.memory_space<vmem_shared>>
    tpu.enqueue_indirect_dma source(%arg6 : memref<40x128xf32, #tpu.memory_space<vmem>>) target(%dma_start3A_275 : memref<10000x128xf32, #tpu.memory_space<vmem_shared>>) offsets(%arg11 : memref<40xi32, #tpu.memory_space<vmem>>) semaphore(%arg21 : memref<!tpu.dma_semaphore, #tpu.memory_space<semaphore_mem>>) {add = true}
    %dma_wait3A_276 = arith.constant 0 : i32
    %dma_wait3A_277 = tpu.memref_slice %arg5[%dma_wait3A_276] : memref<10000xi32, #tpu.memory_space<vmem>> -> memref<40xi32, #tpu.memory_space<vmem>>
    %dma_wait3A_278 = arith.constant 0 : i32
    %dma_wait3A_279 = arith.constant 0 : i32
    %dma_wait3A_280 = tpu.memref_slice %arg3[%dma_wait3A_278, %dma_wait3A_279] : memref<10000x128xf32, #tpu.memory_space<hbm>> -> memref<10000x128xf32, #tpu.memory_space<hbm>>
    tpu.wait_indirect_dma semaphore(%arg17 : memref<!tpu.dma_semaphore, #tpu.memory_space<semaphore_mem>>) src(%dma_wait3A_280 : memref<10000x128xf32, #tpu.memory_space<hbm>>) dst(%arg7 : memref<40x128xf32, #tpu.memory_space<vmem>>)
    %add3A_281 = arith.constant 320000 : i32
    %add3A_282 = arith.addi %add3A_281, %mul3A_2 : i32
    %dma_wait3A_283 = tpu.memref_slice %arg2[%add3A_282] : memref<640000xi32, #tpu.memory_space<hbm>> -> memref<40xi32, #tpu.memory_space<hbm>>
    %dma_wait3A_284 = tpu.memref_slice %arg2[%add3A_282] : memref<640000xi32, #tpu.memory_space<hbm>> -> memref<40xi32, #tpu.memory_space<hbm>>
    tpu.wait_dma2 semaphore(%arg27 : memref<!tpu.dma_semaphore, #tpu.memory_space<semaphore_mem>>) src(%dma_wait3A_284 : memref<40xi32, #tpu.memory_space<hbm>>) dst(%arg12 : memref<40xi32, #tpu.memory_space<vmem>>)
    %dma_start3A_285 = arith.constant 0 : i32
    %dma_start3A_286 = arith.constant 0 : i32
    %dma_start3A_287 = tpu.memref_slice %arg31[%dma_start3A_285, %dma_start3A_286] : memref<10000x128xf32, #tpu.memory_space<vmem_shared>> -> memref<10000x128xf32, #tpu.memory_space<vmem_shared>>
    tpu.enqueue_indirect_dma source(%arg7 : memref<40x128xf32, #tpu.memory_space<vmem>>) target(%dma_start3A_287 : memref<10000x128xf32, #tpu.memory_space<vmem_shared>>) offsets(%arg12 : memref<40xi32, #tpu.memory_space<vmem>>) semaphore(%arg22 : memref<!tpu.dma_semaphore, #tpu.memory_space<semaphore_mem>>) {add = true}
    %dma_wait3A_288 = arith.constant 0 : i32
    %dma_wait3A_289 = tpu.memref_slice %arg5[%dma_wait3A_288] : memref<10000xi32, #tpu.memory_space<vmem>> -> memref<40xi32, #tpu.memory_space<vmem>>
    %dma_wait3A_290 = arith.constant 0 : i32
    %dma_wait3A_291 = arith.constant 0 : i32
    %dma_wait3A_292 = tpu.memref_slice %arg3[%dma_wait3A_290, %dma_wait3A_291] : memref<10000x128xf32, #tpu.memory_space<hbm>> -> memref<10000x128xf32, #tpu.memory_space<hbm>>
    tpu.wait_indirect_dma semaphore(%arg18 : memref<!tpu.dma_semaphore, #tpu.memory_space<semaphore_mem>>) src(%dma_wait3A_292 : memref<10000x128xf32, #tpu.memory_space<hbm>>) dst(%arg8 : memref<40x128xf32, #tpu.memory_space<vmem>>)
    %add3A_293 = arith.constant 320000 : i32
    %add3A_294 = arith.addi %add3A_293, %mul3A_2 : i32
    %dma_wait3A_295 = tpu.memref_slice %arg2[%add3A_294] : memref<640000xi32, #tpu.memory_space<hbm>> -> memref<40xi32, #tpu.memory_space<hbm>>
    %dma_wait3A_296 = tpu.memref_slice %arg2[%add3A_294] : memref<640000xi32, #tpu.memory_space<hbm>> -> memref<40xi32, #tpu.memory_space<hbm>>
    tpu.wait_dma2 semaphore(%arg28 : memref<!tpu.dma_semaphore, #tpu.memory_space<semaphore_mem>>) src(%dma_wait3A_296 : memref<40xi32, #tpu.memory_space<hbm>>) dst(%arg13 : memref<40xi32, #tpu.memory_space<vmem>>)
    %dma_start3A_297 = arith.constant 0 : i32
    %dma_start3A_298 = arith.constant 0 : i32
    %dma_start3A_299 = tpu.memref_slice %arg31[%dma_start3A_297, %dma_start3A_298] : memref<10000x128xf32, #tpu.memory_space<vmem_shared>> -> memref<10000x128xf32, #tpu.memory_space<vmem_shared>>
    tpu.enqueue_indirect_dma source(%arg8 : memref<40x128xf32, #tpu.memory_space<vmem>>) target(%dma_start3A_299 : memref<10000x128xf32, #tpu.memory_space<vmem_shared>>) offsets(%arg13 : memref<40xi32, #tpu.memory_space<vmem>>) semaphore(%arg23 : memref<!tpu.dma_semaphore, #tpu.memory_space<semaphore_mem>>) {add = true}
    %dma_wait3A_300 = arith.constant 0 : i32
    %dma_wait3A_301 = tpu.memref_slice %arg5[%dma_wait3A_300] : memref<10000xi32, #tpu.memory_space<vmem>> -> memref<40xi32, #tpu.memory_space<vmem>>
    %dma_wait3A_302 = arith.constant 0 : i32
    %dma_wait3A_303 = arith.constant 0 : i32
    %dma_wait3A_304 = tpu.memref_slice %arg3[%dma_wait3A_302, %dma_wait3A_303] : memref<10000x128xf32, #tpu.memory_space<hbm>> -> memref<10000x128xf32, #tpu.memory_space<hbm>>
    tpu.wait_indirect_dma semaphore(%arg19 : memref<!tpu.dma_semaphore, #tpu.memory_space<semaphore_mem>>) src(%dma_wait3A_304 : memref<10000x128xf32, #tpu.memory_space<hbm>>) dst(%arg9 : memref<40x128xf32, #tpu.memory_space<vmem>>)
    %add3A_305 = arith.constant 320000 : i32
    %add3A_306 = arith.addi %add3A_305, %mul3A_2 : i32
    %dma_wait3A_307 = tpu.memref_slice %arg2[%add3A_306] : memref<640000xi32, #tpu.memory_space<hbm>> -> memref<40xi32, #tpu.memory_space<hbm>>
    %dma_wait3A_308 = tpu.memref_slice %arg2[%add3A_306] : memref<640000xi32, #tpu.memory_space<hbm>> -> memref<40xi32, #tpu.memory_space<hbm>>
    tpu.wait_dma2 semaphore(%arg29 : memref<!tpu.dma_semaphore, #tpu.memory_space<semaphore_mem>>) src(%dma_wait3A_308 : memref<40xi32, #tpu.memory_space<hbm>>) dst(%arg14 : memref<40xi32, #tpu.memory_space<vmem>>)
    %dma_start3A_309 = arith.constant 0 : i32
    %dma_start3A_310 = arith.constant 0 : i32
    %dma_start3A_311 = tpu.memref_slice %arg31[%dma_start3A_309, %dma_start3A_310] : memref<10000x128xf32, #tpu.memory_space<vmem_shared>> -> memref<10000x128xf32, #tpu.memory_space<vmem_shared>>
    tpu.enqueue_indirect_dma source(%arg9 : memref<40x128xf32, #tpu.memory_space<vmem>>) target(%dma_start3A_311 : memref<10000x128xf32, #tpu.memory_space<vmem_shared>>) offsets(%arg14 : memref<40xi32, #tpu.memory_space<vmem>>) semaphore(%arg24 : memref<!tpu.dma_semaphore, #tpu.memory_space<semaphore_mem>>) {add = true}
    %dma_wait3A_312 = arith.constant 0 : i32
    %dma_wait3A_313 = tpu.memref_slice %arg5[%dma_wait3A_312] : memref<10000xi32, #tpu.memory_space<vmem>> -> memref<40xi32, #tpu.memory_space<vmem>>
    %dma_wait3A_314 = arith.constant 0 : i32
    %dma_wait3A_315 = arith.constant 0 : i32
    %dma_wait3A_316 = tpu.memref_slice %arg3[%dma_wait3A_314, %dma_wait3A_315] : memref<10000x128xf32, #tpu.memory_space<hbm>> -> memref<10000x128xf32, #tpu.memory_space<hbm>>
    tpu.wait_indirect_dma semaphore(%arg20 : memref<!tpu.dma_semaphore, #tpu.memory_space<semaphore_mem>>) src(%dma_wait3A_316 : memref<10000x128xf32, #tpu.memory_space<hbm>>) dst(%arg10 : memref<40x128xf32, #tpu.memory_space<vmem>>)
    %add3A_317 = arith.constant 320000 : i32
    %add3A_318 = arith.addi %add3A_317, %mul3A_2 : i32
    %dma_wait3A_319 = tpu.memref_slice %arg2[%add3A_318] : memref<640000xi32, #tpu.memory_space<hbm>> -> memref<40xi32, #tpu.memory_space<hbm>>
    %dma_wait3A_320 = tpu.memref_slice %arg2[%add3A_318] : memref<640000xi32, #tpu.memory_space<hbm>> -> memref<40xi32, #tpu.memory_space<hbm>>
    tpu.wait_dma2 semaphore(%arg30 : memref<!tpu.dma_semaphore, #tpu.memory_space<semaphore_mem>>) src(%dma_wait3A_320 : memref<40xi32, #tpu.memory_space<hbm>>) dst(%arg15 : memref<40xi32, #tpu.memory_space<vmem>>)
    %dma_start3A_321 = arith.constant 0 : i32
    %dma_start3A_322 = arith.constant 0 : i32
    %dma_start3A_323 = tpu.memref_slice %arg31[%dma_start3A_321, %dma_start3A_322] : memref<10000x128xf32, #tpu.memory_space<vmem_shared>> -> memref<10000x128xf32, #tpu.memory_space<vmem_shared>>
    tpu.enqueue_indirect_dma source(%arg10 : memref<40x128xf32, #tpu.memory_space<vmem>>) target(%dma_start3A_323 : memref<10000x128xf32, #tpu.memory_space<vmem_shared>>) offsets(%arg15 : memref<40xi32, #tpu.memory_space<vmem>>) semaphore(%arg25 : memref<!tpu.dma_semaphore, #tpu.memory_space<semaphore_mem>>) {add = true}
    %dma_wait3A_324 = arith.constant 0 : i32
    %dma_wait3A_325 = arith.constant 0 : i32
    %dma_wait3A_326 = tpu.memref_slice %arg31[%dma_wait3A_324, %dma_wait3A_325] : memref<10000x128xf32, #tpu.memory_space<vmem_shared>> -> memref<10000x128xf32, #tpu.memory_space<vmem_shared>>
    tpu.wait_indirect_dma semaphore(%arg21 : memref<!tpu.dma_semaphore, #tpu.memory_space<semaphore_mem>>) src(%arg6 : memref<40x128xf32, #tpu.memory_space<vmem>>) dst(%dma_wait3A_326 : memref<10000x128xf32, #tpu.memory_space<vmem_shared>>)
    %dma_wait3A_327 = arith.constant 0 : i32
    %dma_wait3A_328 = arith.constant 0 : i32
    %dma_wait3A_329 = tpu.memref_slice %arg31[%dma_wait3A_327, %dma_wait3A_328] : memref<10000x128xf32, #tpu.memory_space<vmem_shared>> -> memref<10000x128xf32, #tpu.memory_space<vmem_shared>>
    tpu.wait_indirect_dma semaphore(%arg22 : memref<!tpu.dma_semaphore, #tpu.memory_space<semaphore_mem>>) src(%arg7 : memref<40x128xf32, #tpu.memory_space<vmem>>) dst(%dma_wait3A_329 : memref<10000x128xf32, #tpu.memory_space<vmem_shared>>)
    %dma_wait3A_330 = arith.constant 0 : i32
    %dma_wait3A_331 = arith.constant 0 : i32
    %dma_wait3A_332 = tpu.memref_slice %arg31[%dma_wait3A_330, %dma_wait3A_331] : memref<10000x128xf32, #tpu.memory_space<vmem_shared>> -> memref<10000x128xf32, #tpu.memory_space<vmem_shared>>
    tpu.wait_indirect_dma semaphore(%arg23 : memref<!tpu.dma_semaphore, #tpu.memory_space<semaphore_mem>>) src(%arg8 : memref<40x128xf32, #tpu.memory_space<vmem>>) dst(%dma_wait3A_332 : memref<10000x128xf32, #tpu.memory_space<vmem_shared>>)
    %dma_wait3A_333 = arith.constant 0 : i32
    %dma_wait3A_334 = arith.constant 0 : i32
    %dma_wait3A_335 = tpu.memref_slice %arg31[%dma_wait3A_333, %dma_wait3A_334] : memref<10000x128xf32, #tpu.memory_space<vmem_shared>> -> memref<10000x128xf32, #tpu.memory_space<vmem_shared>>
    tpu.wait_indirect_dma semaphore(%arg24 : memref<!tpu.dma_semaphore, #tpu.memory_space<semaphore_mem>>) src(%arg9 : memref<40x128xf32, #tpu.memory_space<vmem>>) dst(%dma_wait3A_335 : memref<10000x128xf32, #tpu.memory_space<vmem_shared>>)
    %dma_wait3A_336 = arith.constant 0 : i32
    %dma_wait3A_337 = arith.constant 0 : i32
    %dma_wait3A_338 = tpu.memref_slice %arg31[%dma_wait3A_336, %dma_wait3A_337] : memref<10000x128xf32, #tpu.memory_space<vmem_shared>> -> memref<10000x128xf32, #tpu.memory_space<vmem_shared>>
    tpu.wait_indirect_dma semaphore(%arg25 : memref<!tpu.dma_semaphore, #tpu.memory_space<semaphore_mem>>) src(%arg10 : memref<40x128xf32, #tpu.memory_space<vmem>>) dst(%dma_wait3A_338 : memref<10000x128xf32, #tpu.memory_space<vmem_shared>>)
    %barrier3A_339 = arith.constant 0 : index
    tpu.barrier barrier_id(%barrier3A_339)
    "tpu.region"() ({
      %run_scoped3A = tpu.sem_alloc : memref<!tpu.dma_semaphore, #tpu.memory_space<semaphore_mem>>
      %dma_start3A_340 = arith.constant 0 : i32
      %dma_start3A_341 = tpu.memref_slice %arg4[%arg0, %mul3A_4, %dma_start3A_340] : memref<2x10000x128xf32, #tpu.memory_space<hbm>> -> memref<1x640x128xf32, #tpu.memory_space<hbm>>
      %dma_start3A_342 = tpu.memref_squeeze %dma_start3A_341 : memref<1x640x128xf32, #tpu.memory_space<hbm>> -> memref<640x128xf32, #tpu.memory_space<hbm>>
      %dma_start3A_343 = arith.constant 0 : i32
      %dma_start3A_344 = tpu.memref_slice %arg31[%mul3A_4, %dma_start3A_343] : memref<10000x128xf32, #tpu.memory_space<vmem_shared>> -> memref<640x128xf32, #tpu.memory_space<vmem_shared>>
      tpu.enqueue_dma source(%dma_start3A_344 : memref<640x128xf32, #tpu.memory_space<vmem_shared>>) target(%dma_start3A_342 : memref<640x128xf32, #tpu.memory_space<hbm>>) target_semaphore(%run_scoped3A : memref<!tpu.dma_semaphore, #tpu.memory_space<semaphore_mem>>)
      %dma_wait3A_345 = arith.constant 0 : i32
      %dma_wait3A_346 = tpu.memref_slice %arg4[%arg0, %mul3A_4, %dma_wait3A_345] : memref<2x10000x128xf32, #tpu.memory_space<hbm>> -> memref<1x640x128xf32, #tpu.memory_space<hbm>>
      %dma_wait3A_347 = tpu.memref_squeeze %dma_wait3A_346 : memref<1x640x128xf32, #tpu.memory_space<hbm>> -> memref<640x128xf32, #tpu.memory_space<hbm>>
      %dma_wait3A_348 = arith.constant 0 : i32
      %dma_wait3A_349 = tpu.memref_slice %arg31[%mul3A_4, %dma_wait3A_348] : memref<10000x128xf32, #tpu.memory_space<vmem_shared>> -> memref<640x128xf32, #tpu.memory_space<vmem_shared>>
      tpu.wait_dma2 semaphore(%run_scoped3A : memref<!tpu.dma_semaphore, #tpu.memory_space<semaphore_mem>>) src(%dma_wait3A_349 : memref<640x128xf32, #tpu.memory_space<vmem_shared>>) dst(%dma_wait3A_347 : memref<640x128xf32, #tpu.memory_space<hbm>>)
      tpu.yield
    }) : () -> ()
    return
  }
}

module attributes {stable_mosaic.version = 14 : i64} {
  func.func @_k2b_body(%arg0: memref<10000x128xf32, #tpu.memory_space<vmem>>, %arg1: memref<32x10000xf32, #tpu.memory_space<vmem>>, %arg2: memref<10000x128xf32, #tpu.memory_space<vmem>>, %arg3: memref<10000x1xf32, #tpu.memory_space<vmem>>) attributes {dimension_semantics = [], scalar_prefetch = 0 : i64, scratch_operands = 0 : i64, tpu.core_type = #tpu.core_type<tc>} {
    %broadcast_in_dim3A = arith.constant 1.000000e+00 : f32
    %broadcast_in_dim3A_0 = vector.broadcast %broadcast_in_dim3A : f32 to vector<32x1xf32>
    %get3A = arith.constant 0 : index
    %get3A_1 = arith.constant 0 : index
    %get3A_2 = vector.load %arg1[%get3A, %get3A_1] : memref<32x10000xf32, #tpu.memory_space<vmem>>, vector<32x10000xf32>
    %dot_general3A = arith.constant dense<0.000000e+00> : vector<10000x1xf32>
    %dot_general3A_3 = tpu.matmul %get3A_2, %broadcast_in_dim3A_0, %dot_general3A {dimension_numbers = #tpu.dot_dimension_numbers<[0], [0], [1], [1], [0, 1, 1, 1], [], []>, transpose_lhs_hint = false} : vector<32x10000xf32>, vector<32x1xf32>, vector<10000x1xf32> -> vector<10000x1xf32>
    %add3A = arith.constant 1.000000e+00 : f32
    %add3A_4 = vector.broadcast %add3A : f32 to vector<10000x1xf32>
    %add3A_5 = arith.addf %dot_general3A_3, %add3A_4 : vector<10000x1xf32>
    %rsqrt3A = math.rsqrt %add3A_5 : vector<10000x1xf32>
    %get3A_6 = arith.constant 0 : index
    %get3A_7 = arith.constant 0 : index
    %get3A_8 = vector.load %arg0[%get3A_6, %get3A_7] : memref<10000x128xf32, #tpu.memory_space<vmem>>, vector<10000x128xf32>
    %mul3A = vector.broadcast %rsqrt3A : vector<10000x1xf32> to vector<10000x128xf32>
    %mul3A_9 = arith.mulf %get3A_8, %mul3A : vector<10000x128xf32>
    %swap3A = arith.constant 0 : index
    %swap3A_10 = arith.constant 0 : index
    %swap3A_11 = vector.load %arg2[%swap3A, %swap3A_10] : memref<10000x128xf32, #tpu.memory_space<vmem>>, vector<10000x128xf32>
    tpu.vector_store %arg2[%swap3A, %swap3A_10], %mul3A_9 {strides = array<i32>} : memref<10000x128xf32, #tpu.memory_space<vmem>>, vector<10000x128xf32>,
    %swap3A_12 = arith.constant 0 : index
    %swap3A_13 = arith.constant 0 : index
    %swap3A_14 = vector.load %arg3[%swap3A_12, %swap3A_13] : memref<10000x1xf32, #tpu.memory_space<vmem>>, vector<10000x1xf32>
    tpu.vector_store %arg3[%swap3A_12, %swap3A_13], %rsqrt3A {strides = array<i32>} : memref<10000x1xf32, #tpu.memory_space<vmem>>, vector<10000x1xf32>,
    return
  }
}

module attributes {stable_mosaic.version = 14 : i64} {
  func.func @_k2a_body(%arg0: memref<10000x128xf32, #tpu.memory_space<vmem>>, %arg1: memref<1x128xf32, #tpu.memory_space<vmem>>, %arg2: memref<1x128xf32, #tpu.memory_space<vmem>>, %arg3: memref<128x128xf32, #tpu.memory_space<vmem>>, %arg4: memref<10000x128xf32, #tpu.memory_space<vmem>>) attributes {dimension_semantics = [], scalar_prefetch = 0 : i64, scratch_operands = 0 : i64, tpu.core_type = #tpu.core_type<tc>} {
    %get3A = arith.constant 0 : index
    %get3A_0 = arith.constant 0 : index
    %get3A_1 = vector.load %arg0[%get3A, %get3A_0] : memref<10000x128xf32, #tpu.memory_space<vmem>>, vector<10000x128xf32>
    %get3A_2 = arith.constant 0 : index
    %get3A_3 = arith.constant 0 : index
    %get3A_4 = vector.load %arg1[%get3A_2, %get3A_3] : memref<1x128xf32, #tpu.memory_space<vmem>>, vector<1x128xf32>
    %get3A_5 = arith.constant 0 : index
    %get3A_6 = arith.constant 0 : index
    %get3A_7 = vector.load %arg2[%get3A_5, %get3A_6] : memref<1x128xf32, #tpu.memory_space<vmem>>, vector<1x128xf32>
    %reduce_sum3A = arith.constant dense<0.000000e+00> : vector<128xf32>
    %reduce_sum3A_8 = vector.multi_reduction <add>, %get3A_1, %reduce_sum3A [0] : vector<10000x128xf32> to vector<128xf32>
    %broadcast_in_dim3A = vector.shape_cast %reduce_sum3A_8 : vector<128xf32> to vector<1x128xf32>
    %div3A = arith.constant 1.000000e+04 : f32
    %div3A_9 = vector.broadcast %div3A : f32 to vector<1x128xf32>
    %div3A_10 = arith.divf %broadcast_in_dim3A, %div3A_9 : vector<1x128xf32>
    %sub3A = vector.broadcast %div3A_10 : vector<1x128xf32> to vector<10000x128xf32>
    %sub3A_11 = arith.subf %get3A_1, %sub3A : vector<10000x128xf32>
    %mul3A = arith.mulf %sub3A_11, %sub3A_11 : vector<10000x128xf32>
    %reduce_sum3A_12 = arith.constant dense<0.000000e+00> : vector<128xf32>
    %reduce_sum3A_13 = vector.multi_reduction <add>, %mul3A, %reduce_sum3A_12 [0] : vector<10000x128xf32> to vector<128xf32>
    %broadcast_in_dim3A_14 = vector.shape_cast %reduce_sum3A_13 : vector<128xf32> to vector<1x128xf32>
    %div3A_15 = arith.constant 1.000000e+04 : f32
    %div3A_16 = vector.broadcast %div3A_15 : f32 to vector<1x128xf32>
    %div3A_17 = arith.divf %broadcast_in_dim3A_14, %div3A_16 : vector<1x128xf32>
    %add3A = arith.constant 9.99999974E-6 : f32
    %add3A_18 = vector.broadcast %add3A : f32 to vector<1x128xf32>
    %add3A_19 = arith.addf %div3A_17, %add3A_18 : vector<1x128xf32>
    %rsqrt3A = math.rsqrt %add3A_19 : vector<1x128xf32>
    %mul3A_20 = vector.broadcast %rsqrt3A : vector<1x128xf32> to vector<10000x128xf32>
    %mul3A_21 = arith.mulf %sub3A_11, %mul3A_20 : vector<10000x128xf32>
    %mul3A_22 = vector.broadcast %get3A_4 : vector<1x128xf32> to vector<10000x128xf32>
    %mul3A_23 = arith.mulf %mul3A_21, %mul3A_22 : vector<10000x128xf32>
    %add3A_24 = vector.broadcast %get3A_7 : vector<1x128xf32> to vector<10000x128xf32>
    %add3A_25 = arith.addf %mul3A_23, %add3A_24 : vector<10000x128xf32>
    %get3A_26 = arith.constant 0 : index
    %get3A_27 = arith.constant 0 : index
    %get3A_28 = vector.load %arg3[%get3A_26, %get3A_27] : memref<128x128xf32, #tpu.memory_space<vmem>>, vector<128x128xf32>
    %dot_general3A = arith.constant dense<0.000000e+00> : vector<10000x128xf32>
    %dot_general3A_29 = tpu.matmul %add3A_25, %get3A_28, %dot_general3A {dimension_numbers = #tpu.dot_dimension_numbers<[1], [0], [0], [1], [0, 0, 1, 1], [], []>, transpose_lhs_hint = false} : vector<10000x128xf32>, vector<128x128xf32>, vector<10000x128xf32> -> vector<10000x128xf32>
    %swap3A = arith.constant 0 : index
    %swap3A_30 = arith.constant 0 : index
    %swap3A_31 = vector.load %arg4[%swap3A, %swap3A_30] : memref<10000x128xf32, #tpu.memory_space<vmem>>, vector<10000x128xf32>
    tpu.vector_store %arg4[%swap3A, %swap3A_30], %dot_general3A_29 {strides = array<i32>} : memref<10000x128xf32, #tpu.memory_space<vmem>>, vector<10000x128xf32>,
    return
  }
}

module attributes {stable_mosaic.version = 14 : i64} {
  func.func @_k4_body(%arg0: memref<2x10000x128xf32, #tpu.memory_space<vmem>>, %arg1: memref<10000x128xf32, #tpu.memory_space<vmem>>, %arg2: memref<10000x1xf32, #tpu.memory_space<vmem>>, %arg3: memref<1x128xf32, #tpu.memory_space<vmem>>, %arg4: memref<1x128xf32, #tpu.memory_space<vmem>>, %arg5: memref<1x128xf32, #tpu.memory_space<vmem>>, %arg6: memref<128x128xf32, #tpu.memory_space<vmem>>, %arg7: memref<10000x128xf32, #tpu.memory_space<vmem>>, %arg8: memref<10000x128xf32, #tpu.memory_space<vmem>>) attributes {dimension_semantics = [], scalar_prefetch = 0 : i64, scratch_operands = 0 : i64, tpu.core_type = #tpu.core_type<tc>} {
    %get3A = arith.constant 0 : index
    %get3A_0 = arith.constant 0 : index
    %get3A_1 = arith.constant 0 : index
    %get3A_2 = vector.load %arg0[%get3A, %get3A_0, %get3A_1] : memref<2x10000x128xf32, #tpu.memory_space<vmem>>, vector<1x10000x128xf32>
    %get3A_3 = vector.shape_cast %get3A_2 : vector<1x10000x128xf32> to vector<10000x128xf32>
    %get3A_4 = arith.constant 1 : index
    %get3A_5 = arith.constant 0 : index
    %get3A_6 = arith.constant 0 : index
    %get3A_7 = vector.load %arg0[%get3A_4, %get3A_5, %get3A_6] : memref<2x10000x128xf32, #tpu.memory_space<vmem>>, vector<1x10000x128xf32>
    %get3A_8 = vector.shape_cast %get3A_7 : vector<1x10000x128xf32> to vector<10000x128xf32>
    %add3A = arith.addf %get3A_3, %get3A_8 : vector<10000x128xf32>
    %get3A_9 = arith.constant 0 : index
    %get3A_10 = arith.constant 0 : index
    %get3A_11 = vector.load %arg2[%get3A_9, %get3A_10] : memref<10000x1xf32, #tpu.memory_space<vmem>>, vector<10000x1xf32>
    %get3A_12 = arith.constant 0 : index
    %get3A_13 = arith.constant 0 : index
    %get3A_14 = vector.load %arg1[%get3A_12, %get3A_13] : memref<10000x128xf32, #tpu.memory_space<vmem>>, vector<10000x128xf32>
    %add3A_15 = arith.addf %add3A, %get3A_14 : vector<10000x128xf32>
    %mul3A = vector.broadcast %get3A_11 : vector<10000x1xf32> to vector<10000x128xf32>
    %mul3A_16 = arith.mulf %mul3A, %add3A_15 : vector<10000x128xf32>
    %get3A_17 = arith.constant 0 : index
    %get3A_18 = arith.constant 0 : index
    %get3A_19 = vector.load %arg3[%get3A_17, %get3A_18] : memref<1x128xf32, #tpu.memory_space<vmem>>, vector<1x128xf32>
    %add3A_20 = vector.broadcast %get3A_19 : vector<1x128xf32> to vector<10000x128xf32>
    %add3A_21 = arith.addf %mul3A_16, %add3A_20 : vector<10000x128xf32>
    %max3A = arith.constant 0.000000e+00 : f32
    %max3A_22 = vector.broadcast %max3A : f32 to vector<10000x128xf32>
    %max3A_23 = arith.maximumf %add3A_21, %max3A_22 : vector<10000x128xf32>
    %get3A_24 = arith.constant 0 : index
    %get3A_25 = arith.constant 0 : index
    %get3A_26 = vector.load %arg4[%get3A_24, %get3A_25] : memref<1x128xf32, #tpu.memory_space<vmem>>, vector<1x128xf32>
    %get3A_27 = arith.constant 0 : index
    %get3A_28 = arith.constant 0 : index
    %get3A_29 = vector.load %arg5[%get3A_27, %get3A_28] : memref<1x128xf32, #tpu.memory_space<vmem>>, vector<1x128xf32>
    %reduce_sum3A = arith.constant dense<0.000000e+00> : vector<128xf32>
    %reduce_sum3A_30 = vector.multi_reduction <add>, %max3A_23, %reduce_sum3A [0] : vector<10000x128xf32> to vector<128xf32>
    %broadcast_in_dim3A = vector.shape_cast %reduce_sum3A_30 : vector<128xf32> to vector<1x128xf32>
    %div3A = arith.constant 1.000000e+04 : f32
    %div3A_31 = vector.broadcast %div3A : f32 to vector<1x128xf32>
    %div3A_32 = arith.divf %broadcast_in_dim3A, %div3A_31 : vector<1x128xf32>
    %sub3A = vector.broadcast %div3A_32 : vector<1x128xf32> to vector<10000x128xf32>
    %sub3A_33 = arith.subf %max3A_23, %sub3A : vector<10000x128xf32>
    %mul3A_34 = arith.mulf %sub3A_33, %sub3A_33 : vector<10000x128xf32>
    %reduce_sum3A_35 = arith.constant dense<0.000000e+00> : vector<128xf32>
    %reduce_sum3A_36 = vector.multi_reduction <add>, %mul3A_34, %reduce_sum3A_35 [0] : vector<10000x128xf32> to vector<128xf32>
    %broadcast_in_dim3A_37 = vector.shape_cast %reduce_sum3A_36 : vector<128xf32> to vector<1x128xf32>
    %div3A_38 = arith.constant 1.000000e+04 : f32
    %div3A_39 = vector.broadcast %div3A_38 : f32 to vector<1x128xf32>
    %div3A_40 = arith.divf %broadcast_in_dim3A_37, %div3A_39 : vector<1x128xf32>
    %add3A_41 = arith.constant 9.99999974E-6 : f32
    %add3A_42 = vector.broadcast %add3A_41 : f32 to vector<1x128xf32>
    %add3A_43 = arith.addf %div3A_40, %add3A_42 : vector<1x128xf32>
    %rsqrt3A = math.rsqrt %add3A_43 : vector<1x128xf32>
    %mul3A_44 = vector.broadcast %rsqrt3A : vector<1x128xf32> to vector<10000x128xf32>
    %mul3A_45 = arith.mulf %sub3A_33, %mul3A_44 : vector<10000x128xf32>
    %mul3A_46 = vector.broadcast %get3A_26 : vector<1x128xf32> to vector<10000x128xf32>
    %mul3A_47 = arith.mulf %mul3A_45, %mul3A_46 : vector<10000x128xf32>
    %add3A_48 = vector.broadcast %get3A_29 : vector<1x128xf32> to vector<10000x128xf32>
    %add3A_49 = arith.addf %mul3A_47, %add3A_48 : vector<10000x128xf32>
    %swap3A = arith.constant 0 : index
    %swap3A_50 = arith.constant 0 : index
    %swap3A_51 = vector.load %arg7[%swap3A, %swap3A_50] : memref<10000x128xf32, #tpu.memory_space<vmem>>, vector<10000x128xf32>
    tpu.vector_store %arg7[%swap3A, %swap3A_50], %add3A_49 {strides = array<i32>} : memref<10000x128xf32, #tpu.memory_space<vmem>>, vector<10000x128xf32>,
    %get3A_52 = arith.constant 0 : index
    %get3A_53 = arith.constant 0 : index
    %get3A_54 = vector.load %arg6[%get3A_52, %get3A_53] : memref<128x128xf32, #tpu.memory_space<vmem>>, vector<128x128xf32>
    %dot_general3A = arith.constant dense<0.000000e+00> : vector<10000x128xf32>
    %dot_general3A_55 = tpu.matmul %add3A_49, %get3A_54, %dot_general3A {dimension_numbers = #tpu.dot_dimension_numbers<[1], [0], [0], [1], [0, 0, 1, 1], [], []>, transpose_lhs_hint = false} : vector<10000x128xf32>, vector<128x128xf32>, vector<10000x128xf32> -> vector<10000x128xf32>
    %swap3A_56 = arith.constant 0 : index
    %swap3A_57 = arith.constant 0 : index
    %swap3A_58 = vector.load %arg8[%swap3A_56, %swap3A_57] : memref<10000x128xf32, #tpu.memory_space<vmem>>, vector<10000x128xf32>
    tpu.vector_store %arg8[%swap3A_56, %swap3A_57], %dot_general3A_55 {strides = array<i32>} : memref<10000x128xf32, #tpu.memory_space<vmem>>, vector<10000x128xf32>,
    return
  }
}

module attributes {stable_mosaic.version = 14 : i64} {
  func.func @_k6b_body(%arg0: memref<2x10000x128xf32, #tpu.memory_space<vmem>>, %arg1: memref<10000x128xf32, #tpu.memory_space<vmem>>, %arg2: memref<128x128xf32, #tpu.memory_space<vmem>>, %arg3: memref<1x128xf32, #tpu.memory_space<vmem>>, %arg4: memref<1x128xf32, #tpu.memory_space<vmem>>, %arg5: memref<1x128xf32, #tpu.memory_space<vmem>>, %arg6: memref<10000x128xf32, #tpu.memory_space<vmem>>) attributes {dimension_semantics = [], scalar_prefetch = 0 : i64, scratch_operands = 0 : i64, tpu.core_type = #tpu.core_type<tc>} {
    %get3A = arith.constant 0 : index
    %get3A_0 = arith.constant 0 : index
    %get3A_1 = arith.constant 0 : index
    %get3A_2 = vector.load %arg0[%get3A, %get3A_0, %get3A_1] : memref<2x10000x128xf32, #tpu.memory_space<vmem>>, vector<1x10000x128xf32>
    %get3A_3 = vector.shape_cast %get3A_2 : vector<1x10000x128xf32> to vector<10000x128xf32>
    %get3A_4 = arith.constant 1 : index
    %get3A_5 = arith.constant 0 : index
    %get3A_6 = arith.constant 0 : index
    %get3A_7 = vector.load %arg0[%get3A_4, %get3A_5, %get3A_6] : memref<2x10000x128xf32, #tpu.memory_space<vmem>>, vector<1x10000x128xf32>
    %get3A_8 = vector.shape_cast %get3A_7 : vector<1x10000x128xf32> to vector<10000x128xf32>
    %add3A = arith.addf %get3A_3, %get3A_8 : vector<10000x128xf32>
    %get3A_9 = arith.constant 0 : index
    %get3A_10 = arith.constant 0 : index
    %get3A_11 = vector.load %arg2[%get3A_9, %get3A_10] : memref<128x128xf32, #tpu.memory_space<vmem>>, vector<128x128xf32>
    %dot_general3A = arith.constant dense<0.000000e+00> : vector<10000x128xf32>
    %dot_general3A_12 = tpu.matmul %add3A, %get3A_11, %dot_general3A {dimension_numbers = #tpu.dot_dimension_numbers<[1], [0], [0], [1], [0, 0, 1, 1], [], []>, transpose_lhs_hint = false} : vector<10000x128xf32>, vector<128x128xf32>, vector<10000x128xf32> -> vector<10000x128xf32>
    %get3A_13 = arith.constant 0 : index
    %get3A_14 = arith.constant 0 : index
    %get3A_15 = vector.load %arg3[%get3A_13, %get3A_14] : memref<1x128xf32, #tpu.memory_space<vmem>>, vector<1x128xf32>
    %add3A_16 = vector.broadcast %get3A_15 : vector<1x128xf32> to vector<10000x128xf32>
    %add3A_17 = arith.addf %dot_general3A_12, %add3A_16 : vector<10000x128xf32>
    %get3A_18 = arith.constant 0 : index
    %get3A_19 = arith.constant 0 : index
    %get3A_20 = vector.load %arg1[%get3A_18, %get3A_19] : memref<10000x128xf32, #tpu.memory_space<vmem>>, vector<10000x128xf32>
    %add3A_21 = arith.addf %add3A_17, %get3A_20 : vector<10000x128xf32>
    %max3A = arith.constant 0.000000e+00 : f32
    %max3A_22 = vector.broadcast %max3A : f32 to vector<10000x128xf32>
    %max3A_23 = arith.maximumf %add3A_21, %max3A_22 : vector<10000x128xf32>
    %get3A_24 = arith.constant 0 : index
    %get3A_25 = arith.constant 0 : index
    %get3A_26 = vector.load %arg4[%get3A_24, %get3A_25] : memref<1x128xf32, #tpu.memory_space<vmem>>, vector<1x128xf32>
    %get3A_27 = arith.constant 0 : index
    %get3A_28 = arith.constant 0 : index
    %get3A_29 = vector.load %arg5[%get3A_27, %get3A_28] : memref<1x128xf32, #tpu.memory_space<vmem>>, vector<1x128xf32>
    %reduce_sum3A = arith.constant dense<0.000000e+00> : vector<128xf32>
    %reduce_sum3A_30 = vector.multi_reduction <add>, %max3A_23, %reduce_sum3A [0] : vector<10000x128xf32> to vector<128xf32>
    %broadcast_in_dim3A = vector.shape_cast %reduce_sum3A_30 : vector<128xf32> to vector<1x128xf32>
    %div3A = arith.constant 1.000000e+04 : f32
    %div3A_31 = vector.broadcast %div3A : f32 to vector<1x128xf32>
    %div3A_32 = arith.divf %broadcast_in_dim3A, %div3A_31 : vector<1x128xf32>
    %sub3A = vector.broadcast %div3A_32 : vector<1x128xf32> to vector<10000x128xf32>
    %sub3A_33 = arith.subf %max3A_23, %sub3A : vector<10000x128xf32>
    %mul3A = arith.mulf %sub3A_33, %sub3A_33 : vector<10000x128xf32>
    %reduce_sum3A_34 = arith.constant dense<0.000000e+00> : vector<128xf32>
    %reduce_sum3A_35 = vector.multi_reduction <add>, %mul3A, %reduce_sum3A_34 [0] : vector<10000x128xf32> to vector<128xf32>
    %broadcast_in_dim3A_36 = vector.shape_cast %reduce_sum3A_35 : vector<128xf32> to vector<1x128xf32>
    %div3A_37 = arith.constant 1.000000e+04 : f32
    %div3A_38 = vector.broadcast %div3A_37 : f32 to vector<1x128xf32>
    %div3A_39 = arith.divf %broadcast_in_dim3A_36, %div3A_38 : vector<1x128xf32>
    %add3A_40 = arith.constant 9.99999974E-6 : f32
    %add3A_41 = vector.broadcast %add3A_40 : f32 to vector<1x128xf32>
    %add3A_42 = arith.addf %div3A_39, %add3A_41 : vector<1x128xf32>
    %rsqrt3A = math.rsqrt %add3A_42 : vector<1x128xf32>
    %mul3A_43 = vector.broadcast %rsqrt3A : vector<1x128xf32> to vector<10000x128xf32>
    %mul3A_44 = arith.mulf %sub3A_33, %mul3A_43 : vector<10000x128xf32>
    %mul3A_45 = vector.broadcast %get3A_26 : vector<1x128xf32> to vector<10000x128xf32>
    %mul3A_46 = arith.mulf %mul3A_44, %mul3A_45 : vector<10000x128xf32>
    %add3A_47 = vector.broadcast %get3A_29 : vector<1x128xf32> to vector<10000x128xf32>
    %add3A_48 = arith.addf %mul3A_46, %add3A_47 : vector<10000x128xf32>
    %swap3A = arith.constant 0 : index
    %swap3A_49 = arith.constant 0 : index
    %swap3A_50 = vector.load %arg6[%swap3A, %swap3A_49] : memref<10000x128xf32, #tpu.memory_space<vmem>>, vector<10000x128xf32>
    tpu.vector_store %arg6[%swap3A, %swap3A_49], %add3A_48 {strides = array<i32>} : memref<10000x128xf32, #tpu.memory_space<vmem>>, vector<10000x128xf32>,
    return
  }
}

</mosaic_0001>

<sc_bundles>
// kernel: kernel.12.cloned.1.call-start
scs
__scs_entry_jumppad:
0x0: {  	(pc) =	sbr.rel $0x88, $3  }
0x1: {  	(tag) =	ssettag $0x0;
	lr =	simm.s32 $0x1  }
0x2: {  	[smem:$0x3F94] =	sst lr;
	_ =	strace $0xD0000000  }
0x3: {  	_ = 	snop  }
0x4: {  	_ = 	snop  }
0x5: {  	_ = 	snop  }
0x6: {  	_ = 	snop  }
0x7: {  	_ = 	snop  }
__scs_overlays_trampoline_lowered:
0x8: {  	[smem:$0x3FA3] =	sst s0  }
0x9: {  	[smem:$0x3FA4] =	sst s1  }
0xa: {  	[smem:$0x3FA5] =	sst s2  }
0xb: {  	[smem:$0x3FA6] =	sst s3  }
0xc: {  	[smem:$0x3FA7] =	sst s4  }
0xd: {  	[smem:$0x3FA8] =	sst s5  }
0xe: {  	[smem:$0x3FA9] =	sst s6  }
0xf: {  	[smem:$0x3FAA] =	sst s7  }
0x10: {  	[smem:$0x3FAB] =	sst s8  }
0x11: {  	[smem:$0x3FAC] =	sst s9;
	s0 =	simm.s32 @!p0 $0x0  }
0x12: {  	s1 =	sld [smem:$0x3F92];
	s0 =	simm.s32 @p0 $0x1  }
0x13: {  	[smem:$0x3FAD] =	sst s0;
	s0 =	simm.s32 @!p1 $0x0  }
0x14: {  	s2 =	sld [smem:$0x3F91];
	s0 =	simm.s32 @p1 $0x1  }
0x15: {  	[smem:$0x3FAE] =	sst s0;
	s0 =	simm.s32 @!p2 $0x0  }
0x16: {  	s3 =	sld [smem:$0x3FDB];
	s0 =	simm.s32 @p2 $0x1  }
0x17: {  	s4 =	simm.s32 $0x1BF5;
	[smem:$0x3FB0] =	sst s0  }
0x18: {  	s0 =	sld [smem:$0x3F93];
	_ =	swait.ge [sflag:s4], $0x0  }
0x19: {  	s7 =	sld [smem:$0x3F94]  }
0x1a: {  	s8 =	sadd.s32 $0xFFFFE003, lr  }
0x1b: {  	s9 =	sadd.s32 $0xFFFFFEF7, lr;
	s5 =	simm.s32 $0xFFFFFFFF;
	p2 =	slt.u32 s8, $0xFFFFF086  }
0x1c: {  	p1 =	slt.u32 s9, $0xF7A;
	s5 =	simm.s32 @!p2 $0x0  }
0x1d: {  	s5 =	simm.s32 @p1 $0x1;
	p0 =	seq.s32 s7, s2  }
0x1e: {  	s7 =	smul.u32 @!p0 $0xF7A, s2;
	p2 =	seq.s32 @!p0 s5, $0x0  }
0x1f: {  	s9 =	smul.u32 $0xF7A, s1;
	s8 =	simm.s32 @!p0 $0x1BF5;
	p2 =	por !p2, p0  }
0x20: {  	[sflag:s8] =	ssyncset.s32 @!p0 $0xFFFFF086;
	s6 =	sadd.s32 @!p0 s3, s7;
	s7 =	simm.s32 @!p0 $0x108  }
0x21: {  	s3 =	sadd.s32 s3, s9;
	s6 =	sadd.s32 @!p0 $0x88, s6;
	s7 =	simm.s32 @p2 $0x1082  }
0x22: {  	[simem:s7], [sflag:s8] =	dma.local @!p0 [hbm:s6], $0xF7A  }
0x23: {  	s9 =	sor.u32 $0xD0000000, s2;
	s6 =	simm.s32 $0x108;
	_ =	swait.ge @!p0 [sflag:s8], $0x0  }
0x24: {  	s3 =	sadd.s32 $0x88, s3;
	s6 =	simm.s32 @!p1 $0x1082;
	[sflag:s4] =	ssyncset.s32 $0xFFFFF086  }
0x25: {  	[simem:s6], [sflag:s4] =	dma.local [hbm:s3], $0xF7A  }
0x26: {  	[smem:$0x3F94] =	sst s1;
	(tag) =	ssettag s2;
	_ =	strace s9  }
0x27: {  	s1 =	sld [smem:$0x3FA4]  }
0x28: {  	s2 =	sld [smem:$0x3FA5]  }
0x29: {  	s4 =	sld [smem:$0x3FA7]  }
0x2a: {  	p0 =	seq.s32 s5, $0x0;
	s5 =	sld [smem:$0x3FA8]  }
0x2b: {  	s6 =	sld [smem:$0x3FA9]  }
0x2c: {  	s7 =	sld [smem:$0x3FAA]  }
0x2d: {  	s3 =	simm.s32 $0x108;
	s8 =	sld [smem:$0x3FAB]  }
0x2e: {  	s3 =	simm.s32 @!p0 $0x1082;
	s9 =	sld [smem:$0x3FAC]  }
0x2f: {  	lr =	sadd.s32 s0, s3;
	s0 =	sld [smem:$0x3FA3]  }
0x30: {  	s3 =	sld [smem:$0x3FA6]  }
0x31: {  	[smem:$0x3FAF] =	sst s10  }
0x32: {  	s10 =	sld [smem:$0x3FAD];
	_ =	sdelay $0x3  }
0x33: {  	p0 =	seq.s32 s10, $0x1;
	s10 =	sld [smem:$0x3FAF];
	_ =	sdelay $0x3  }
0x34: {  	[smem:$0x3FAF] =	sst s10  }
0x35: {  	s10 =	sld [smem:$0x3FAE];
	_ =	sdelay $0x3  }
0x36: {  	p1 =	seq.s32 s10, $0x1;
	s10 =	sld [smem:$0x3FAF];
	_ =	sdelay $0x3  }
0x37: {  	[smem:$0x3FAF] =	sst s10  }
0x38: {  	s10 =	sld [smem:$0x3FB0]  }
0x39: {  	_ = 	snop;
	(pc) =	sbr.ind lr, $3  }
0x3a: {  	_ = 	snop  }
0x3b: {  	_ = 	snop  }
0x3c: {  	p2 =	seq.s32 s10, $0x1;
	s10 =	sld [smem:$0x3FAF]  }
0x3d: {  	_ =	shalt  }
0x3e: {  	_ =	shalt  }
0x3f: {  	_ =	shalt  }
0x40: {  	_ =	shalt  }
0x41: {  	_ =	shalt  }
0x42: {  	_ =	shalt  }
0x43: {  	_ =	shalt  }
0x44: {  	_ =	shalt  }
0x45: {  	_ =	shalt  }
0x46: {  	_ =	shalt  }
0x47: {  	_ =	shalt  }
0x48: {  	_ =	shalt  }
0x49: {  	_ =	shalt  }
0x4a: {  	_ =	shalt  }
0x4b: {  	_ =	shalt  }
0x4c: {  	_ =	shalt  }
0x4d: {  	_ =	shalt  }
0x4e: {  	_ =	shalt  }
0x4f: {  	_ =	shalt  }
0x50: {  	_ =	shalt  }
0x51: {  	_ =	shalt  }
0x52: {  	_ =	shalt  }
0x53: {  	_ =	shalt  }
0x54: {  	_ =	shalt  }
0x55: {  	_ =	shalt  }
0x56: {  	_ =	shalt  }
0x57: {  	_ =	shalt  }
0x58: {  	_ =	shalt  }
0x59: {  	_ =	shalt  }
0x5a: {  	_ =	shalt  }
0x5b: {  	_ =	shalt  }
0x5c: {  	_ =	shalt  }
0x5d: {  	_ =	shalt  }
0x5e: {  	_ =	shalt  }
0x5f: {  	_ =	shalt  }
0x60: {  	_ =	shalt  }
0x61: {  	_ =	shalt  }
0x62: {  	_ =	shalt  }
0x63: {  	_ =	shalt  }
0x64: {  	_ =	shalt  }
0x65: {  	_ =	shalt  }
0x66: {  	_ =	shalt  }
0x67: {  	_ =	shalt  }
0x68: {  	_ =	shalt  }
0x69: {  	_ =	shalt  }
0x6a: {  	_ =	shalt  }
0x6b: {  	_ =	shalt  }
0x6c: {  	_ =	shalt  }
0x6d: {  	_ =	shalt  }
0x6e: {  	_ =	shalt  }
0x6f: {  	_ =	shalt  }
0x70: {  	_ =	shalt  }
0x71: {  	_ =	shalt  }
0x72: {  	_ =	shalt  }
0x73: {  	_ =	shalt  }
0x74: {  	_ =	shalt  }
0x75: {  	_ =	shalt  }
0x76: {  	_ =	shalt  }
0x77: {  	_ =	shalt  }
0x78: {  	_ =	shalt  }
0x79: {  	_ =	shalt  }
0x7a: {  	_ =	shalt  }
0x7b: {  	_ =	shalt  }
0x7c: {  	_ =	shalt  }
0x7d: {  	_ =	shalt  }
0x7e: {  	_ =	shalt  }
0x7f: {  	_ =	shalt  }
0x80: {  	_ =	shalt  }
0x81: {  	_ =	shalt  }
0x82: {  	_ =	shalt  }
0x83: {  	_ =	shalt  }
0x84: {  	_ =	shalt  }
0x85: {  	_ =	shalt  }
0x86: {  	_ =	shalt  }
0x87: {  	_ =	shalt  }
.Lfunc_end0:
.L_simem_size_0:
called_computation.1_lowered:
.L_overlay_start_0:
0x88: {  	s2 =	sld [smem:$0x3FD9]  }
0x89: {  	s3 =	sld [smem:$0x3FFE];
	_ =	sdelay $0x1  }
0x8a: {  	s1 =	srdreg.scid  }
0x8b: {  	s0 =	sand.u32 $0x1, s1  }
0x8c: {  	s17 =	sshll.u32 s0, $0xA;
	s2 =	sadd.s32 s3, s2  }
0x8d: {  	s2 =	sadd.s32 s2, s17  }
0x8e: {  	[smem:$0x3FBB] =	sst s2  }
0x8f: {  	_ = 	snop  }
0x90: {  	s2 =	sld [smem:$0x3FD0];
	(tm) =	ssettm $0x1  }
0x91: {  	s18 =	sld [smem:$0x3FFB];
	_ =	sdelay $0x3  }
0x92: {  	_ =	strace s18  }
0x93: {  	s3 =	sld [smem:$0x3FFC];
	_ =	sdelay $0x3  }
0x94: {  	_ =	strace s3  }
0x95: {  	s3 =	sld [smem:$0x3FFD];
	_ =	sdelay $0x3  }
0x96: {  	_ =	strace s3  }
0x97: {  	_ =	strace $0x8FFFFFFF  }
0x98: {  	s19 =	sld [smem:$0x3FDB];
	_ =	sdelay $0x1  }
0x99: {  	s4 =	simm.s32 $_scs_section_size  }
0x9a: {  	s5 =	simm.s32 $_size__tile_overlayer_lowered;
	s6 =	simm.s32 $_tile_overlayer_lowered  }
0x9b: {  	s22 =	simm.s32 $0x1BFF;
	s21 =	sshll.u32 s6, $0x1;
	s3 =	sadd.s32 s4, s19  }
0x9c: {  	s7 =	simm.s32 $0x0;
	s20 =	sshll.u32 s5, $0x1;
	s5 =	sadd.s32 s21, s3  }
0x9d: {  	[timem:s7], [sflag:s22] =	dma.local [hbm:s5], s20  }
0x9e: {  	_ =	swait.ge [sflag:s22], s20  }
0x9f: {  	s4 =	ssub.s32 $0x0, s20;
	[sflag:s22] =	ssyncset.done $0x0  }
0xa0: {  	[sflag:s22] =	ssyncadd.s32 s4;
	_ =	sdelay $0x1  }
0xa1: {  	s23 =	simm.s32 $0x1B8B  }
0xa2: {  	_ =	swait.ge [sflag:s23], $0x1  }
0xa3: {  	[sflag:s23] =	ssyncset.done $0x0  }
0xa4: {  	s25 =	simm.s32 $0x1B8E;
	s24 =	sld [smem:$0x3FFE];
	[sflag:s23] =	ssyncadd.s32 $0xFFFFFFFF  }
0xa5: {  	s26 =	simm.s32 $execute0_lowered;
	[smem:$0x3FD2] =	sst s25  }
0xa6: {  	s5 =	sshll.u32 s26, $0x1;
	_ =	strace $0x80000049;
	[dreg:$0x1] =	wrdreg $0xFFFFFFFF  }
0xa7: {  	s28 =	simm.s32 $_size_execute0_lowered;
	s3 =	sadd.s32 s3, s5;
	[dreg:$0x0] =	wrdreg $0x0  }
0xa8: {  	s5 =	sshll.u32 s28, $0x1;
	[dreg:$0x2] =	wrdreg s3  }
0xa9: {  	[dreg:$0x3] =	wrdreg s5  }
0xaa: {  	[dreg:$0x4] =	wrdreg $0xC0  }
0xab: {  	_ =	task [dreg:s7], $0x5FFFF  }
0xac: {  	[dreg:$0x1] =	wrdreg $0xFFFFFFFF  }
0xad: {  	[dreg:$0x0] =	wrdreg $0x60  }
0xae: {  	[dreg:$0x2] =	wrdreg s24  }
0xaf: {  	[dreg:$0x3] =	wrdreg s2  }
0xb0: {  	[dreg:$0x4] =	wrdreg $0x8E000  }
0xb1: {  	[dreg:$0x5] =	wrdreg $0x9  }
0xb2: {  	_ =	task.clear_ibuf [dreg:s7], $0x6FFFF;
	_ =	strace $0x90000049  }
0xb3: {  	s29 =	simm.s32 $0x9;
	_ =	strace $0x8000004B  }
0xb4: {  	_ =	swait.ge [sflag:s29], $0x1  }
0xb5: {  	[sflag:s29] =	ssyncadd.s32 $0xFFFFFFFF  }
0xb6: {  	_ =	strace $0x9000004B  }
0xb7: {  	_ =	sfence  }
0xb8: {  	s30 =	sld [smem:$0x0];
	_ =	sdelay $0x2  }
0xb9: {  	s31 =	sshll.u32 s1, $0xD;
	s1 =	sshrl.u32 s1, $0x2  }
0xba: {  	s3 =	sand.u32 $0x4000, s31;
	s1 =	sadd.s32 s1, s30  }
0xbb: {  	s0 =	sor.u32 s3, s0;
	s1 =	sshll.u32 s1, $0x11  }
0xbc: {  	s0 =	sor.u32 s1, s0  }
0xbd: {  	s0 =	sadd.s32 $0x8F2B, s0  }
0xbe: {  	[sflag:s0] =	ssyncadd.remote.s32 $0x1  }
0xbf: {  	_ =	sfence.sel $0xFFFF  }
0xc0: {  	[dreg:$0x0] =	wrdreg $0xFFFFFFFF;
	(pc) =	sbr.abs _section_cstart, $3  }
0xc1: {  	[dreg:$0x1] =	wrdreg $0xFFFFFFFF  }
0xc2: {  	_ =	task.clear_ibuf [dreg:s7], $0x2FFFF;
	_ =	strace $0x9FFFFFFF  }
0xc3: {  	(tm) =	ssettm $0x7FFFFFFF  }
tec
execute0_lowered:
.L_overlay_start_1:
0x0: {  	(tag) =	ssettag $0x1  }
0x1: {  	s0 =	rddreg [dreg:$0x0]  }
0x2: {  	s2 =	rddreg [dreg:$0x1];
	s1 =	srdreg.scid  }
0x3: {  	s4 =	rddreg [dreg:$0x2];
	s10 =	stileid.u32  }
0x4: {  	s3 =	simm.s32 $0x0;
	s30 =	simm.s32 $0x2780;
	s31 =	simm.s32 $0x8B80  }
0x5: {  	s28 =	simm.s32 $0xA;
	s29 =	simm.s32 $0x9;
	s8 =	smul.u32 $0x4E000, s10  }
0x6: {  	s1 =	sand.u32 $0x1, s1;
	s6 =	smul.u32 $0x13800, s10;
	[smem:$0x7FF] =	sst s3  }
0x7: {  	s7 =	sadd.s32 $0x3600, s0;
	s13 =	smul.u32 $0x2710, s10;
	s8 =	sshrl.u32 s8, $0x2  }
0x8: {  	s5 =	smul.u32 $0x138800, s1;
	_ =	strace $0x8000004A;
	s19 =	sadd.s32 s8, s4  }
0x9: {  	s9 =	sshll.u32 s1, $0x4;
	s8 =	sadd.s32 $0x1400, s19;
	[dreg:$0x9] =	wrdreg s19  }
0xa: {  	s11 =	ssub.s32 $0x2, s1;
	s12 =	sadd.s32 $0x2800, s19;
	[dreg:$0xa] =	wrdreg s8  }
0xb: {  	s1 =	smul.u32 $0x27100, s1;
	s14 =	sadd.s32 $0x3C00, s19;
	[dreg:$0xb] =	wrdreg s12  }
0xc: {  	s5 =	sadd.s32 s6, s5;
	s15 =	sadd.s32 $0x5000, s19;
	[dreg:$0xc] =	wrdreg s14  }
0xd: {  	s6 =	sor.u32 s10, s9;
	s16 =	sadd.s32 $0x6400, s19;
	[dreg:$0xd] =	wrdreg s15  }
0xe: {  	s9 =	sshrl.u32 s11, $0x1;
	s17 =	sadd.s32 $0x7800, s19;
	[dreg:$0xe] =	wrdreg s16  }
0xf: {  	s1 =	sadd.s32 s13, s1;
	s18 =	sadd.s32 $0x8C00, s19;
	[dreg:$0xf] =	wrdreg s17  }
0x10: {  	s5 =	sshrl.u32 s5, $0x3;
	s20 =	sadd.s32 $0xA000, s19;
	[dreg:$0x10] =	wrdreg s18  }
0x11: {  	s6 =	smul.u32 $0x2710, s6;
	s21 =	sadd.s32 $0xB400, s19;
	[dreg:$0x11] =	wrdreg s20  }
0x12: {  	s22 =	sadd.s32 $0x4E368, s1;
	s23 =	sadd.s32 $0xC800, s19;
	[dreg:$0x12] =	wrdreg s21  }
0x13: {  	s24 =	sadd.s32 $0xDC00, s19;
	s25 =	sadd.s32 $0xF000, s19;
	[dreg:$0x13] =	wrdreg s23  }
0x14: {  	s26 =	sadd.s32 $0x4E340, s1;
	s0 =	sadd.s32 s5, s0;
	[dreg:$0x14] =	wrdreg s24  }
0x15: {  	s5 =	ssub.s32 s11, s9;
	s8 =	sshrl.u32 s22, $0x3;
	[dreg:$0x15] =	wrdreg s25  }
0x16: {  	s10 =	sshrl.u32 s26, $0x3;
	s11 =	sadd.s32 $0x4E318, s1;
	s12 =	sadd.s32 $0x4E2F0, s1  }
0x17: {  	s17 =	sadd.s32 $0x10400, s19;
	s1 =	sadd.s32 $0x4E2C8, s1;
	s21 =	sadd.s32 $0x11800, s19  }
0x18: {  	s22 =	sadd.s32 $0x12C00, s19;
	s8 =	sadd.s32 s8, s7;
	s9 =	sshrl.u32 s11, $0x3  }
0x19: {  	s14 =	sshrl.u32 s12, $0x3;
	s15 =	sshrl.u32 s6, $0x3;
	[dreg:$0x16] =	wrdreg s17  }
0x1a: {  	s20 =	sadd.s32 $0x4E228, s6;
	s6 =	sadd.s32 $0x4E278, s6;
	[dreg:$0x1a] =	wrdreg s21  }
0x1b: {  	s1 =	sshrl.u32 s1, $0x3;
	[dreg:$0x1b] =	wrdreg s22;
	s0 =	sadd.s32 $0x17000, s0  }
0x1c: {  	s23 =	smax.u32 s5, $0x1;
	s11 =	simm.s32 $0x8D00;
	s12 =	simm.s32 $0x8D80  }
0x1d: {  	s21 =	simm.s32 $0xE;
	s22 =	simm.s32 $0x5;
	[dreg:$0x4] =	wrdreg s8  }
0x1e: {  	s5 =	simm.s32 $0x0;
	s17 =	simm.s32 $0x2;
	[dreg:$0x1c] =	wrdreg s0  }
0x1f: {  	s8 =	sadd.s32 s10, s7;
	s13 =	sadd.s32 s9, s7;
	[dreg:$0x1d] =	wrdreg s23  }
0x20: {  	s16 =	sadd.s32 s14, s7;
	s18 =	sadd.s32 s7, s15;
	[dreg:$0x5] =	wrdreg s8  }
0x21: {  	s6 =	sshrl.u32 s6, $0x3;
	s1 =	sadd.s32 s1, s7;
	[dreg:$0x6] =	wrdreg s13  }
0x22: {  	s10 =	simm.s32 $0x28;
	s14 =	simm.s32 $0x4F80;
	[dreg:$0x7] =	wrdreg s16  }
0x23: {  	s15 =	simm.s32 $0xD;
	s23 =	simm.s32 $0xF;
	[dreg:$0x8] =	wrdreg s1  }
0x24: {  	s8 =	sshrl.u32 s20, $0x3;
	s6 =	sadd.s32 s7, s6;
	[dreg:$0x17] =	wrdreg s18  }
0x25: {  	s24 =	sadd.s32 $0x9C40, s18;
	s25 =	sadd.s32 $0x9C4A, s18;
	[dreg:$0x19] =	wrdreg s6  }
0x26: {  	s26 =	sadd.s32 $0x9C54, s18;
	s13 =	simm.s32 $0x6;
	[dreg:$0x1e] =	wrdreg s24  }
0x27: {  	s20 =	simm.s32 $0x4;
	s18 =	simm.s32 $0xC;
	[dreg:$0x1f] =	wrdreg s25  }
0x28: {  	s16 =	simm.s32 $0x8B80;
	s8 =	sadd.s32 s7, s8;
	[smem:$0x7FD] =	sst s26  }
0x29: {  	s6 =	simm.s32 $0x8C00;
	s7 =	simm.s32 $0x8C80;
	s24 =	simm.s32 $0x7  }
0x2a: {  	v0 =	vimm.f32 $0.0e+00;
	s25 =	simm.s32 $0x8;
	s26 =	simm.s32 $0x9;
	[dreg:$0x18] =	wrdreg s8  }
.LBB2_1:
0x2b: {  	[smem:$0x7FC] =	sst s5;
	s0 =	simm.s32 $0x10;
	s5 =	sand.u32 $0x1FF0, s3  }
.LBB2_2:
0x2c: {  	p0 =	sne.s32 s0, $0x13F0;
	[tilespmem:s5+$0x2780] =	vst v0;
	s5 =	smov.u32 s0;
	s0 =	sadd.s32 $0x10, s0  }
.Ltmp0:
0x2d: {  	(pc) =	sbr.rel @p0 .LBB2_2-.Ltmp0, $2  }
0x2e: {  	_ =	sdelay $0x2  }
0x2f: {  	s5 =	sand.u32 $0x1FF0, s5  }
0x30: {  	[tilespmem:s5+$0x2780] =	vst v0;
	s0 =	rddreg [dreg:$0xa]  }
0x31: {  	[spmem:s19] =	stream.linear.scatter [tilespmem:s30], [sflag:$0x6], $0x1400, $0x38;
	[tilespmem:$0x1C680] =	vst v63  }
0x32: {  	s1 =	rddreg [dreg:$0xc]  }
0x33: {  	[spmem:s0] =	stream.linear.scatter [tilespmem:s30], [sflag:$0x6], $0x1400, $0x38;
	[tilespmem:$0x1C680] =	vst v63  }
0x34: {  	s19 =	rddreg [dreg:$0xb]  }
0x35: {  	[spmem:s19] =	stream.linear.scatter [tilespmem:s30], [sflag:$0x6], $0x1400, $0x38;
	[tilespmem:$0x1C680] =	vst v63  }
0x36: {  	s5 =	rddreg [dreg:$0xd]  }
0x37: {  	[spmem:s1] =	stream.linear.scatter [tilespmem:s30], [sflag:$0x6], $0x1400, $0x38;
	[tilespmem:$0x1C680] =	vst v63  }
0x38: {  	s8 =	rddreg [dreg:$0xe]  }
0x39: {  	[spmem:s5] =	stream.linear.scatter [tilespmem:s30], [sflag:$0x6], $0x1400, $0x38;
	[tilespmem:$0x1C680] =	vst v63  }
0x3a: {  	s9 =	rddreg [dreg:$0xf]  }
0x3b: {  	[spmem:s8] =	stream.linear.scatter [tilespmem:s30], [sflag:$0x6], $0x1400, $0x38;
	[tilespmem:$0x1C680] =	vst v63  }
0x3c: {  	s19 =	rddreg [dreg:$0x10]  }
0x3d: {  	[spmem:s9] =	stream.linear.scatter [tilespmem:s30], [sflag:$0x6], $0x1400, $0x38;
	[tilespmem:$0x1C680] =	vst v63  }
0x3e: {  	s1 =	rddreg [dreg:$0x11]  }
0x3f: {  	[spmem:s19] =	stream.linear.scatter [tilespmem:s30], [sflag:$0x6], $0x1400, $0x38;
	[tilespmem:$0x1C680] =	vst v63  }
0x40: {  	s5 =	rddreg [dreg:$0x12]  }
0x41: {  	[spmem:s1] =	stream.linear.scatter [tilespmem:s30], [sflag:$0x6], $0x1400, $0x38;
	[tilespmem:$0x1C680] =	vst v63  }
0x42: {  	s8 =	rddreg [dreg:$0x13]  }
0x43: {  	[spmem:s5] =	stream.linear.scatter [tilespmem:s30], [sflag:$0x6], $0x1400, $0x38;
	[tilespmem:$0x1C680] =	vst v63  }
0x44: {  	s9 =	rddreg [dreg:$0x14]  }
0x45: {  	[spmem:s8] =	stream.linear.scatter [tilespmem:s30], [sflag:$0x6], $0x1400, $0x38;
	[tilespmem:$0x1C680] =	vst v63  }
0x46: {  	s19 =	rddreg [dreg:$0x15]  }
0x47: {  	[spmem:s9] =	stream.linear.scatter [tilespmem:s30], [sflag:$0x6], $0x1400, $0x38;
	[tilespmem:$0x1C680] =	vst v63  }
0x48: {  	s1 =	rddreg [dreg:$0x16]  }
0x49: {  	[spmem:s19] =	stream.linear.scatter [tilespmem:s30], [sflag:$0x6], $0x1400, $0x38;
	[tilespmem:$0x1C680] =	vst v63  }
0x4a: {  	s5 =	rddreg [dreg:$0x1a]  }
0x4b: {  	[spmem:s1] =	stream.linear.scatter [tilespmem:s30], [sflag:$0x6], $0x1400, $0x38;
	[tilespmem:$0x1C680] =	vst v63  }
0x4c: {  	s8 =	rddreg [dreg:$0x1b]  }
0x4d: {  	[spmem:s5] =	stream.linear.scatter [tilespmem:s30], [sflag:$0x6], $0x1400, $0x38;
	[tilespmem:$0x1C680] =	vst v63  }
0x4e: {  	s9 =	rddreg [dreg:$0x1e]  }
0x4f: {  	[spmem:s8] =	stream.linear.scatter [tilespmem:s30], [sflag:$0x6], $0x1400, $0x38;
	[tilespmem:$0x1C680] =	vst v63  }
0x50: {  	s0 =	simm.s32 $0x0;
	s1 =	rddreg [dreg:$0x17]  }
0x51: {  	[tilespmem:s0], [sflag:$0x1] =	stream.linear.gather [hbm4b:s1+s0], $0x2710, $0x38;
	[tilespmem:$0x1C680] =	vst v63  }
0x52: {  	s19 =	rddreg [dreg:$0x18]  }
0x53: {  	[tilespmem:s31], [sflag:$0xB] =	stream.linear.gather [hbm4b:s9+s0], $0x28, $0x38;
	[tilespmem:$0x1C680] =	vst v63  }
0x54: {  	s5 =	rddreg [dreg:$0x1f]  }
0x55: {  	[tilespmem:s6], [sflag:$0xC] =	stream.linear.gather [hbm4b:s19+s0], $0x28, $0x38;
	[tilespmem:$0x1C680] =	vst v63  }
0x56: {  	s8 =	rddreg [dreg:$0x19]  }
0x57: {  	[tilespmem:s7], [sflag:$0xD] =	stream.linear.gather [hbm4b:s5+s0], $0x28, $0x38;
	[tilespmem:$0x1C680] =	vst v63  }
0x58: {  	s9 =	sld [smem:$0x7FD]  }
0x59: {  	[tilespmem:s11], [sflag:$0xE] =	stream.linear.gather [hbm4b:s8+s0], $0x28, $0x38;
	[tilespmem:$0x1C680] =	vst v63  }
0x5a: {  	_ = 	snop  }
0x5b: {  	[tilespmem:s12], [sflag:$0xF] =	stream.linear.gather [hbm4b:s9+s0], $0x28, $0x38;
	[tilespmem:$0x1C680] =	vst v63  }
0x5c: {  	_ =	swait.ge [sflag:s13], $0x1400  }
0x5d: {  	[sflag:s13] =	ssyncset.done $0x0  }
0x5e: {  	[sflag:s13] =	ssyncadd.s32 $0xFFFFEC00  }
0x5f: {  	_ =	swait.ge [sflag:s13], $0x1400  }
0x60: {  	[sflag:s13] =	ssyncset.done $0x0  }
0x61: {  	[sflag:s13] =	ssyncadd.s32 $0xFFFFEC00  }
0x62: {  	_ =	swait.ge [sflag:s13], $0x1400  }
0x63: {  	[sflag:s13] =	ssyncset.done $0x0  }
0x64: {  	[sflag:s13] =	ssyncadd.s32 $0xFFFFEC00  }
0x65: {  	_ =	swait.ge [sflag:s13], $0x1400  }
0x66: {  	[sflag:s13] =	ssyncset.done $0x0  }
0x67: {  	[sflag:s13] =	ssyncadd.s32 $0xFFFFEC00  }
0x68: {  	_ =	swait.ge [sflag:s13], $0x1400  }
0x69: {  	[sflag:s13] =	ssyncset.done $0x0  }
0x6a: {  	[sflag:s13] =	ssyncadd.s32 $0xFFFFEC00  }
0x6b: {  	_ =	swait.ge [sflag:s13], $0x1400  }
0x6c: {  	[sflag:s13] =	ssyncset.done $0x0  }
0x6d: {  	[sflag:s13] =	ssyncadd.s32 $0xFFFFEC00  }
0x6e: {  	_ =	swait.ge [sflag:s13], $0x1400  }
0x6f: {  	[sflag:s13] =	ssyncset.done $0x0  }
0x70: {  	[sflag:s13] =	ssyncadd.s32 $0xFFFFEC00  }
0x71: {  	_ =	swait.ge [sflag:s13], $0x1400  }
0x72: {  	[sflag:s13] =	ssyncset.done $0x0  }
0x73: {  	[sflag:s13] =	ssyncadd.s32 $0xFFFFEC00  }
0x74: {  	_ =	swait.ge [sflag:s13], $0x1400  }
0x75: {  	[sflag:s13] =	ssyncset.done $0x0  }
0x76: {  	[sflag:s13] =	ssyncadd.s32 $0xFFFFEC00  }
0x77: {  	_ =	swait.ge [sflag:s13], $0x1400  }
0x78: {  	[sflag:s13] =	ssyncset.done $0x0  }
0x79: {  	[sflag:s13] =	ssyncadd.s32 $0xFFFFEC00  }
0x7a: {  	_ =	swait.ge [sflag:s13], $0x1400  }
0x7b: {  	[sflag:s13] =	ssyncset.done $0x0  }
0x7c: {  	[sflag:s13] =	ssyncadd.s32 $0xFFFFEC00  }
0x7d: {  	_ =	swait.ge [sflag:s13], $0x1400  }
0x7e: {  	[sflag:s13] =	ssyncset.done $0x0  }
0x7f: {  	[sflag:s13] =	ssyncadd.s32 $0xFFFFEC00  }
0x80: {  	_ =	swait.ge [sflag:s13], $0x1400  }
0x81: {  	[sflag:s13] =	ssyncset.done $0x0  }
0x82: {  	[sflag:s13] =	ssyncadd.s32 $0xFFFFEC00  }
0x83: {  	_ =	swait.ge [sflag:s13], $0x1400  }
0x84: {  	[sflag:s13] =	ssyncset.done $0x0  }
0x85: {  	[sflag:s13] =	ssyncadd.s32 $0xFFFFEC00  }
0x86: {  	_ =	swait.ge [sflag:s13], $0x1400  }
0x87: {  	[sflag:s13] =	ssyncset.done $0x0  }
0x88: {  	[sflag:s13] =	ssyncadd.s32 $0xFFFFEC00  }
0x89: {  	_ =	swait.ge [sflag:s13], $0x1400  }
0x8a: {  	[sflag:s13] =	ssyncset.done $0x0  }
0x8b: {  	s8 =	simm.s32 $0x1;
	[sflag:s13] =	ssyncadd.s32 $0xFFFFEC00  }
0x8c: {  	_ =	swait.ge [sflag:s8], $0x2710  }
0x8d: {  	[sflag:s8] =	ssyncset.done $0x0  }
0x8e: {  	[sflag:s8] =	ssyncadd.s32 $0xFFFFD8F0  }
0x8f: {  	[bflag:$0x0] =	sbarrier.arrive $0xFFFF  }
0x90: {  	[tilespmem:s30], [sflag:$0x1] =	stream.indirect.gather [hbm4b:s2+s10], $0x80, s0, s10, $0xb8;
	[tilespmem:$0x1C680] =	vst v63  }
0x91: {  	s1 =	simm.s32 $0x3B80  }
0x92: {  	[tilespmem:s1], [sflag:$0x2] =	stream.indirect.gather [hbm4b:s2+s10], $0x80, s10, s10, $0xb8;
	[tilespmem:$0x1C680] =	vst v63  }
0x93: {  	s19 =	simm.s32 $0x50  }
0x94: {  	[tilespmem:s14], [sflag:$0x3] =	stream.indirect.gather [hbm4b:s2+s10], $0x80, s19, s10, $0xb8;
	[tilespmem:$0x1C680] =	vst v63  }
0x95: {  	s5 =	simm.s32 $0x78;
	s19 =	simm.s32 $0x6380  }
0x96: {  	[tilespmem:s19], [sflag:$0x4] =	stream.indirect.gather [hbm4b:s2+s10], $0x80, s5, s10, $0xb8;
	[tilespmem:$0x1C680] =	vst v63  }
0x97: {  	s9 =	simm.s32 $0xA0;
	s5 =	simm.s32 $0x7780  }
0x98: {  	[tilespmem:s5], [sflag:$0x5] =	stream.indirect.gather [hbm4b:s2+s10], $0x80, s9, s10, $0xb8;
	[tilespmem:$0x1C680] =	vst v63  }
0x99: {  	_ =	swait.ge [sflag:s8], $0x1400  }
0x9a: {  	[sflag:s8] =	ssyncset.done $0x0  }
0x9b: {  	[sflag:s8] =	ssyncadd.s32 $0xFFFFEC00;
	s8 =	simm.s32 $0xB  }
0x9c: {  	_ =	swait.ge [sflag:s8], $0x28  }
0x9d: {  	[sflag:s8] =	ssyncset.done $0x0  }
0x9e: {  	[sflag:s8] =	ssyncadd.s32 $0xFFFFFFD8  }
0x9f: {  	[spmem:s4] =	stream.indirect.scatter.add.f32 [tilespmem:s30], [sflag:$0x6], $0x80, s31, s10, $0xb8;
	[tilespmem:$0x1C680] =	vst v63  }
0xa0: {  	_ =	swait.ge [sflag:s17], $0x1400  }
0xa1: {  	[sflag:s17] =	ssyncset.done $0x0  }
0xa2: {  	[sflag:s17] =	ssyncadd.s32 $0xFFFFEC00  }
0xa3: {  	_ =	swait.ge [sflag:s18], $0x28  }
0xa4: {  	[sflag:s18] =	ssyncset.done $0x0  }
0xa5: {  	s9 =	simm.s32 $0x3;
	[sflag:s18] =	ssyncadd.s32 $0xFFFFFFD8  }
0xa6: {  	[spmem:s4] =	stream.indirect.scatter.add.f32 [tilespmem:s1], [sflag:$0x7], $0x80, s6, s10, $0xb8;
	[tilespmem:$0x1C680] =	vst v63  }
0xa7: {  	_ =	swait.ge [sflag:s9], $0x1400  }
0xa8: {  	[sflag:s9] =	ssyncset.done $0x0  }
0xa9: {  	[sflag:s9] =	ssyncadd.s32 $0xFFFFEC00  }
0xaa: {  	_ =	swait.ge [sflag:s15], $0x28  }
0xab: {  	[sflag:s15] =	ssyncset.done $0x0  }
0xac: {  	[sflag:s15] =	ssyncadd.s32 $0xFFFFFFD8  }
0xad: {  	[spmem:s4] =	stream.indirect.scatter.add.f32 [tilespmem:s14], [sflag:$0x8], $0x80, s7, s10, $0xb8;
	[tilespmem:$0x1C680] =	vst v63  }
0xae: {  	_ =	swait.ge [sflag:s20], $0x1400  }
0xaf: {  	[sflag:s20] =	ssyncset.done $0x0  }
0xb0: {  	[sflag:s20] =	ssyncadd.s32 $0xFFFFEC00  }
0xb1: {  	_ =	swait.ge [sflag:s21], $0x28  }
0xb2: {  	[sflag:s21] =	ssyncset.done $0x0  }
0xb3: {  	[sflag:s21] =	ssyncadd.s32 $0xFFFFFFD8  }
0xb4: {  	[spmem:s4] =	stream.indirect.scatter.add.f32 [tilespmem:s19], [sflag:$0x9], $0x80, s11, s10, $0xb8;
	[tilespmem:$0x1C680] =	vst v63  }
0xb5: {  	_ =	swait.ge [sflag:s22], $0x1400  }
0xb6: {  	[sflag:s22] =	ssyncset.done $0x0  }
0xb7: {  	[sflag:s22] =	ssyncadd.s32 $0xFFFFEC00  }
0xb8: {  	_ =	swait.ge [sflag:s23], $0x28  }
0xb9: {  	[sflag:s23] =	ssyncset.done $0x0  }
0xba: {  	[sflag:s23] =	ssyncadd.s32 $0xFFFFFFD8  }
0xbb: {  	[spmem:s4] =	stream.indirect.scatter.add.f32 [tilespmem:s5], [sflag:$0xA], $0x80, s12, s10, $0xb8;
	[tilespmem:$0x1C680] =	vst v63  }
0xbc: {  	_ =	swait.ge [sflag:s13], $0x1400  }
0xbd: {  	s15 =	rddreg [dreg:$0x8];
	[sflag:s13] =	ssyncset.done $0x0  }
0xbe: {  	[sflag:s13] =	ssyncadd.s32 $0xFFFFEC00;
	s0 =	sadd.s32 $0x0, s15  }
0xbf: {  	[tilespmem:s31], [sflag:$0xB] =	stream.linear.gather [hbm4b:s0+s3], $0x28, $0x38;
	[tilespmem:$0x1C680] =	vst v63  }
0xc0: {  	s20 =	simm.s32 $0xC8  }
0xc1: {  	[tilespmem:s30], [sflag:$0x1] =	stream.indirect.gather [hbm4b:s2+s10], $0x80, s20, s10, $0xb8;
	[tilespmem:$0x1C680] =	vst v63  }
0xc2: {  	_ =	swait.ge [sflag:s24], $0x1400  }
0xc3: {  	s21 =	rddreg [dreg:$0x7];
	[sflag:s24] =	ssyncset.done $0x0  }
0xc4: {  	[sflag:s24] =	ssyncadd.s32 $0xFFFFEC00;
	s0 =	sadd.s32 $0x0, s21  }
0xc5: {  	[tilespmem:s6], [sflag:$0xC] =	stream.linear.gather [hbm4b:s0+s3], $0x28, $0x38;
	[tilespmem:$0x1C680] =	vst v63  }
0xc6: {  	s22 =	simm.s32 $0xF0  }
0xc7: {  	[tilespmem:s1], [sflag:$0x2] =	stream.indirect.gather [hbm4b:s2+s10], $0x80, s22, s10, $0xb8;
	[tilespmem:$0x1C680] =	vst v63  }
0xc8: {  	_ =	swait.ge [sflag:s25], $0x1400  }
0xc9: {  	s23 =	rddreg [dreg:$0x6];
	[sflag:s25] =	ssyncset.done $0x0  }
0xca: {  	s5 =	simm.s32 $0x168;
	[sflag:s25] =	ssyncadd.s32 $0xFFFFEC00;
	s0 =	sadd.s32 $0x0, s23  }
0xcb: {  	[tilespmem:s7], [sflag:$0xD] =	stream.linear.gather [hbm4b:s0+s3], $0x28, $0x38;
	[tilespmem:$0x1C680] =	vst v63  }
0xcc: {  	s15 =	simm.s32 $0x6;
	s13 =	simm.s32 $0xA;
	s24 =	simm.s32 $0x118  }
0xcd: {  	[tilespmem:s14], [sflag:$0x3] =	stream.indirect.gather [hbm4b:s2+s10], $0x80, s24, s10, $0xb8;
	[tilespmem:$0x1C680] =	vst v63  }
0xce: {  	s31 =	simm.s32 $0x230;
	s21 =	simm.s32 $0xD;
	_ =	swait.ge [sflag:s26], $0x1400  }
0xcf: {  	s22 =	simm.s32 $0x4;
	s25 =	rddreg [dreg:$0x5];
	[sflag:s26] =	ssyncset.done $0x0  }
0xd0: {  	s23 =	simm.s32 $0xE;
	[sflag:s26] =	ssyncadd.s32 $0xFFFFEC00;
	s0 =	sadd.s32 $0x0, s25  }
0xd1: {  	[tilespmem:s11], [sflag:$0xE] =	stream.linear.gather [hbm4b:s0+s3], $0x28, $0x38;
	[tilespmem:$0x1C680] =	vst v63  }
0xd2: {  	s24 =	simm.s32 $0x5;
	s26 =	simm.s32 $0x140;
	s25 =	simm.s32 $0xF  }
0xd3: {  	[tilespmem:s19], [sflag:$0x4] =	stream.indirect.gather [hbm4b:s2+s10], $0x80, s26, s10, $0xb8;
	[tilespmem:$0x1C680] =	vst v63  }
0xd4: {  	s11 =	simm.s32 $0x0;
	s19 =	simm.s32 $0x19;
	_ =	swait.ge [sflag:s28], $0x1400  }
0xd5: {  	s26 =	simm.s32 $0x7;
	s30 =	rddreg [dreg:$0x4];
	[sflag:s28] =	ssyncset.done $0x0  }
0xd6: {  	[sflag:s28] =	ssyncadd.s32 $0xFFFFEC00;
	s0 =	sadd.s32 $0x0, s30;
	s28 =	simm.s32 $0x8  }
0xd7: {  	[tilespmem:s12], [sflag:$0xF] =	stream.linear.gather [hbm4b:s0+s3], $0x28, $0x38;
	[tilespmem:$0x1C680] =	vst v63  }
.LBB2_4:
0xd8: {  	s20 =	simm.s32 $0x7780;
	s3 =	simm.s32 $0x1  }
0xd9: {  	[tilespmem:s20], [sflag:$0x5] =	stream.indirect.gather [hbm4b:s2+s10], $0x80, s5, s10, $0xb8;
	[tilespmem:$0x1C680] =	vst v63  }
0xda: {  	_ =	swait.ge [sflag:s3], $0x1400  }
0xdb: {  	[sflag:s3] =	ssyncset.done $0x0  }
0xdc: {  	s9 =	simm.s32 $0xB;
	[sflag:s3] =	ssyncadd.s32 $0xFFFFEC00  }
0xdd: {  	_ =	swait.ge [sflag:s9], $0x28  }
0xde: {  	[sflag:s9] =	ssyncset.done $0x0  }
0xdf: {  	s8 =	simm.s32 $0x2780;
	[sflag:s9] =	ssyncadd.s32 $0xFFFFFFD8;
	s9 =	simm.s32 $0x8B80  }
0xe0: {  	[spmem:s4] =	stream.indirect.scatter.add.f32 [tilespmem:s8], [sflag:$0x6], $0x80, s9, s10, $0xb8;
	[tilespmem:$0x1C680] =	vst v63  }
0xe1: {  	_ =	swait.ge [sflag:s17], $0x1400  }
0xe2: {  	[sflag:s17] =	ssyncset.done $0x0  }
0xe3: {  	[sflag:s17] =	ssyncadd.s32 $0xFFFFEC00  }
0xe4: {  	_ =	swait.ge [sflag:s18], $0x28  }
0xe5: {  	[sflag:s18] =	ssyncset.done $0x0  }
0xe6: {  	s30 =	simm.s32 $0x8C00;
	s12 =	simm.s32 $0x3;
	[sflag:s18] =	ssyncadd.s32 $0xFFFFFFD8  }
0xe7: {  	[spmem:s4] =	stream.indirect.scatter.add.f32 [tilespmem:s1], [sflag:$0x7], $0x80, s30, s10, $0xb8;
	[tilespmem:$0x1C680] =	vst v63  }
0xe8: {  	_ =	swait.ge [sflag:s12], $0x1400  }
0xe9: {  	[sflag:s12] =	ssyncset.done $0x0  }
0xea: {  	[sflag:s12] =	ssyncadd.s32 $0xFFFFEC00  }
0xeb: {  	_ =	swait.ge [sflag:s21], $0x28  }
0xec: {  	[sflag:s21] =	ssyncset.done $0x0  }
0xed: {  	s6 =	simm.s32 $0x8C80;
	[sflag:s21] =	ssyncadd.s32 $0xFFFFFFD8  }
0xee: {  	[spmem:s4] =	stream.indirect.scatter.add.f32 [tilespmem:s14], [sflag:$0x8], $0x80, s6, s10, $0xb8;
	[tilespmem:$0x1C680] =	vst v63  }
0xef: {  	_ =	swait.ge [sflag:s22], $0x1400  }
0xf0: {  	[sflag:s22] =	ssyncset.done $0x0  }
0xf1: {  	[sflag:s22] =	ssyncadd.s32 $0xFFFFEC00  }
0xf2: {  	_ =	swait.ge [sflag:s23], $0x28  }
0xf3: {  	[sflag:s23] =	ssyncset.done $0x0  }
0xf4: {  	s7 =	simm.s32 $0x8D00;
	s12 =	simm.s32 $0x6380;
	[sflag:s23] =	ssyncadd.s32 $0xFFFFFFD8  }
0xf5: {  	[spmem:s4] =	stream.indirect.scatter.add.f32 [tilespmem:s12], [sflag:$0x9], $0x80, s7, s10, $0xb8;
	[tilespmem:$0x1C680] =	vst v63  }
0xf6: {  	_ =	swait.ge [sflag:s24], $0x1400  }
0xf7: {  	[sflag:s24] =	ssyncset.done $0x0  }
0xf8: {  	[sflag:s24] =	ssyncadd.s32 $0xFFFFEC00  }
0xf9: {  	_ =	swait.ge [sflag:s25], $0x28  }
0xfa: {  	[sflag:s25] =	ssyncset.done $0x0  }
0xfb: {  	s3 =	simm.s32 $0x8D80;
	[sflag:s25] =	ssyncadd.s32 $0xFFFFFFD8  }
0xfc: {  	[spmem:s4] =	stream.indirect.scatter.add.f32 [tilespmem:s20], [sflag:$0xA], $0x80, s3, s10, $0xb8;
	[tilespmem:$0x1C680] =	vst v63  }
0xfd: {  	_ =	swait.ge [sflag:s15], $0x1400  }
0xfe: {  	s0 =	smov.u32 s19;
	s20 =	rddreg [dreg:$0x8];
	[sflag:s15] =	ssyncset.done $0x0  }
0xff: {  	[sflag:s15] =	ssyncadd.s32 $0xFFFFEC00;
	s1 =	sadd.s32 s0, s20  }
0x100: {  	[tilespmem:s9], [sflag:$0xB] =	stream.linear.gather [hbm4b:s1+s11], $0x28, $0x38;
	[tilespmem:$0x1C680] =	vst v63  }
0x101: {  	s20 =	sadd.s32 $0xFFFFFF60, s31  }
0x102: {  	[tilespmem:s8], [sflag:$0x1] =	stream.indirect.gather [hbm4b:s2+s10], $0x80, s20, s10, $0xb8;
	[tilespmem:$0x1C680] =	vst v63  }
0x103: {  	_ =	swait.ge [sflag:s26], $0x1400  }
0x104: {  	s8 =	rddreg [dreg:$0x7];
	[sflag:s26] =	ssyncset.done $0x0  }
0x105: {  	[sflag:s26] =	ssyncadd.s32 $0xFFFFEC00;
	s1 =	sadd.s32 s0, s8  }
0x106: {  	[tilespmem:s30], [sflag:$0xC] =	stream.linear.gather [hbm4b:s1+s11], $0x28, $0x38;
	[tilespmem:$0x1C680] =	vst v63  }
0x107: {  	s14 =	simm.s32 $0x3B80;
	s20 =	sadd.s32 $0xFFFFFF88, s31  }
0x108: {  	[tilespmem:s14], [sflag:$0x2] =	stream.indirect.gather [hbm4b:s2+s10], $0x80, s20, s10, $0xb8;
	[tilespmem:$0x1C680] =	vst v63  }
0x109: {  	_ =	swait.ge [sflag:s28], $0x1400  }
0x10a: {  	s20 =	rddreg [dreg:$0x6];
	[sflag:s28] =	ssyncset.done $0x0  }
0x10b: {  	[sflag:s28] =	ssyncadd.s32 $0xFFFFEC00;
	s1 =	sadd.s32 s0, s20  }
0x10c: {  	[tilespmem:s6], [sflag:$0xD] =	stream.linear.gather [hbm4b:s1+s11], $0x28, $0x38;
	[tilespmem:$0x1C680] =	vst v63  }
0x10d: {  	s14 =	simm.s32 $0x4F80;
	s20 =	sadd.s32 $0xFFFFFFB0, s31  }
0x10e: {  	[tilespmem:s14], [sflag:$0x3] =	stream.indirect.gather [hbm4b:s2+s10], $0x80, s20, s10, $0xb8;
	[tilespmem:$0x1C680] =	vst v63  }
0x10f: {  	p0 =	sne.s32 s19, $0x4B0;
	_ =	swait.ge [sflag:s29], $0x1400  }
0x110: {  	s19 =	sadd.s32 $0x19, s19;
	s6 =	rddreg [dreg:$0x5];
	[sflag:s29] =	ssyncset.done $0x0  }
0x111: {  	s5 =	smov.u32 s31;
	[sflag:s29] =	ssyncadd.s32 $0xFFFFEC00;
	s1 =	sadd.s32 s0, s6  }
0x112: {  	[tilespmem:s7], [sflag:$0xE] =	stream.linear.gather [hbm4b:s1+s11], $0x28, $0x38;
	[tilespmem:$0x1C680] =	vst v63  }
0x113: {  	s9 =	simm.s32 $0x2780;
	s8 =	simm.s32 $0x8C00;
	s7 =	sadd.s32 $0xFFFFFFD8, s31  }
0x114: {  	[tilespmem:s12], [sflag:$0x4] =	stream.indirect.gather [hbm4b:s2+s10], $0x80, s7, s10, $0xb8;
	[tilespmem:$0x1C680] =	vst v63  }
.Ltmp1:
0x115: {  	s30 =	simm.s32 $0x8C80;
	s20 =	simm.s32 $0x6380;
	(pc) =	sbr.rel @p0 .LBB2_4-.Ltmp1, $4  }
0x116: {  	s6 =	simm.s32 $0x8D00;
	s1 =	simm.s32 $0x3B80;
	_ =	swait.ge [sflag:s13], $0x1400  }
0x117: {  	s31 =	sadd.s32 $0xC8, s31;
	s12 =	rddreg [dreg:$0x4];
	[sflag:s13] =	ssyncset.done $0x0  }
0x118: {  	[sflag:s13] =	ssyncadd.s32 $0xFFFFEC00;
	s0 =	sadd.s32 s0, s12;
	s12 =	simm.s32 $0x8D80  }
0x119: {  	[tilespmem:s3], [sflag:$0xF] =	stream.linear.gather [hbm4b:s0+s11], $0x28, $0x38;
	[tilespmem:$0x1C680] =	vst v63  }
0x11a: {  	s0 =	simm.s32 $0x7780;
	s3 =	simm.s32 $0x1  }
0x11b: {  	[tilespmem:s0], [sflag:$0x5] =	stream.indirect.gather [hbm4b:s2+s10], $0x80, s5, s10, $0xb8;
	[tilespmem:$0x1C680] =	vst v63  }
0x11c: {  	_ =	swait.ge [sflag:s3], $0x1400  }
0x11d: {  	[sflag:s3] =	ssyncset.done $0x0  }
0x11e: {  	s11 =	simm.s32 $0xB;
	[sflag:s3] =	ssyncadd.s32 $0xFFFFEC00  }
0x11f: {  	_ =	swait.ge [sflag:s11], $0x28  }
0x120: {  	[sflag:s11] =	ssyncset.done $0x0  }
0x121: {  	[sflag:s11] =	ssyncadd.s32 $0xFFFFFFD8  }
0x122: {  	[spmem:s4] =	stream.indirect.scatter.add.f32 [tilespmem:s9], [sflag:$0x6], $0x80, s16, s10, $0xb8;
	[tilespmem:$0x1C680] =	vst v63  }
0x123: {  	_ =	swait.ge [sflag:s17], $0x1400  }
0x124: {  	[sflag:s17] =	ssyncset.done $0x0  }
0x125: {  	[sflag:s17] =	ssyncadd.s32 $0xFFFFEC00  }
0x126: {  	_ =	swait.ge [sflag:s18], $0x28  }
0x127: {  	[sflag:s18] =	ssyncset.done $0x0  }
0x128: {  	s19 =	simm.s32 $0x3;
	[sflag:s18] =	ssyncadd.s32 $0xFFFFFFD8  }
0x129: {  	[spmem:s4] =	stream.indirect.scatter.add.f32 [tilespmem:s1], [sflag:$0x7], $0x80, s8, s10, $0xb8;
	[tilespmem:$0x1C680] =	vst v63  }
0x12a: {  	_ =	swait.ge [sflag:s19], $0x1400  }
0x12b: {  	[sflag:s19] =	ssyncset.done $0x0  }
0x12c: {  	[sflag:s19] =	ssyncadd.s32 $0xFFFFEC00  }
0x12d: {  	_ =	swait.ge [sflag:s21], $0x28  }
0x12e: {  	[sflag:s21] =	ssyncset.done $0x0  }
0x12f: {  	[sflag:s21] =	ssyncadd.s32 $0xFFFFFFD8  }
0x130: {  	[spmem:s4] =	stream.indirect.scatter.add.f32 [tilespmem:s14], [sflag:$0x8], $0x80, s30, s10, $0xb8;
	[tilespmem:$0x1C680] =	vst v63  }
0x131: {  	_ =	swait.ge [sflag:s22], $0x1400  }
0x132: {  	[sflag:s22] =	ssyncset.done $0x0  }
0x133: {  	[sflag:s22] =	ssyncadd.s32 $0xFFFFEC00  }
0x134: {  	_ =	swait.ge [sflag:s23], $0x28  }
0x135: {  	[sflag:s23] =	ssyncset.done $0x0  }
0x136: {  	[sflag:s23] =	ssyncadd.s32 $0xFFFFFFD8  }
0x137: {  	[spmem:s4] =	stream.indirect.scatter.add.f32 [tilespmem:s20], [sflag:$0x9], $0x80, s6, s10, $0xb8;
	[tilespmem:$0x1C680] =	vst v63  }
0x138: {  	_ =	swait.ge [sflag:s24], $0x1400  }
0x139: {  	[sflag:s24] =	ssyncset.done $0x0  }
0x13a: {  	[sflag:s24] =	ssyncadd.s32 $0xFFFFEC00  }
0x13b: {  	_ =	swait.ge [sflag:s25], $0x28  }
0x13c: {  	[sflag:s25] =	ssyncset.done $0x0  }
0x13d: {  	[sflag:s25] =	ssyncadd.s32 $0xFFFFFFD8  }
0x13e: {  	[spmem:s4] =	stream.indirect.scatter.add.f32 [tilespmem:s0], [sflag:$0xA], $0x80, s12, s10, $0xb8;
	[tilespmem:$0x1C680] =	vst v63  }
0x13f: {  	_ =	swait.ge [sflag:s15], $0x1400  }
0x140: {  	[sflag:s15] =	ssyncset.done $0x0  }
0x141: {  	[sflag:s15] =	ssyncadd.s32 $0xFFFFEC00  }
0x142: {  	_ =	swait.ge [sflag:s26], $0x1400  }
0x143: {  	[sflag:s26] =	ssyncset.done $0x0  }
0x144: {  	[sflag:s26] =	ssyncadd.s32 $0xFFFFEC00  }
0x145: {  	_ =	swait.ge [sflag:s28], $0x1400  }
0x146: {  	[sflag:s28] =	ssyncset.done $0x0  }
0x147: {  	[sflag:s28] =	ssyncadd.s32 $0xFFFFEC00  }
0x148: {  	_ =	swait.ge [sflag:s29], $0x1400  }
0x149: {  	[sflag:s29] =	ssyncset.done $0x0  }
0x14a: {  	[sflag:s29] =	ssyncadd.s32 $0xFFFFEC00  }
0x14b: {  	_ =	swait.ge [sflag:s13], $0x1400  }
0x14c: {  	[sflag:s13] =	ssyncset.done $0x0  }
0x14d: {  	[sflag:s13] =	ssyncadd.s32 $0xFFFFEC00  }
0x14e: {  	s21 =	stileid.u32;
	[bflag:$0x0] =	sbarrier.arrive $0xFFFF  }
0x14f: {  	s24 =	simm.s32 $0x10;
	s0 =	sshll.u32 s21, $0x6;
	s19 =	rddreg [dreg:$0x9]  }
0x150: {  	s0 =	sor.u32 $0x1C10, s0;
	s23 =	rddreg [dreg:$0x1c];
	s22 =	sshrl.u32 s19, $0x3  }
0x151: {  	[hbm:s23], [sflag:s0] =	dma.local [spmem:s22], $0x2800  }
0x152: {  	_ =	swait.ge [sflag:s24], $0x2800  }
0x153: {  	s25 =	sld [smem:$0x7FC];
	_ =	sdelay $0x1  }
0x154: {  	s31 =	simm.s32 $0x8B80;
	s7 =	simm.s32 $0x8C80  }
0x155: {  	s3 =	simm.s32 $0x0;
	s26 =	rddreg [dreg:$0x1d];
	s5 =	sadd.s32 $0x1, s25  }
0x156: {  	s11 =	simm.s32 $0x8D00;
	s30 =	simm.s32 $0x2780;
	p0 =	sne.s32 s5, s26  }
.Ltmp2:
0x157: {  	s6 =	simm.s32 $0x8C00;
	s20 =	simm.s32 $0x4;
	(pc) =	sbr.rel @p0 .LBB2_1-.Ltmp2, $4  }
0x158: {  	s12 =	simm.s32 $0x8D80;
	s21 =	simm.s32 $0xE;
	s15 =	simm.s32 $0xD  }
0x159: {  	s28 =	simm.s32 $0xA;
	s13 =	simm.s32 $0x6;
	[sflag:s24] =	ssyncset.done $0x0  }
0x15a: {  	s22 =	simm.s32 $0x5;
	s23 =	simm.s32 $0xF;
	[sflag:s24] =	ssyncadd.s32 $0xFFFFD800  }
0x15b: {  	s24 =	simm.s32 $0x7;
	s25 =	simm.s32 $0x8;
	s26 =	simm.s32 $0x9  }
0x15c: {  	_ =	sfence.sel $0x180000  }
0x15d: {  	[bflag:$0x0] =	sbarrier.arrive $0xFFFF  }
0x15e: {  	_ =	strace $0x9000004A  }
0x15f: {  	s0 =	stileid.u32;
	[bflag:$0x2] =	sbarrier.arrive $0xFFFF  }
0x160: {  	p0 =	sne.s32 s0, $0x0;
	s0 =	rddreg [dreg:$0x3]  }
0x161: {  	s0 =	sadd.s32 @!p0 $0x100000, s0  }
0x162: {  	[sflag:s0] =	ssyncadd.tile.s32 @!p0 $0x1;
	_ =	shalt  }
.Lfunc_end2:
_tile_overlayer_lowered:
.L_overlay_start_2:
0x163: {  	(tag) =	ssettag $0x2  }
0x164: {  	s0 =	rddreg [dreg:$0x0];
	s2 =	stileid.u32  }
0x165: {  	s1 =	rddreg [dreg:$0x1];
	p0 =	sne.s32 s2, $0x0  }
0x166: {  	s3 =	rddreg [dreg:$0x2];
	[bflag:$0x3] =	sbarrier.arrive $0xFFFF;
	s2 =	simm.s32 @!p0 $0x1C10  }
0x167: {  	[timem:s3], [sflag:s2] =	dma.local @!p0 [hbm:s0], s1  }
0x168: {  	s0 =	simm.s32 @!p0 $0x10  }
0x169: {  	_ =	swait.ge @!p0 [sflag:s0], s1  }
0x16a: {  	s1 =	ssub.s32 @!p0 $0x0, s1;
	[sflag:s0] =	ssyncset.done @!p0 $0x0  }
0x16b: {  	[sflag:s0] =	ssyncadd.s32 @!p0 s1  }
0x16c: {  	[bflag:$0x3] =	sbarrier.arrive $0xFFFF  }
0x16d: {  	_ =	shalt  }

// kernel: kernel.15.cloned.1.call-start
scs
__scs_entry_jumppad:
0x0: {  	(pc) =	sbr.rel $0x88, $3  }
0x1: {  	(tag) =	ssettag $0x0;
	lr =	simm.s32 $0x1  }
0x2: {  	[smem:$0x3F94] =	sst lr;
	_ =	strace $0xD0000000  }
0x3: {  	_ = 	snop  }
0x4: {  	_ = 	snop  }
0x5: {  	_ = 	snop  }
0x6: {  	_ = 	snop  }
0x7: {  	_ = 	snop  }
__scs_overlays_trampoline_lowered:
0x8: {  	[smem:$0x3FA3] =	sst s0  }
0x9: {  	[smem:$0x3FA4] =	sst s1  }
0xa: {  	[smem:$0x3FA5] =	sst s2  }
0xb: {  	[smem:$0x3FA6] =	sst s3  }
0xc: {  	[smem:$0x3FA7] =	sst s4  }
0xd: {  	[smem:$0x3FA8] =	sst s5  }
0xe: {  	[smem:$0x3FA9] =	sst s6  }
0xf: {  	[smem:$0x3FAA] =	sst s7  }
0x10: {  	[smem:$0x3FAB] =	sst s8  }
0x11: {  	[smem:$0x3FAC] =	sst s9;
	s0 =	simm.s32 @!p0 $0x0  }
0x12: {  	s1 =	sld [smem:$0x3F92];
	s0 =	simm.s32 @p0 $0x1  }
0x13: {  	[smem:$0x3FAD] =	sst s0;
	s0 =	simm.s32 @!p1 $0x0  }
0x14: {  	s2 =	sld [smem:$0x3F91];
	s0 =	simm.s32 @p1 $0x1  }
0x15: {  	[smem:$0x3FAE] =	sst s0;
	s0 =	simm.s32 @!p2 $0x0  }
0x16: {  	s3 =	sld [smem:$0x3FDB];
	s0 =	simm.s32 @p2 $0x1  }
0x17: {  	s4 =	simm.s32 $0x1BF5;
	[smem:$0x3FB0] =	sst s0  }
0x18: {  	s0 =	sld [smem:$0x3F93];
	_ =	swait.ge [sflag:s4], $0x0  }
0x19: {  	s7 =	sld [smem:$0x3F94]  }
0x1a: {  	s8 =	sadd.s32 $0xFFFFE003, lr  }
0x1b: {  	s9 =	sadd.s32 $0xFFFFFEF7, lr;
	s5 =	simm.s32 $0xFFFFFFFF;
	p2 =	slt.u32 s8, $0xFFFFF086  }
0x1c: {  	p1 =	slt.u32 s9, $0xF7A;
	s5 =	simm.s32 @!p2 $0x0  }
0x1d: {  	s5 =	simm.s32 @p1 $0x1;
	p0 =	seq.s32 s7, s2  }
0x1e: {  	s7 =	smul.u32 @!p0 $0xF7A, s2;
	p2 =	seq.s32 @!p0 s5, $0x0  }
0x1f: {  	s9 =	smul.u32 $0xF7A, s1;
	s8 =	simm.s32 @!p0 $0x1BF5;
	p2 =	por !p2, p0  }
0x20: {  	[sflag:s8] =	ssyncset.s32 @!p0 $0xFFFFF086;
	s6 =	sadd.s32 @!p0 s3, s7;
	s7 =	simm.s32 @!p0 $0x108  }
0x21: {  	s3 =	sadd.s32 s3, s9;
	s6 =	sadd.s32 @!p0 $0x88, s6;
	s7 =	simm.s32 @p2 $0x1082  }
0x22: {  	[simem:s7], [sflag:s8] =	dma.local @!p0 [hbm:s6], $0xF7A  }
0x23: {  	s9 =	sor.u32 $0xD0000000, s2;
	s6 =	simm.s32 $0x108;
	_ =	swait.ge @!p0 [sflag:s8], $0x0  }
0x24: {  	s3 =	sadd.s32 $0x88, s3;
	s6 =	simm.s32 @!p1 $0x1082;
	[sflag:s4] =	ssyncset.s32 $0xFFFFF086  }
0x25: {  	[simem:s6], [sflag:s4] =	dma.local [hbm:s3], $0xF7A  }
0x26: {  	[smem:$0x3F94] =	sst s1;
	(tag) =	ssettag s2;
	_ =	strace s9  }
0x27: {  	s1 =	sld [smem:$0x3FA4]  }
0x28: {  	s2 =	sld [smem:$0x3FA5]  }
0x29: {  	s4 =	sld [smem:$0x3FA7]  }
0x2a: {  	p0 =	seq.s32 s5, $0x0;
	s5 =	sld [smem:$0x3FA8]  }
0x2b: {  	s6 =	sld [smem:$0x3FA9]  }
0x2c: {  	s7 =	sld [smem:$0x3FAA]  }
0x2d: {  	s3 =	simm.s32 $0x108;
	s8 =	sld [smem:$0x3FAB]  }
0x2e: {  	s3 =	simm.s32 @!p0 $0x1082;
	s9 =	sld [smem:$0x3FAC]  }
0x2f: {  	lr =	sadd.s32 s0, s3;
	s0 =	sld [smem:$0x3FA3]  }
0x30: {  	s3 =	sld [smem:$0x3FA6]  }
0x31: {  	[smem:$0x3FAF] =	sst s10  }
0x32: {  	s10 =	sld [smem:$0x3FAD];
	_ =	sdelay $0x3  }
0x33: {  	p0 =	seq.s32 s10, $0x1;
	s10 =	sld [smem:$0x3FAF];
	_ =	sdelay $0x3  }
0x34: {  	[smem:$0x3FAF] =	sst s10  }
0x35: {  	s10 =	sld [smem:$0x3FAE];
	_ =	sdelay $0x3  }
0x36: {  	p1 =	seq.s32 s10, $0x1;
	s10 =	sld [smem:$0x3FAF];
	_ =	sdelay $0x3  }
0x37: {  	[smem:$0x3FAF] =	sst s10  }
0x38: {  	s10 =	sld [smem:$0x3FB0]  }
0x39: {  	_ = 	snop;
	(pc) =	sbr.ind lr, $3  }
0x3a: {  	_ = 	snop  }
0x3b: {  	_ = 	snop  }
0x3c: {  	p2 =	seq.s32 s10, $0x1;
	s10 =	sld [smem:$0x3FAF]  }
0x3d: {  	_ =	shalt  }
0x3e: {  	_ =	shalt  }
0x3f: {  	_ =	shalt  }
0x40: {  	_ =	shalt  }
0x41: {  	_ =	shalt  }
0x42: {  	_ =	shalt  }
0x43: {  	_ =	shalt  }
0x44: {  	_ =	shalt  }
0x45: {  	_ =	shalt  }
0x46: {  	_ =	shalt  }
0x47: {  	_ =	shalt  }
0x48: {  	_ =	shalt  }
0x49: {  	_ =	shalt  }
0x4a: {  	_ =	shalt  }
0x4b: {  	_ =	shalt  }
0x4c: {  	_ =	shalt  }
0x4d: {  	_ =	shalt  }
0x4e: {  	_ =	shalt  }
0x4f: {  	_ =	shalt  }
0x50: {  	_ =	shalt  }
0x51: {  	_ =	shalt  }
0x52: {  	_ =	shalt  }
0x53: {  	_ =	shalt  }
0x54: {  	_ =	shalt  }
0x55: {  	_ =	shalt  }
0x56: {  	_ =	shalt  }
0x57: {  	_ =	shalt  }
0x58: {  	_ =	shalt  }
0x59: {  	_ =	shalt  }
0x5a: {  	_ =	shalt  }
0x5b: {  	_ =	shalt  }
0x5c: {  	_ =	shalt  }
0x5d: {  	_ =	shalt  }
0x5e: {  	_ =	shalt  }
0x5f: {  	_ =	shalt  }
0x60: {  	_ =	shalt  }
0x61: {  	_ =	shalt  }
0x62: {  	_ =	shalt  }
0x63: {  	_ =	shalt  }
0x64: {  	_ =	shalt  }
0x65: {  	_ =	shalt  }
0x66: {  	_ =	shalt  }
0x67: {  	_ =	shalt  }
0x68: {  	_ =	shalt  }
0x69: {  	_ =	shalt  }
0x6a: {  	_ =	shalt  }
0x6b: {  	_ =	shalt  }
0x6c: {  	_ =	shalt  }
0x6d: {  	_ =	shalt  }
0x6e: {  	_ =	shalt  }
0x6f: {  	_ =	shalt  }
0x70: {  	_ =	shalt  }
0x71: {  	_ =	shalt  }
0x72: {  	_ =	shalt  }
0x73: {  	_ =	shalt  }
0x74: {  	_ =	shalt  }
0x75: {  	_ =	shalt  }
0x76: {  	_ =	shalt  }
0x77: {  	_ =	shalt  }
0x78: {  	_ =	shalt  }
0x79: {  	_ =	shalt  }
0x7a: {  	_ =	shalt  }
0x7b: {  	_ =	shalt  }
0x7c: {  	_ =	shalt  }
0x7d: {  	_ =	shalt  }
0x7e: {  	_ =	shalt  }
0x7f: {  	_ =	shalt  }
0x80: {  	_ =	shalt  }
0x81: {  	_ =	shalt  }
0x82: {  	_ =	shalt  }
0x83: {  	_ =	shalt  }
0x84: {  	_ =	shalt  }
0x85: {  	_ =	shalt  }
0x86: {  	_ =	shalt  }
0x87: {  	_ =	shalt  }
.Lfunc_end0:
.L_simem_size_0:
called_computation.2_lowered:
.L_overlay_start_0:
0x88: {  	s2 =	sld [smem:$0x3FD9]  }
0x89: {  	s3 =	sld [smem:$0x3FFE];
	_ =	sdelay $0x1  }
0x8a: {  	s1 =	srdreg.scid  }
0x8b: {  	s0 =	sand.u32 $0x1, s1  }
0x8c: {  	s17 =	sshll.u32 s0, $0xA;
	s2 =	sadd.s32 s3, s2  }
0x8d: {  	s2 =	sadd.s32 s2, s17  }
0x8e: {  	[smem:$0x3FBB] =	sst s2  }
0x8f: {  	_ = 	snop  }
0x90: {  	s2 =	sld [smem:$0x3FD0];
	(tm) =	ssettm $0x1  }
0x91: {  	s18 =	sld [smem:$0x3FFB];
	_ =	sdelay $0x3  }
0x92: {  	_ =	strace s18  }
0x93: {  	s3 =	sld [smem:$0x3FFC];
	_ =	sdelay $0x3  }
0x94: {  	_ =	strace s3  }
0x95: {  	s3 =	sld [smem:$0x3FFD];
	_ =	sdelay $0x3  }
0x96: {  	_ =	strace s3  }
0x97: {  	_ =	strace $0x8FFFFFFF  }
0x98: {  	s19 =	sld [smem:$0x3FDB];
	_ =	sdelay $0x1  }
0x99: {  	s4 =	simm.s32 $_scs_section_size  }
0x9a: {  	s5 =	simm.s32 $_size__tile_overlayer_lowered;
	s6 =	simm.s32 $_tile_overlayer_lowered  }
0x9b: {  	s22 =	simm.s32 $0x1BFF;
	s21 =	sshll.u32 s6, $0x1;
	s3 =	sadd.s32 s4, s19  }
0x9c: {  	s7 =	simm.s32 $0x0;
	s20 =	sshll.u32 s5, $0x1;
	s5 =	sadd.s32 s21, s3  }
0x9d: {  	[timem:s7], [sflag:s22] =	dma.local [hbm:s5], s20  }
0x9e: {  	_ =	swait.ge [sflag:s22], s20  }
0x9f: {  	s4 =	ssub.s32 $0x0, s20;
	[sflag:s22] =	ssyncset.done $0x0  }
0xa0: {  	[sflag:s22] =	ssyncadd.s32 s4;
	_ =	sdelay $0x1  }
0xa1: {  	s23 =	simm.s32 $0x1B8B  }
0xa2: {  	_ =	swait.ge [sflag:s23], $0x1  }
0xa3: {  	[sflag:s23] =	ssyncset.done $0x0  }
0xa4: {  	s25 =	simm.s32 $0x1B8E;
	s24 =	sld [smem:$0x3FFE];
	[sflag:s23] =	ssyncadd.s32 $0xFFFFFFFF  }
0xa5: {  	s26 =	simm.s32 $execute0_lowered;
	[smem:$0x3FD2] =	sst s25  }
0xa6: {  	s5 =	sshll.u32 s26, $0x1;
	_ =	strace $0x8000004C;
	[dreg:$0x1] =	wrdreg $0xFFFFFFFF  }
0xa7: {  	s28 =	simm.s32 $_size_execute0_lowered;
	s3 =	sadd.s32 s3, s5;
	[dreg:$0x0] =	wrdreg $0x0  }
0xa8: {  	s5 =	sshll.u32 s28, $0x1;
	[dreg:$0x2] =	wrdreg s3  }
0xa9: {  	[dreg:$0x3] =	wrdreg s5  }
0xaa: {  	[dreg:$0x4] =	wrdreg $0xC0  }
0xab: {  	_ =	task [dreg:s7], $0x5FFFF  }
0xac: {  	[dreg:$0x1] =	wrdreg $0xFFFFFFFF  }
0xad: {  	[dreg:$0x0] =	wrdreg $0x60  }
0xae: {  	[dreg:$0x2] =	wrdreg s24  }
0xaf: {  	[dreg:$0x3] =	wrdreg s2  }
0xb0: {  	[dreg:$0x4] =	wrdreg $0x8E000  }
0xb1: {  	[dreg:$0x5] =	wrdreg $0x9  }
0xb2: {  	_ =	task.clear_ibuf [dreg:s7], $0x6FFFF;
	_ =	strace $0x9000004C  }
0xb3: {  	s29 =	simm.s32 $0x9;
	_ =	strace $0x8000004E  }
0xb4: {  	_ =	swait.ge [sflag:s29], $0x1  }
0xb5: {  	[sflag:s29] =	ssyncadd.s32 $0xFFFFFFFF  }
0xb6: {  	_ =	strace $0x9000004E  }
0xb7: {  	_ =	sfence  }
0xb8: {  	s30 =	sld [smem:$0x0];
	_ =	sdelay $0x2  }
0xb9: {  	s31 =	sshll.u32 s1, $0xD;
	s1 =	sshrl.u32 s1, $0x2  }
0xba: {  	s3 =	sand.u32 $0x4000, s31;
	s1 =	sadd.s32 s1, s30  }
0xbb: {  	s0 =	sor.u32 s3, s0;
	s1 =	sshll.u32 s1, $0x11  }
0xbc: {  	s0 =	sor.u32 s1, s0  }
0xbd: {  	s0 =	sadd.s32 $0x8F2B, s0  }
0xbe: {  	[sflag:s0] =	ssyncadd.remote.s32 $0x1  }
0xbf: {  	_ =	sfence.sel $0xFFFF  }
0xc0: {  	[dreg:$0x0] =	wrdreg $0xFFFFFFFF;
	(pc) =	sbr.abs _section_cstart, $3  }
0xc1: {  	[dreg:$0x1] =	wrdreg $0xFFFFFFFF  }
0xc2: {  	_ =	task.clear_ibuf [dreg:s7], $0x2FFFF;
	_ =	strace $0x9FFFFFFF  }
0xc3: {  	(tm) =	ssettm $0x7FFFFFFF  }
tec
execute0_lowered:
.L_overlay_start_1:
0x0: {  	(tag) =	ssettag $0x1  }
0x1: {  	s0 =	rddreg [dreg:$0x0]  }
0x2: {  	s2 =	rddreg [dreg:$0x1];
	s1 =	srdreg.scid  }
0x3: {  	s4 =	rddreg [dreg:$0x2];
	s10 =	stileid.u32  }
0x4: {  	s3 =	simm.s32 $0x0;
	s30 =	simm.s32 $0x2780;
	s31 =	simm.s32 $0x8B80  }
0x5: {  	s28 =	simm.s32 $0xA;
	s29 =	simm.s32 $0x9;
	s8 =	smul.u32 $0x4E000, s10  }
0x6: {  	s1 =	sand.u32 $0x1, s1;
	s6 =	smul.u32 $0x13800, s10;
	[smem:$0x7FF] =	sst s3  }
0x7: {  	s7 =	sadd.s32 $0x3600, s0;
	s13 =	smul.u32 $0x2710, s10;
	s8 =	sshrl.u32 s8, $0x2  }
0x8: {  	s5 =	smul.u32 $0x138800, s1;
	_ =	strace $0x8000004D;
	s19 =	sadd.s32 s8, s4  }
0x9: {  	s9 =	sshll.u32 s1, $0x4;
	s8 =	sadd.s32 $0x1400, s19;
	[dreg:$0x9] =	wrdreg s19  }
0xa: {  	s11 =	ssub.s32 $0x2, s1;
	s12 =	sadd.s32 $0x2800, s19;
	[dreg:$0xa] =	wrdreg s8  }
0xb: {  	s1 =	smul.u32 $0x27100, s1;
	s14 =	sadd.s32 $0x3C00, s19;
	[dreg:$0xb] =	wrdreg s12  }
0xc: {  	s5 =	sadd.s32 s6, s5;
	s15 =	sadd.s32 $0x5000, s19;
	[dreg:$0xc] =	wrdreg s14  }
0xd: {  	s6 =	sor.u32 s10, s9;
	s16 =	sadd.s32 $0x6400, s19;
	[dreg:$0xd] =	wrdreg s15  }
0xe: {  	s9 =	sshrl.u32 s11, $0x1;
	s17 =	sadd.s32 $0x7800, s19;
	[dreg:$0xe] =	wrdreg s16  }
0xf: {  	s1 =	sadd.s32 s13, s1;
	s18 =	sadd.s32 $0x8C00, s19;
	[dreg:$0xf] =	wrdreg s17  }
0x10: {  	s5 =	sshrl.u32 s5, $0x3;
	s20 =	sadd.s32 $0xA000, s19;
	[dreg:$0x10] =	wrdreg s18  }
0x11: {  	s6 =	smul.u32 $0x2710, s6;
	s21 =	sadd.s32 $0xB400, s19;
	[dreg:$0x11] =	wrdreg s20  }
0x12: {  	s22 =	sadd.s32 $0x4E368, s1;
	s23 =	sadd.s32 $0xC800, s19;
	[dreg:$0x12] =	wrdreg s21  }
0x13: {  	s24 =	sadd.s32 $0xDC00, s19;
	s25 =	sadd.s32 $0xF000, s19;
	[dreg:$0x13] =	wrdreg s23  }
0x14: {  	s26 =	sadd.s32 $0x4E340, s1;
	s0 =	sadd.s32 s5, s0;
	[dreg:$0x14] =	wrdreg s24  }
0x15: {  	s5 =	ssub.s32 s11, s9;
	s8 =	sshrl.u32 s22, $0x3;
	[dreg:$0x15] =	wrdreg s25  }
0x16: {  	s10 =	sshrl.u32 s26, $0x3;
	s11 =	sadd.s32 $0x4E318, s1;
	s12 =	sadd.s32 $0x4E2F0, s1  }
0x17: {  	s17 =	sadd.s32 $0x10400, s19;
	s1 =	sadd.s32 $0x4E2C8, s1;
	s21 =	sadd.s32 $0x11800, s19  }
0x18: {  	s22 =	sadd.s32 $0x12C00, s19;
	s8 =	sadd.s32 s8, s7;
	s9 =	sshrl.u32 s11, $0x3  }
0x19: {  	s14 =	sshrl.u32 s12, $0x3;
	s15 =	sshrl.u32 s6, $0x3;
	[dreg:$0x16] =	wrdreg s17  }
0x1a: {  	s20 =	sadd.s32 $0x4E228, s6;
	s6 =	sadd.s32 $0x4E278, s6;
	[dreg:$0x1a] =	wrdreg s21  }
0x1b: {  	s1 =	sshrl.u32 s1, $0x3;
	[dreg:$0x1b] =	wrdreg s22;
	s0 =	sadd.s32 $0x17000, s0  }
0x1c: {  	s23 =	smax.u32 s5, $0x1;
	s11 =	simm.s32 $0x8D00;
	s12 =	simm.s32 $0x8D80  }
0x1d: {  	s21 =	simm.s32 $0xE;
	s22 =	simm.s32 $0x5;
	[dreg:$0x4] =	wrdreg s8  }
0x1e: {  	s5 =	simm.s32 $0x0;
	s17 =	simm.s32 $0x2;
	[dreg:$0x1c] =	wrdreg s0  }
0x1f: {  	s8 =	sadd.s32 s10, s7;
	s13 =	sadd.s32 s9, s7;
	[dreg:$0x1d] =	wrdreg s23  }
0x20: {  	s16 =	sadd.s32 s14, s7;
	s18 =	sadd.s32 s7, s15;
	[dreg:$0x5] =	wrdreg s8  }
0x21: {  	s6 =	sshrl.u32 s6, $0x3;
	s1 =	sadd.s32 s1, s7;
	[dreg:$0x6] =	wrdreg s13  }
0x22: {  	s10 =	simm.s32 $0x28;
	s14 =	simm.s32 $0x4F80;
	[dreg:$0x7] =	wrdreg s16  }
0x23: {  	s15 =	simm.s32 $0xD;
	s23 =	simm.s32 $0xF;
	[dreg:$0x8] =	wrdreg s1  }
0x24: {  	s8 =	sshrl.u32 s20, $0x3;
	s6 =	sadd.s32 s7, s6;
	[dreg:$0x17] =	wrdreg s18  }
0x25: {  	s24 =	sadd.s32 $0x9C40, s18;
	s25 =	sadd.s32 $0x9C4A, s18;
	[dreg:$0x19] =	wrdreg s6  }
0x26: {  	s26 =	sadd.s32 $0x9C54, s18;
	s13 =	simm.s32 $0x6;
	[dreg:$0x1e] =	wrdreg s24  }
0x27: {  	s20 =	simm.s32 $0x4;
	s18 =	simm.s32 $0xC;
	[dreg:$0x1f] =	wrdreg s25  }
0x28: {  	s16 =	simm.s32 $0x8B80;
	s8 =	sadd.s32 s7, s8;
	[smem:$0x7FD] =	sst s26  }
0x29: {  	s6 =	simm.s32 $0x8C00;
	s7 =	simm.s32 $0x8C80;
	s24 =	simm.s32 $0x7  }
0x2a: {  	v0 =	vimm.f32 $0.0e+00;
	s25 =	simm.s32 $0x8;
	s26 =	simm.s32 $0x9;
	[dreg:$0x18] =	wrdreg s8  }
.LBB2_1:
0x2b: {  	[smem:$0x7FC] =	sst s5;
	s0 =	simm.s32 $0x10;
	s5 =	sand.u32 $0x1FF0, s3  }
.LBB2_2:
0x2c: {  	p0 =	sne.s32 s0, $0x13F0;
	[tilespmem:s5+$0x2780] =	vst v0;
	s5 =	smov.u32 s0;
	s0 =	sadd.s32 $0x10, s0  }
.Ltmp0:
0x2d: {  	(pc) =	sbr.rel @p0 .LBB2_2-.Ltmp0, $2  }
0x2e: {  	_ =	sdelay $0x2  }
0x2f: {  	s5 =	sand.u32 $0x1FF0, s5  }
0x30: {  	[tilespmem:s5+$0x2780] =	vst v0;
	s0 =	rddreg [dreg:$0xa]  }
0x31: {  	[spmem:s19] =	stream.linear.scatter [tilespmem:s30], [sflag:$0x6], $0x1400, $0x38;
	[tilespmem:$0x1C680] =	vst v63  }
0x32: {  	s1 =	rddreg [dreg:$0xc]  }
0x33: {  	[spmem:s0] =	stream.linear.scatter [tilespmem:s30], [sflag:$0x6], $0x1400, $0x38;
	[tilespmem:$0x1C680] =	vst v63  }
0x34: {  	s19 =	rddreg [dreg:$0xb]  }
0x35: {  	[spmem:s19] =	stream.linear.scatter [tilespmem:s30], [sflag:$0x6], $0x1400, $0x38;
	[tilespmem:$0x1C680] =	vst v63  }
0x36: {  	s5 =	rddreg [dreg:$0xd]  }
0x37: {  	[spmem:s1] =	stream.linear.scatter [tilespmem:s30], [sflag:$0x6], $0x1400, $0x38;
	[tilespmem:$0x1C680] =	vst v63  }
0x38: {  	s8 =	rddreg [dreg:$0xe]  }
0x39: {  	[spmem:s5] =	stream.linear.scatter [tilespmem:s30], [sflag:$0x6], $0x1400, $0x38;
	[tilespmem:$0x1C680] =	vst v63  }
0x3a: {  	s9 =	rddreg [dreg:$0xf]  }
0x3b: {  	[spmem:s8] =	stream.linear.scatter [tilespmem:s30], [sflag:$0x6], $0x1400, $0x38;
	[tilespmem:$0x1C680] =	vst v63  }
0x3c: {  	s19 =	rddreg [dreg:$0x10]  }
0x3d: {  	[spmem:s9] =	stream.linear.scatter [tilespmem:s30], [sflag:$0x6], $0x1400, $0x38;
	[tilespmem:$0x1C680] =	vst v63  }
0x3e: {  	s1 =	rddreg [dreg:$0x11]  }
0x3f: {  	[spmem:s19] =	stream.linear.scatter [tilespmem:s30], [sflag:$0x6], $0x1400, $0x38;
	[tilespmem:$0x1C680] =	vst v63  }
0x40: {  	s5 =	rddreg [dreg:$0x12]  }
0x41: {  	[spmem:s1] =	stream.linear.scatter [tilespmem:s30], [sflag:$0x6], $0x1400, $0x38;
	[tilespmem:$0x1C680] =	vst v63  }
0x42: {  	s8 =	rddreg [dreg:$0x13]  }
0x43: {  	[spmem:s5] =	stream.linear.scatter [tilespmem:s30], [sflag:$0x6], $0x1400, $0x38;
	[tilespmem:$0x1C680] =	vst v63  }
0x44: {  	s9 =	rddreg [dreg:$0x14]  }
0x45: {  	[spmem:s8] =	stream.linear.scatter [tilespmem:s30], [sflag:$0x6], $0x1400, $0x38;
	[tilespmem:$0x1C680] =	vst v63  }
0x46: {  	s19 =	rddreg [dreg:$0x15]  }
0x47: {  	[spmem:s9] =	stream.linear.scatter [tilespmem:s30], [sflag:$0x6], $0x1400, $0x38;
	[tilespmem:$0x1C680] =	vst v63  }
0x48: {  	s1 =	rddreg [dreg:$0x16]  }
0x49: {  	[spmem:s19] =	stream.linear.scatter [tilespmem:s30], [sflag:$0x6], $0x1400, $0x38;
	[tilespmem:$0x1C680] =	vst v63  }
0x4a: {  	s5 =	rddreg [dreg:$0x1a]  }
0x4b: {  	[spmem:s1] =	stream.linear.scatter [tilespmem:s30], [sflag:$0x6], $0x1400, $0x38;
	[tilespmem:$0x1C680] =	vst v63  }
0x4c: {  	s8 =	rddreg [dreg:$0x1b]  }
0x4d: {  	[spmem:s5] =	stream.linear.scatter [tilespmem:s30], [sflag:$0x6], $0x1400, $0x38;
	[tilespmem:$0x1C680] =	vst v63  }
0x4e: {  	s9 =	rddreg [dreg:$0x1e]  }
0x4f: {  	[spmem:s8] =	stream.linear.scatter [tilespmem:s30], [sflag:$0x6], $0x1400, $0x38;
	[tilespmem:$0x1C680] =	vst v63  }
0x50: {  	s0 =	simm.s32 $0x0;
	s1 =	rddreg [dreg:$0x17]  }
0x51: {  	[tilespmem:s0], [sflag:$0x1] =	stream.linear.gather [hbm4b:s1+s0], $0x2710, $0x38;
	[tilespmem:$0x1C680] =	vst v63  }
0x52: {  	s19 =	rddreg [dreg:$0x18]  }
0x53: {  	[tilespmem:s31], [sflag:$0xB] =	stream.linear.gather [hbm4b:s9+s0], $0x28, $0x38;
	[tilespmem:$0x1C680] =	vst v63  }
0x54: {  	s5 =	rddreg [dreg:$0x1f]  }
0x55: {  	[tilespmem:s6], [sflag:$0xC] =	stream.linear.gather [hbm4b:s19+s0], $0x28, $0x38;
	[tilespmem:$0x1C680] =	vst v63  }
0x56: {  	s8 =	rddreg [dreg:$0x19]  }
0x57: {  	[tilespmem:s7], [sflag:$0xD] =	stream.linear.gather [hbm4b:s5+s0], $0x28, $0x38;
	[tilespmem:$0x1C680] =	vst v63  }
0x58: {  	s9 =	sld [smem:$0x7FD]  }
0x59: {  	[tilespmem:s11], [sflag:$0xE] =	stream.linear.gather [hbm4b:s8+s0], $0x28, $0x38;
	[tilespmem:$0x1C680] =	vst v63  }
0x5a: {  	_ = 	snop  }
0x5b: {  	[tilespmem:s12], [sflag:$0xF] =	stream.linear.gather [hbm4b:s9+s0], $0x28, $0x38;
	[tilespmem:$0x1C680] =	vst v63  }
0x5c: {  	_ =	swait.ge [sflag:s13], $0x1400  }
0x5d: {  	[sflag:s13] =	ssyncset.done $0x0  }
0x5e: {  	[sflag:s13] =	ssyncadd.s32 $0xFFFFEC00  }
0x5f: {  	_ =	swait.ge [sflag:s13], $0x1400  }
0x60: {  	[sflag:s13] =	ssyncset.done $0x0  }
0x61: {  	[sflag:s13] =	ssyncadd.s32 $0xFFFFEC00  }
0x62: {  	_ =	swait.ge [sflag:s13], $0x1400  }
0x63: {  	[sflag:s13] =	ssyncset.done $0x0  }
0x64: {  	[sflag:s13] =	ssyncadd.s32 $0xFFFFEC00  }
0x65: {  	_ =	swait.ge [sflag:s13], $0x1400  }
0x66: {  	[sflag:s13] =	ssyncset.done $0x0  }
0x67: {  	[sflag:s13] =	ssyncadd.s32 $0xFFFFEC00  }
0x68: {  	_ =	swait.ge [sflag:s13], $0x1400  }
0x69: {  	[sflag:s13] =	ssyncset.done $0x0  }
0x6a: {  	[sflag:s13] =	ssyncadd.s32 $0xFFFFEC00  }
0x6b: {  	_ =	swait.ge [sflag:s13], $0x1400  }
0x6c: {  	[sflag:s13] =	ssyncset.done $0x0  }
0x6d: {  	[sflag:s13] =	ssyncadd.s32 $0xFFFFEC00  }
0x6e: {  	_ =	swait.ge [sflag:s13], $0x1400  }
0x6f: {  	[sflag:s13] =	ssyncset.done $0x0  }
0x70: {  	[sflag:s13] =	ssyncadd.s32 $0xFFFFEC00  }
0x71: {  	_ =	swait.ge [sflag:s13], $0x1400  }
0x72: {  	[sflag:s13] =	ssyncset.done $0x0  }
0x73: {  	[sflag:s13] =	ssyncadd.s32 $0xFFFFEC00  }
0x74: {  	_ =	swait.ge [sflag:s13], $0x1400  }
0x75: {  	[sflag:s13] =	ssyncset.done $0x0  }
0x76: {  	[sflag:s13] =	ssyncadd.s32 $0xFFFFEC00  }
0x77: {  	_ =	swait.ge [sflag:s13], $0x1400  }
0x78: {  	[sflag:s13] =	ssyncset.done $0x0  }
0x79: {  	[sflag:s13] =	ssyncadd.s32 $0xFFFFEC00  }
0x7a: {  	_ =	swait.ge [sflag:s13], $0x1400  }
0x7b: {  	[sflag:s13] =	ssyncset.done $0x0  }
0x7c: {  	[sflag:s13] =	ssyncadd.s32 $0xFFFFEC00  }
0x7d: {  	_ =	swait.ge [sflag:s13], $0x1400  }
0x7e: {  	[sflag:s13] =	ssyncset.done $0x0  }
0x7f: {  	[sflag:s13] =	ssyncadd.s32 $0xFFFFEC00  }
0x80: {  	_ =	swait.ge [sflag:s13], $0x1400  }
0x81: {  	[sflag:s13] =	ssyncset.done $0x0  }
0x82: {  	[sflag:s13] =	ssyncadd.s32 $0xFFFFEC00  }
0x83: {  	_ =	swait.ge [sflag:s13], $0x1400  }
0x84: {  	[sflag:s13] =	ssyncset.done $0x0  }
0x85: {  	[sflag:s13] =	ssyncadd.s32 $0xFFFFEC00  }
0x86: {  	_ =	swait.ge [sflag:s13], $0x1400  }
0x87: {  	[sflag:s13] =	ssyncset.done $0x0  }
0x88: {  	[sflag:s13] =	ssyncadd.s32 $0xFFFFEC00  }
0x89: {  	_ =	swait.ge [sflag:s13], $0x1400  }
0x8a: {  	[sflag:s13] =	ssyncset.done $0x0  }
0x8b: {  	s8 =	simm.s32 $0x1;
	[sflag:s13] =	ssyncadd.s32 $0xFFFFEC00  }
0x8c: {  	_ =	swait.ge [sflag:s8], $0x2710  }
0x8d: {  	[sflag:s8] =	ssyncset.done $0x0  }
0x8e: {  	[sflag:s8] =	ssyncadd.s32 $0xFFFFD8F0  }
0x8f: {  	[bflag:$0x0] =	sbarrier.arrive $0xFFFF  }
0x90: {  	[tilespmem:s30], [sflag:$0x1] =	stream.indirect.gather [hbm4b:s2+s10], $0x80, s0, s10, $0xb8;
	[tilespmem:$0x1C680] =	vst v63  }
0x91: {  	s1 =	simm.s32 $0x3B80  }
0x92: {  	[tilespmem:s1], [sflag:$0x2] =	stream.indirect.gather [hbm4b:s2+s10], $0x80, s10, s10, $0xb8;
	[tilespmem:$0x1C680] =	vst v63  }
0x93: {  	s19 =	simm.s32 $0x50  }
0x94: {  	[tilespmem:s14], [sflag:$0x3] =	stream.indirect.gather [hbm4b:s2+s10], $0x80, s19, s10, $0xb8;
	[tilespmem:$0x1C680] =	vst v63  }
0x95: {  	s5 =	simm.s32 $0x78;
	s19 =	simm.s32 $0x6380  }
0x96: {  	[tilespmem:s19], [sflag:$0x4] =	stream.indirect.gather [hbm4b:s2+s10], $0x80, s5, s10, $0xb8;
	[tilespmem:$0x1C680] =	vst v63  }
0x97: {  	s9 =	simm.s32 $0xA0;
	s5 =	simm.s32 $0x7780  }
0x98: {  	[tilespmem:s5], [sflag:$0x5] =	stream.indirect.gather [hbm4b:s2+s10], $0x80, s9, s10, $0xb8;
	[tilespmem:$0x1C680] =	vst v63  }
0x99: {  	_ =	swait.ge [sflag:s8], $0x1400  }
0x9a: {  	[sflag:s8] =	ssyncset.done $0x0  }
0x9b: {  	[sflag:s8] =	ssyncadd.s32 $0xFFFFEC00;
	s8 =	simm.s32 $0xB  }
0x9c: {  	_ =	swait.ge [sflag:s8], $0x28  }
0x9d: {  	[sflag:s8] =	ssyncset.done $0x0  }
0x9e: {  	[sflag:s8] =	ssyncadd.s32 $0xFFFFFFD8  }
0x9f: {  	[spmem:s4] =	stream.indirect.scatter.add.f32 [tilespmem:s30], [sflag:$0x6], $0x80, s31, s10, $0xb8;
	[tilespmem:$0x1C680] =	vst v63  }
0xa0: {  	_ =	swait.ge [sflag:s17], $0x1400  }
0xa1: {  	[sflag:s17] =	ssyncset.done $0x0  }
0xa2: {  	[sflag:s17] =	ssyncadd.s32 $0xFFFFEC00  }
0xa3: {  	_ =	swait.ge [sflag:s18], $0x28  }
0xa4: {  	[sflag:s18] =	ssyncset.done $0x0  }
0xa5: {  	s9 =	simm.s32 $0x3;
	[sflag:s18] =	ssyncadd.s32 $0xFFFFFFD8  }
0xa6: {  	[spmem:s4] =	stream.indirect.scatter.add.f32 [tilespmem:s1], [sflag:$0x7], $0x80, s6, s10, $0xb8;
	[tilespmem:$0x1C680] =	vst v63  }
0xa7: {  	_ =	swait.ge [sflag:s9], $0x1400  }
0xa8: {  	[sflag:s9] =	ssyncset.done $0x0  }
0xa9: {  	[sflag:s9] =	ssyncadd.s32 $0xFFFFEC00  }
0xaa: {  	_ =	swait.ge [sflag:s15], $0x28  }
0xab: {  	[sflag:s15] =	ssyncset.done $0x0  }
0xac: {  	[sflag:s15] =	ssyncadd.s32 $0xFFFFFFD8  }
0xad: {  	[spmem:s4] =	stream.indirect.scatter.add.f32 [tilespmem:s14], [sflag:$0x8], $0x80, s7, s10, $0xb8;
	[tilespmem:$0x1C680] =	vst v63  }
0xae: {  	_ =	swait.ge [sflag:s20], $0x1400  }
0xaf: {  	[sflag:s20] =	ssyncset.done $0x0  }
0xb0: {  	[sflag:s20] =	ssyncadd.s32 $0xFFFFEC00  }
0xb1: {  	_ =	swait.ge [sflag:s21], $0x28  }
0xb2: {  	[sflag:s21] =	ssyncset.done $0x0  }
0xb3: {  	[sflag:s21] =	ssyncadd.s32 $0xFFFFFFD8  }
0xb4: {  	[spmem:s4] =	stream.indirect.scatter.add.f32 [tilespmem:s19], [sflag:$0x9], $0x80, s11, s10, $0xb8;
	[tilespmem:$0x1C680] =	vst v63  }
0xb5: {  	_ =	swait.ge [sflag:s22], $0x1400  }
0xb6: {  	[sflag:s22] =	ssyncset.done $0x0  }
0xb7: {  	[sflag:s22] =	ssyncadd.s32 $0xFFFFEC00  }
0xb8: {  	_ =	swait.ge [sflag:s23], $0x28  }
0xb9: {  	[sflag:s23] =	ssyncset.done $0x0  }
0xba: {  	[sflag:s23] =	ssyncadd.s32 $0xFFFFFFD8  }
0xbb: {  	[spmem:s4] =	stream.indirect.scatter.add.f32 [tilespmem:s5], [sflag:$0xA], $0x80, s12, s10, $0xb8;
	[tilespmem:$0x1C680] =	vst v63  }
0xbc: {  	_ =	swait.ge [sflag:s13], $0x1400  }
0xbd: {  	s15 =	rddreg [dreg:$0x8];
	[sflag:s13] =	ssyncset.done $0x0  }
0xbe: {  	[sflag:s13] =	ssyncadd.s32 $0xFFFFEC00;
	s0 =	sadd.s32 $0x0, s15  }
0xbf: {  	[tilespmem:s31], [sflag:$0xB] =	stream.linear.gather [hbm4b:s0+s3], $0x28, $0x38;
	[tilespmem:$0x1C680] =	vst v63  }
0xc0: {  	s20 =	simm.s32 $0xC8  }
0xc1: {  	[tilespmem:s30], [sflag:$0x1] =	stream.indirect.gather [hbm4b:s2+s10], $0x80, s20, s10, $0xb8;
	[tilespmem:$0x1C680] =	vst v63  }
0xc2: {  	_ =	swait.ge [sflag:s24], $0x1400  }
0xc3: {  	s21 =	rddreg [dreg:$0x7];
	[sflag:s24] =	ssyncset.done $0x0  }
0xc4: {  	[sflag:s24] =	ssyncadd.s32 $0xFFFFEC00;
	s0 =	sadd.s32 $0x0, s21  }
0xc5: {  	[tilespmem:s6], [sflag:$0xC] =	stream.linear.gather [hbm4b:s0+s3], $0x28, $0x38;
	[tilespmem:$0x1C680] =	vst v63  }
0xc6: {  	s22 =	simm.s32 $0xF0  }
0xc7: {  	[tilespmem:s1], [sflag:$0x2] =	stream.indirect.gather [hbm4b:s2+s10], $0x80, s22, s10, $0xb8;
	[tilespmem:$0x1C680] =	vst v63  }
0xc8: {  	_ =	swait.ge [sflag:s25], $0x1400  }
0xc9: {  	s23 =	rddreg [dreg:$0x6];
	[sflag:s25] =	ssyncset.done $0x0  }
0xca: {  	s5 =	simm.s32 $0x168;
	[sflag:s25] =	ssyncadd.s32 $0xFFFFEC00;
	s0 =	sadd.s32 $0x0, s23  }
0xcb: {  	[tilespmem:s7], [sflag:$0xD] =	stream.linear.gather [hbm4b:s0+s3], $0x28, $0x38;
	[tilespmem:$0x1C680] =	vst v63  }
0xcc: {  	s15 =	simm.s32 $0x6;
	s13 =	simm.s32 $0xA;
	s24 =	simm.s32 $0x118  }
0xcd: {  	[tilespmem:s14], [sflag:$0x3] =	stream.indirect.gather [hbm4b:s2+s10], $0x80, s24, s10, $0xb8;
	[tilespmem:$0x1C680] =	vst v63  }
0xce: {  	s31 =	simm.s32 $0x230;
	s21 =	simm.s32 $0xD;
	_ =	swait.ge [sflag:s26], $0x1400  }
0xcf: {  	s22 =	simm.s32 $0x4;
	s25 =	rddreg [dreg:$0x5];
	[sflag:s26] =	ssyncset.done $0x0  }
0xd0: {  	s23 =	simm.s32 $0xE;
	[sflag:s26] =	ssyncadd.s32 $0xFFFFEC00;
	s0 =	sadd.s32 $0x0, s25  }
0xd1: {  	[tilespmem:s11], [sflag:$0xE] =	stream.linear.gather [hbm4b:s0+s3], $0x28, $0x38;
	[tilespmem:$0x1C680] =	vst v63  }
0xd2: {  	s24 =	simm.s32 $0x5;
	s26 =	simm.s32 $0x140;
	s25 =	simm.s32 $0xF  }
0xd3: {  	[tilespmem:s19], [sflag:$0x4] =	stream.indirect.gather [hbm4b:s2+s10], $0x80, s26, s10, $0xb8;
	[tilespmem:$0x1C680] =	vst v63  }
0xd4: {  	s11 =	simm.s32 $0x0;
	s19 =	simm.s32 $0x19;
	_ =	swait.ge [sflag:s28], $0x1400  }
0xd5: {  	s26 =	simm.s32 $0x7;
	s30 =	rddreg [dreg:$0x4];
	[sflag:s28] =	ssyncset.done $0x0  }
0xd6: {  	[sflag:s28] =	ssyncadd.s32 $0xFFFFEC00;
	s0 =	sadd.s32 $0x0, s30;
	s28 =	simm.s32 $0x8  }
0xd7: {  	[tilespmem:s12], [sflag:$0xF] =	stream.linear.gather [hbm4b:s0+s3], $0x28, $0x38;
	[tilespmem:$0x1C680] =	vst v63  }
.LBB2_4:
0xd8: {  	s20 =	simm.s32 $0x7780;
	s3 =	simm.s32 $0x1  }
0xd9: {  	[tilespmem:s20], [sflag:$0x5] =	stream.indirect.gather [hbm4b:s2+s10], $0x80, s5, s10, $0xb8;
	[tilespmem:$0x1C680] =	vst v63  }
0xda: {  	_ =	swait.ge [sflag:s3], $0x1400  }
0xdb: {  	[sflag:s3] =	ssyncset.done $0x0  }
0xdc: {  	s9 =	simm.s32 $0xB;
	[sflag:s3] =	ssyncadd.s32 $0xFFFFEC00  }
0xdd: {  	_ =	swait.ge [sflag:s9], $0x28  }
0xde: {  	[sflag:s9] =	ssyncset.done $0x0  }
0xdf: {  	s8 =	simm.s32 $0x2780;
	[sflag:s9] =	ssyncadd.s32 $0xFFFFFFD8;
	s9 =	simm.s32 $0x8B80  }
0xe0: {  	[spmem:s4] =	stream.indirect.scatter.add.f32 [tilespmem:s8], [sflag:$0x6], $0x80, s9, s10, $0xb8;
	[tilespmem:$0x1C680] =	vst v63  }
0xe1: {  	_ =	swait.ge [sflag:s17], $0x1400  }
0xe2: {  	[sflag:s17] =	ssyncset.done $0x0  }
0xe3: {  	[sflag:s17] =	ssyncadd.s32 $0xFFFFEC00  }
0xe4: {  	_ =	swait.ge [sflag:s18], $0x28  }
0xe5: {  	[sflag:s18] =	ssyncset.done $0x0  }
0xe6: {  	s30 =	simm.s32 $0x8C00;
	s12 =	simm.s32 $0x3;
	[sflag:s18] =	ssyncadd.s32 $0xFFFFFFD8  }
0xe7: {  	[spmem:s4] =	stream.indirect.scatter.add.f32 [tilespmem:s1], [sflag:$0x7], $0x80, s30, s10, $0xb8;
	[tilespmem:$0x1C680] =	vst v63  }
0xe8: {  	_ =	swait.ge [sflag:s12], $0x1400  }
0xe9: {  	[sflag:s12] =	ssyncset.done $0x0  }
0xea: {  	[sflag:s12] =	ssyncadd.s32 $0xFFFFEC00  }
0xeb: {  	_ =	swait.ge [sflag:s21], $0x28  }
0xec: {  	[sflag:s21] =	ssyncset.done $0x0  }
0xed: {  	s6 =	simm.s32 $0x8C80;
	[sflag:s21] =	ssyncadd.s32 $0xFFFFFFD8  }
0xee: {  	[spmem:s4] =	stream.indirect.scatter.add.f32 [tilespmem:s14], [sflag:$0x8], $0x80, s6, s10, $0xb8;
	[tilespmem:$0x1C680] =	vst v63  }
0xef: {  	_ =	swait.ge [sflag:s22], $0x1400  }
0xf0: {  	[sflag:s22] =	ssyncset.done $0x0  }
0xf1: {  	[sflag:s22] =	ssyncadd.s32 $0xFFFFEC00  }
0xf2: {  	_ =	swait.ge [sflag:s23], $0x28  }
0xf3: {  	[sflag:s23] =	ssyncset.done $0x0  }
0xf4: {  	s7 =	simm.s32 $0x8D00;
	s12 =	simm.s32 $0x6380;
	[sflag:s23] =	ssyncadd.s32 $0xFFFFFFD8  }
0xf5: {  	[spmem:s4] =	stream.indirect.scatter.add.f32 [tilespmem:s12], [sflag:$0x9], $0x80, s7, s10, $0xb8;
	[tilespmem:$0x1C680] =	vst v63  }
0xf6: {  	_ =	swait.ge [sflag:s24], $0x1400  }
0xf7: {  	[sflag:s24] =	ssyncset.done $0x0  }
0xf8: {  	[sflag:s24] =	ssyncadd.s32 $0xFFFFEC00  }
0xf9: {  	_ =	swait.ge [sflag:s25], $0x28  }
0xfa: {  	[sflag:s25] =	ssyncset.done $0x0  }
0xfb: {  	s3 =	simm.s32 $0x8D80;
	[sflag:s25] =	ssyncadd.s32 $0xFFFFFFD8  }
0xfc: {  	[spmem:s4] =	stream.indirect.scatter.add.f32 [tilespmem:s20], [sflag:$0xA], $0x80, s3, s10, $0xb8;
	[tilespmem:$0x1C680] =	vst v63  }
0xfd: {  	_ =	swait.ge [sflag:s15], $0x1400  }
0xfe: {  	s0 =	smov.u32 s19;
	s20 =	rddreg [dreg:$0x8];
	[sflag:s15] =	ssyncset.done $0x0  }
0xff: {  	[sflag:s15] =	ssyncadd.s32 $0xFFFFEC00;
	s1 =	sadd.s32 s0, s20  }
0x100: {  	[tilespmem:s9], [sflag:$0xB] =	stream.linear.gather [hbm4b:s1+s11], $0x28, $0x38;
	[tilespmem:$0x1C680] =	vst v63  }
0x101: {  	s20 =	sadd.s32 $0xFFFFFF60, s31  }
0x102: {  	[tilespmem:s8], [sflag:$0x1] =	stream.indirect.gather [hbm4b:s2+s10], $0x80, s20, s10, $0xb8;
	[tilespmem:$0x1C680] =	vst v63  }
0x103: {  	_ =	swait.ge [sflag:s26], $0x1400  }
0x104: {  	s8 =	rddreg [dreg:$0x7];
	[sflag:s26] =	ssyncset.done $0x0  }
0x105: {  	[sflag:s26] =	ssyncadd.s32 $0xFFFFEC00;
	s1 =	sadd.s32 s0, s8  }
0x106: {  	[tilespmem:s30], [sflag:$0xC] =	stream.linear.gather [hbm4b:s1+s11], $0x28, $0x38;
	[tilespmem:$0x1C680] =	vst v63  }
0x107: {  	s14 =	simm.s32 $0x3B80;
	s20 =	sadd.s32 $0xFFFFFF88, s31  }
0x108: {  	[tilespmem:s14], [sflag:$0x2] =	stream.indirect.gather [hbm4b:s2+s10], $0x80, s20, s10, $0xb8;
	[tilespmem:$0x1C680] =	vst v63  }
0x109: {  	_ =	swait.ge [sflag:s28], $0x1400  }
0x10a: {  	s20 =	rddreg [dreg:$0x6];
	[sflag:s28] =	ssyncset.done $0x0  }
0x10b: {  	[sflag:s28] =	ssyncadd.s32 $0xFFFFEC00;
	s1 =	sadd.s32 s0, s20  }
0x10c: {  	[tilespmem:s6], [sflag:$0xD] =	stream.linear.gather [hbm4b:s1+s11], $0x28, $0x38;
	[tilespmem:$0x1C680] =	vst v63  }
0x10d: {  	s14 =	simm.s32 $0x4F80;
	s20 =	sadd.s32 $0xFFFFFFB0, s31  }
0x10e: {  	[tilespmem:s14], [sflag:$0x3] =	stream.indirect.gather [hbm4b:s2+s10], $0x80, s20, s10, $0xb8;
	[tilespmem:$0x1C680] =	vst v63  }
0x10f: {  	p0 =	sne.s32 s19, $0x4B0;
	_ =	swait.ge [sflag:s29], $0x1400  }
0x110: {  	s19 =	sadd.s32 $0x19, s19;
	s6 =	rddreg [dreg:$0x5];
	[sflag:s29] =	ssyncset.done $0x0  }
0x111: {  	s5 =	smov.u32 s31;
	[sflag:s29] =	ssyncadd.s32 $0xFFFFEC00;
	s1 =	sadd.s32 s0, s6  }
0x112: {  	[tilespmem:s7], [sflag:$0xE] =	stream.linear.gather [hbm4b:s1+s11], $0x28, $0x38;
	[tilespmem:$0x1C680] =	vst v63  }
0x113: {  	s9 =	simm.s32 $0x2780;
	s8 =	simm.s32 $0x8C00;
	s7 =	sadd.s32 $0xFFFFFFD8, s31  }
0x114: {  	[tilespmem:s12], [sflag:$0x4] =	stream.indirect.gather [hbm4b:s2+s10], $0x80, s7, s10, $0xb8;
	[tilespmem:$0x1C680] =	vst v63  }
.Ltmp1:
0x115: {  	s30 =	simm.s32 $0x8C80;
	s20 =	simm.s32 $0x6380;
	(pc) =	sbr.rel @p0 .LBB2_4-.Ltmp1, $4  }
0x116: {  	s6 =	simm.s32 $0x8D00;
	s1 =	simm.s32 $0x3B80;
	_ =	swait.ge [sflag:s13], $0x1400  }
0x117: {  	s31 =	sadd.s32 $0xC8, s31;
	s12 =	rddreg [dreg:$0x4];
	[sflag:s13] =	ssyncset.done $0x0  }
0x118: {  	[sflag:s13] =	ssyncadd.s32 $0xFFFFEC00;
	s0 =	sadd.s32 s0, s12;
	s12 =	simm.s32 $0x8D80  }
0x119: {  	[tilespmem:s3], [sflag:$0xF] =	stream.linear.gather [hbm4b:s0+s11], $0x28, $0x38;
	[tilespmem:$0x1C680] =	vst v63  }
0x11a: {  	s0 =	simm.s32 $0x7780;
	s3 =	simm.s32 $0x1  }
0x11b: {  	[tilespmem:s0], [sflag:$0x5] =	stream.indirect.gather [hbm4b:s2+s10], $0x80, s5, s10, $0xb8;
	[tilespmem:$0x1C680] =	vst v63  }
0x11c: {  	_ =	swait.ge [sflag:s3], $0x1400  }
0x11d: {  	[sflag:s3] =	ssyncset.done $0x0  }
0x11e: {  	s11 =	simm.s32 $0xB;
	[sflag:s3] =	ssyncadd.s32 $0xFFFFEC00  }
0x11f: {  	_ =	swait.ge [sflag:s11], $0x28  }
0x120: {  	[sflag:s11] =	ssyncset.done $0x0  }
0x121: {  	[sflag:s11] =	ssyncadd.s32 $0xFFFFFFD8  }
0x122: {  	[spmem:s4] =	stream.indirect.scatter.add.f32 [tilespmem:s9], [sflag:$0x6], $0x80, s16, s10, $0xb8;
	[tilespmem:$0x1C680] =	vst v63  }
0x123: {  	_ =	swait.ge [sflag:s17], $0x1400  }
0x124: {  	[sflag:s17] =	ssyncset.done $0x0  }
0x125: {  	[sflag:s17] =	ssyncadd.s32 $0xFFFFEC00  }
0x126: {  	_ =	swait.ge [sflag:s18], $0x28  }
0x127: {  	[sflag:s18] =	ssyncset.done $0x0  }
0x128: {  	s19 =	simm.s32 $0x3;
	[sflag:s18] =	ssyncadd.s32 $0xFFFFFFD8  }
0x129: {  	[spmem:s4] =	stream.indirect.scatter.add.f32 [tilespmem:s1], [sflag:$0x7], $0x80, s8, s10, $0xb8;
	[tilespmem:$0x1C680] =	vst v63  }
0x12a: {  	_ =	swait.ge [sflag:s19], $0x1400  }
0x12b: {  	[sflag:s19] =	ssyncset.done $0x0  }
0x12c: {  	[sflag:s19] =	ssyncadd.s32 $0xFFFFEC00  }
0x12d: {  	_ =	swait.ge [sflag:s21], $0x28  }
0x12e: {  	[sflag:s21] =	ssyncset.done $0x0  }
0x12f: {  	[sflag:s21] =	ssyncadd.s32 $0xFFFFFFD8  }
0x130: {  	[spmem:s4] =	stream.indirect.scatter.add.f32 [tilespmem:s14], [sflag:$0x8], $0x80, s30, s10, $0xb8;
	[tilespmem:$0x1C680] =	vst v63  }
0x131: {  	_ =	swait.ge [sflag:s22], $0x1400  }
0x132: {  	[sflag:s22] =	ssyncset.done $0x0  }
0x133: {  	[sflag:s22] =	ssyncadd.s32 $0xFFFFEC00  }
0x134: {  	_ =	swait.ge [sflag:s23], $0x28  }
0x135: {  	[sflag:s23] =	ssyncset.done $0x0  }
0x136: {  	[sflag:s23] =	ssyncadd.s32 $0xFFFFFFD8  }
0x137: {  	[spmem:s4] =	stream.indirect.scatter.add.f32 [tilespmem:s20], [sflag:$0x9], $0x80, s6, s10, $0xb8;
	[tilespmem:$0x1C680] =	vst v63  }
0x138: {  	_ =	swait.ge [sflag:s24], $0x1400  }
0x139: {  	[sflag:s24] =	ssyncset.done $0x0  }
0x13a: {  	[sflag:s24] =	ssyncadd.s32 $0xFFFFEC00  }
0x13b: {  	_ =	swait.ge [sflag:s25], $0x28  }
0x13c: {  	[sflag:s25] =	ssyncset.done $0x0  }
0x13d: {  	[sflag:s25] =	ssyncadd.s32 $0xFFFFFFD8  }
0x13e: {  	[spmem:s4] =	stream.indirect.scatter.add.f32 [tilespmem:s0], [sflag:$0xA], $0x80, s12, s10, $0xb8;
	[tilespmem:$0x1C680] =	vst v63  }
0x13f: {  	_ =	swait.ge [sflag:s15], $0x1400  }
0x140: {  	[sflag:s15] =	ssyncset.done $0x0  }
0x141: {  	[sflag:s15] =	ssyncadd.s32 $0xFFFFEC00  }
0x142: {  	_ =	swait.ge [sflag:s26], $0x1400  }
0x143: {  	[sflag:s26] =	ssyncset.done $0x0  }
0x144: {  	[sflag:s26] =	ssyncadd.s32 $0xFFFFEC00  }
0x145: {  	_ =	swait.ge [sflag:s28], $0x1400  }
0x146: {  	[sflag:s28] =	ssyncset.done $0x0  }
0x147: {  	[sflag:s28] =	ssyncadd.s32 $0xFFFFEC00  }
0x148: {  	_ =	swait.ge [sflag:s29], $0x1400  }
0x149: {  	[sflag:s29] =	ssyncset.done $0x0  }
0x14a: {  	[sflag:s29] =	ssyncadd.s32 $0xFFFFEC00  }
0x14b: {  	_ =	swait.ge [sflag:s13], $0x1400  }
0x14c: {  	[sflag:s13] =	ssyncset.done $0x0  }
0x14d: {  	[sflag:s13] =	ssyncadd.s32 $0xFFFFEC00  }
0x14e: {  	s21 =	stileid.u32;
	[bflag:$0x0] =	sbarrier.arrive $0xFFFF  }
0x14f: {  	s24 =	simm.s32 $0x10;
	s0 =	sshll.u32 s21, $0x6;
	s19 =	rddreg [dreg:$0x9]  }
0x150: {  	s0 =	sor.u32 $0x1C10, s0;
	s23 =	rddreg [dreg:$0x1c];
	s22 =	sshrl.u32 s19, $0x3  }
0x151: {  	[hbm:s23], [sflag:s0] =	dma.local [spmem:s22], $0x2800  }
0x152: {  	_ =	swait.ge [sflag:s24], $0x2800  }
0x153: {  	s25 =	sld [smem:$0x7FC];
	_ =	sdelay $0x1  }
0x154: {  	s31 =	simm.s32 $0x8B80;
	s7 =	simm.s32 $0x8C80  }
0x155: {  	s3 =	simm.s32 $0x0;
	s26 =	rddreg [dreg:$0x1d];
	s5 =	sadd.s32 $0x1, s25  }
0x156: {  	s11 =	simm.s32 $0x8D00;
	s30 =	simm.s32 $0x2780;
	p0 =	sne.s32 s5, s26  }
.Ltmp2:
0x157: {  	s6 =	simm.s32 $0x8C00;
	s20 =	simm.s32 $0x4;
	(pc) =	sbr.rel @p0 .LBB2_1-.Ltmp2, $4  }
0x158: {  	s12 =	simm.s32 $0x8D80;
	s21 =	simm.s32 $0xE;
	s15 =	simm.s32 $0xD  }
0x159: {  	s28 =	simm.s32 $0xA;
	s13 =	simm.s32 $0x6;
	[sflag:s24] =	ssyncset.done $0x0  }
0x15a: {  	s22 =	simm.s32 $0x5;
	s23 =	simm.s32 $0xF;
	[sflag:s24] =	ssyncadd.s32 $0xFFFFD800  }
0x15b: {  	s24 =	simm.s32 $0x7;
	s25 =	simm.s32 $0x8;
	s26 =	simm.s32 $0x9  }
0x15c: {  	_ =	sfence.sel $0x180000  }
0x15d: {  	[bflag:$0x0] =	sbarrier.arrive $0xFFFF  }
0x15e: {  	_ =	strace $0x9000004D  }
0x15f: {  	s0 =	stileid.u32;
	[bflag:$0x2] =	sbarrier.arrive $0xFFFF  }
0x160: {  	p0 =	sne.s32 s0, $0x0;
	s0 =	rddreg [dreg:$0x3]  }
0x161: {  	s0 =	sadd.s32 @!p0 $0x100000, s0  }
0x162: {  	[sflag:s0] =	ssyncadd.tile.s32 @!p0 $0x1;
	_ =	shalt  }
.Lfunc_end2:
_tile_overlayer_lowered:
.L_overlay_start_2:
0x163: {  	(tag) =	ssettag $0x2  }
0x164: {  	s0 =	rddreg [dreg:$0x0];
	s2 =	stileid.u32  }
0x165: {  	s1 =	rddreg [dreg:$0x1];
	p0 =	sne.s32 s2, $0x0  }
0x166: {  	s3 =	rddreg [dreg:$0x2];
	[bflag:$0x3] =	sbarrier.arrive $0xFFFF;
	s2 =	simm.s32 @!p0 $0x1C10  }
0x167: {  	[timem:s3], [sflag:s2] =	dma.local @!p0 [hbm:s0], s1  }
0x168: {  	s0 =	simm.s32 @!p0 $0x10  }
0x169: {  	_ =	swait.ge @!p0 [sflag:s0], s1  }
0x16a: {  	s1 =	ssub.s32 @!p0 $0x0, s1;
	[sflag:s0] =	ssyncset.done @!p0 $0x0  }
0x16b: {  	[sflag:s0] =	ssyncadd.s32 @!p0 s1  }
0x16c: {  	[bflag:$0x3] =	sbarrier.arrive $0xFFFF  }
0x16d: {  	_ =	shalt  }

// kernel: kernel.9.cloned.1.call-start
scs
__scs_entry_jumppad:
0x0: {  	(pc) =	sbr.rel $0x88, $3  }
0x1: {  	(tag) =	ssettag $0x0;
	lr =	simm.s32 $0x1  }
0x2: {  	[smem:$0x3F94] =	sst lr;
	_ =	strace $0xD0000000  }
0x3: {  	_ = 	snop  }
0x4: {  	_ = 	snop  }
0x5: {  	_ = 	snop  }
0x6: {  	_ = 	snop  }
0x7: {  	_ = 	snop  }
__scs_overlays_trampoline_lowered:
0x8: {  	[smem:$0x3FA3] =	sst s0  }
0x9: {  	[smem:$0x3FA4] =	sst s1  }
0xa: {  	[smem:$0x3FA5] =	sst s2  }
0xb: {  	[smem:$0x3FA6] =	sst s3  }
0xc: {  	[smem:$0x3FA7] =	sst s4  }
0xd: {  	[smem:$0x3FA8] =	sst s5  }
0xe: {  	[smem:$0x3FA9] =	sst s6  }
0xf: {  	[smem:$0x3FAA] =	sst s7  }
0x10: {  	[smem:$0x3FAB] =	sst s8  }
0x11: {  	[smem:$0x3FAC] =	sst s9;
	s0 =	simm.s32 @!p0 $0x0  }
0x12: {  	s1 =	sld [smem:$0x3F92];
	s0 =	simm.s32 @p0 $0x1  }
0x13: {  	[smem:$0x3FAD] =	sst s0;
	s0 =	simm.s32 @!p1 $0x0  }
0x14: {  	s2 =	sld [smem:$0x3F91];
	s0 =	simm.s32 @p1 $0x1  }
0x15: {  	[smem:$0x3FAE] =	sst s0;
	s0 =	simm.s32 @!p2 $0x0  }
0x16: {  	s3 =	sld [smem:$0x3FDB];
	s0 =	simm.s32 @p2 $0x1  }
0x17: {  	s4 =	simm.s32 $0x1BF5;
	[smem:$0x3FB0] =	sst s0  }
0x18: {  	s0 =	sld [smem:$0x3F93];
	_ =	swait.ge [sflag:s4], $0x0  }
0x19: {  	s7 =	sld [smem:$0x3F94]  }
0x1a: {  	s8 =	sadd.s32 $0xFFFFE003, lr  }
0x1b: {  	s9 =	sadd.s32 $0xFFFFFEF7, lr;
	s5 =	simm.s32 $0xFFFFFFFF;
	p2 =	slt.u32 s8, $0xFFFFF086  }
0x1c: {  	p1 =	slt.u32 s9, $0xF7A;
	s5 =	simm.s32 @!p2 $0x0  }
0x1d: {  	s5 =	simm.s32 @p1 $0x1;
	p0 =	seq.s32 s7, s2  }
0x1e: {  	s7 =	smul.u32 @!p0 $0xF7A, s2;
	p2 =	seq.s32 @!p0 s5, $0x0  }
0x1f: {  	s9 =	smul.u32 $0xF7A, s1;
	s8 =	simm.s32 @!p0 $0x1BF5;
	p2 =	por !p2, p0  }
0x20: {  	[sflag:s8] =	ssyncset.s32 @!p0 $0xFFFFF086;
	s6 =	sadd.s32 @!p0 s3, s7;
	s7 =	simm.s32 @!p0 $0x108  }
0x21: {  	s3 =	sadd.s32 s3, s9;
	s6 =	sadd.s32 @!p0 $0x88, s6;
	s7 =	simm.s32 @p2 $0x1082  }
0x22: {  	[simem:s7], [sflag:s8] =	dma.local @!p0 [hbm:s6], $0xF7A  }
0x23: {  	s9 =	sor.u32 $0xD0000000, s2;
	s6 =	simm.s32 $0x108;
	_ =	swait.ge @!p0 [sflag:s8], $0x0  }
0x24: {  	s3 =	sadd.s32 $0x88, s3;
	s6 =	simm.s32 @!p1 $0x1082;
	[sflag:s4] =	ssyncset.s32 $0xFFFFF086  }
0x25: {  	[simem:s6], [sflag:s4] =	dma.local [hbm:s3], $0xF7A  }
0x26: {  	[smem:$0x3F94] =	sst s1;
	(tag) =	ssettag s2;
	_ =	strace s9  }
0x27: {  	s1 =	sld [smem:$0x3FA4]  }
0x28: {  	s2 =	sld [smem:$0x3FA5]  }
0x29: {  	s4 =	sld [smem:$0x3FA7]  }
0x2a: {  	p0 =	seq.s32 s5, $0x0;
	s5 =	sld [smem:$0x3FA8]  }
0x2b: {  	s6 =	sld [smem:$0x3FA9]  }
0x2c: {  	s7 =	sld [smem:$0x3FAA]  }
0x2d: {  	s3 =	simm.s32 $0x108;
	s8 =	sld [smem:$0x3FAB]  }
0x2e: {  	s3 =	simm.s32 @!p0 $0x1082;
	s9 =	sld [smem:$0x3FAC]  }
0x2f: {  	lr =	sadd.s32 s0, s3;
	s0 =	sld [smem:$0x3FA3]  }
0x30: {  	s3 =	sld [smem:$0x3FA6]  }
0x31: {  	[smem:$0x3FAF] =	sst s10  }
0x32: {  	s10 =	sld [smem:$0x3FAD];
	_ =	sdelay $0x3  }
0x33: {  	p0 =	seq.s32 s10, $0x1;
	s10 =	sld [smem:$0x3FAF];
	_ =	sdelay $0x3  }
0x34: {  	[smem:$0x3FAF] =	sst s10  }
0x35: {  	s10 =	sld [smem:$0x3FAE];
	_ =	sdelay $0x3  }
0x36: {  	p1 =	seq.s32 s10, $0x1;
	s10 =	sld [smem:$0x3FAF];
	_ =	sdelay $0x3  }
0x37: {  	[smem:$0x3FAF] =	sst s10  }
0x38: {  	s10 =	sld [smem:$0x3FB0]  }
0x39: {  	_ = 	snop;
	(pc) =	sbr.ind lr, $3  }
0x3a: {  	_ = 	snop  }
0x3b: {  	_ = 	snop  }
0x3c: {  	p2 =	seq.s32 s10, $0x1;
	s10 =	sld [smem:$0x3FAF]  }
0x3d: {  	_ =	shalt  }
0x3e: {  	_ =	shalt  }
0x3f: {  	_ =	shalt  }
0x40: {  	_ =	shalt  }
0x41: {  	_ =	shalt  }
0x42: {  	_ =	shalt  }
0x43: {  	_ =	shalt  }
0x44: {  	_ =	shalt  }
0x45: {  	_ =	shalt  }
0x46: {  	_ =	shalt  }
0x47: {  	_ =	shalt  }
0x48: {  	_ =	shalt  }
0x49: {  	_ =	shalt  }
0x4a: {  	_ =	shalt  }
0x4b: {  	_ =	shalt  }
0x4c: {  	_ =	shalt  }
0x4d: {  	_ =	shalt  }
0x4e: {  	_ =	shalt  }
0x4f: {  	_ =	shalt  }
0x50: {  	_ =	shalt  }
0x51: {  	_ =	shalt  }
0x52: {  	_ =	shalt  }
0x53: {  	_ =	shalt  }
0x54: {  	_ =	shalt  }
0x55: {  	_ =	shalt  }
0x56: {  	_ =	shalt  }
0x57: {  	_ =	shalt  }
0x58: {  	_ =	shalt  }
0x59: {  	_ =	shalt  }
0x5a: {  	_ =	shalt  }
0x5b: {  	_ =	shalt  }
0x5c: {  	_ =	shalt  }
0x5d: {  	_ =	shalt  }
0x5e: {  	_ =	shalt  }
0x5f: {  	_ =	shalt  }
0x60: {  	_ =	shalt  }
0x61: {  	_ =	shalt  }
0x62: {  	_ =	shalt  }
0x63: {  	_ =	shalt  }
0x64: {  	_ =	shalt  }
0x65: {  	_ =	shalt  }
0x66: {  	_ =	shalt  }
0x67: {  	_ =	shalt  }
0x68: {  	_ =	shalt  }
0x69: {  	_ =	shalt  }
0x6a: {  	_ =	shalt  }
0x6b: {  	_ =	shalt  }
0x6c: {  	_ =	shalt  }
0x6d: {  	_ =	shalt  }
0x6e: {  	_ =	shalt  }
0x6f: {  	_ =	shalt  }
0x70: {  	_ =	shalt  }
0x71: {  	_ =	shalt  }
0x72: {  	_ =	shalt  }
0x73: {  	_ =	shalt  }
0x74: {  	_ =	shalt  }
0x75: {  	_ =	shalt  }
0x76: {  	_ =	shalt  }
0x77: {  	_ =	shalt  }
0x78: {  	_ =	shalt  }
0x79: {  	_ =	shalt  }
0x7a: {  	_ =	shalt  }
0x7b: {  	_ =	shalt  }
0x7c: {  	_ =	shalt  }
0x7d: {  	_ =	shalt  }
0x7e: {  	_ =	shalt  }
0x7f: {  	_ =	shalt  }
0x80: {  	_ =	shalt  }
0x81: {  	_ =	shalt  }
0x82: {  	_ =	shalt  }
0x83: {  	_ =	shalt  }
0x84: {  	_ =	shalt  }
0x85: {  	_ =	shalt  }
0x86: {  	_ =	shalt  }
0x87: {  	_ =	shalt  }
.Lfunc_end0:
.L_simem_size_0:
called_computation_lowered:
.L_overlay_start_0:
0x88: {  	s2 =	sld [smem:$0x3FD9]  }
0x89: {  	s3 =	sld [smem:$0x3FFE];
	_ =	sdelay $0x1  }
0x8a: {  	s1 =	srdreg.scid  }
0x8b: {  	s0 =	sand.u32 $0x1, s1  }
0x8c: {  	s17 =	sshll.u32 s0, $0xA;
	s2 =	sadd.s32 s3, s2  }
0x8d: {  	s2 =	sadd.s32 s2, s17  }
0x8e: {  	[smem:$0x3FBB] =	sst s2  }
0x8f: {  	_ = 	snop  }
0x90: {  	s2 =	sld [smem:$0x3FD0];
	(tm) =	ssettm $0x1  }
0x91: {  	s18 =	sld [smem:$0x3FFB];
	_ =	sdelay $0x3  }
0x92: {  	_ =	strace s18  }
0x93: {  	s3 =	sld [smem:$0x3FFC];
	_ =	sdelay $0x3  }
0x94: {  	_ =	strace s3  }
0x95: {  	s3 =	sld [smem:$0x3FFD];
	_ =	sdelay $0x3  }
0x96: {  	_ =	strace s3  }
0x97: {  	_ =	strace $0x8FFFFFFF  }
0x98: {  	s19 =	sld [smem:$0x3FDB];
	_ =	sdelay $0x1  }
0x99: {  	s4 =	simm.s32 $_scs_section_size  }
0x9a: {  	s5 =	simm.s32 $_size__tile_overlayer_lowered;
	s6 =	simm.s32 $_tile_overlayer_lowered  }
0x9b: {  	s22 =	simm.s32 $0x1BFF;
	s21 =	sshll.u32 s6, $0x1;
	s3 =	sadd.s32 s4, s19  }
0x9c: {  	s7 =	simm.s32 $0x0;
	s20 =	sshll.u32 s5, $0x1;
	s5 =	sadd.s32 s21, s3  }
0x9d: {  	[timem:s7], [sflag:s22] =	dma.local [hbm:s5], s20  }
0x9e: {  	_ =	swait.ge [sflag:s22], s20  }
0x9f: {  	s4 =	ssub.s32 $0x0, s20;
	[sflag:s22] =	ssyncset.done $0x0  }
0xa0: {  	[sflag:s22] =	ssyncadd.s32 s4;
	_ =	sdelay $0x1  }
0xa1: {  	s23 =	simm.s32 $0x1B8B  }
0xa2: {  	_ =	swait.ge [sflag:s23], $0x1  }
0xa3: {  	[sflag:s23] =	ssyncset.done $0x0  }
0xa4: {  	s25 =	simm.s32 $0x1B8E;
	s24 =	sld [smem:$0x3FFE];
	[sflag:s23] =	ssyncadd.s32 $0xFFFFFFFF  }
0xa5: {  	s26 =	simm.s32 $execute0_lowered;
	[smem:$0x3FD2] =	sst s25  }
0xa6: {  	s5 =	sshll.u32 s26, $0x1;
	_ =	strace $0x80000046;
	[dreg:$0x1] =	wrdreg $0xFFFFFFFF  }
0xa7: {  	s28 =	simm.s32 $_size_execute0_lowered;
	s3 =	sadd.s32 s3, s5;
	[dreg:$0x0] =	wrdreg $0x0  }
0xa8: {  	s5 =	sshll.u32 s28, $0x1;
	[dreg:$0x2] =	wrdreg s3  }
0xa9: {  	[dreg:$0x3] =	wrdreg s5  }
0xaa: {  	[dreg:$0x4] =	wrdreg $0xC0  }
0xab: {  	_ =	task [dreg:s7], $0x5FFFF  }
0xac: {  	[dreg:$0x1] =	wrdreg $0xFFFFFFFF  }
0xad: {  	[dreg:$0x0] =	wrdreg $0x60  }
0xae: {  	[dreg:$0x2] =	wrdreg s24  }
0xaf: {  	[dreg:$0x3] =	wrdreg s2  }
0xb0: {  	[dreg:$0x4] =	wrdreg $0x9  }
0xb1: {  	_ =	task.clear_ibuf [dreg:s7], $0x5FFFF;
	_ =	strace $0x90000046  }
0xb2: {  	s29 =	simm.s32 $0x9;
	_ =	strace $0x80000048  }
0xb3: {  	_ =	swait.ge [sflag:s29], $0x1  }
0xb4: {  	[sflag:s29] =	ssyncadd.s32 $0xFFFFFFFF  }
0xb5: {  	_ =	strace $0x90000048  }
0xb6: {  	_ =	sfence  }
0xb7: {  	s30 =	sld [smem:$0x0];
	_ =	sdelay $0x2  }
0xb8: {  	s31 =	sshll.u32 s1, $0xD;
	s1 =	sshrl.u32 s1, $0x2  }
0xb9: {  	s3 =	sand.u32 $0x4000, s31;
	s1 =	sadd.s32 s1, s30  }
0xba: {  	s0 =	sor.u32 s3, s0;
	s1 =	sshll.u32 s1, $0x11  }
0xbb: {  	s0 =	sor.u32 s1, s0  }
0xbc: {  	s0 =	sadd.s32 $0x8F2B, s0  }
0xbd: {  	[sflag:s0] =	ssyncadd.remote.s32 $0x1  }
0xbe: {  	_ =	sfence.sel $0xFFFF  }
0xbf: {  	[dreg:$0x0] =	wrdreg $0xFFFFFFFF;
	(pc) =	sbr.abs _section_cstart, $3  }
0xc0: {  	[dreg:$0x1] =	wrdreg $0xFFFFFFFF  }
0xc1: {  	_ =	task.clear_ibuf [dreg:s7], $0x2FFFF;
	_ =	strace $0x9FFFFFFF  }
0xc2: {  	(tm) =	ssettm $0x7FFFFFFF  }
0xc3: {  	_ =	shalt  }
tec
execute0_lowered:
.L_overlay_start_1:
0x0: {  	(tag) =	ssettag $0x1  }
0x1: {  	s0 =	srdreg.scid  }
0x2: {  	s3 =	sand.u32 $0x1, s0  }
0x3: {  	s4 =	rddreg [dreg:$0x0];
	s0 =	stileid.u32;
	s1 =	sshll.u32 s3, $0x4  }
0x4: {  	s5 =	rddreg [dreg:$0x1];
	s2 =	simm.s32 $0x0;
	s1 =	sor.u32 s0, s1  }
0x5: {  	[smem:$0x7FF] =	sst s2;
	s3 =	ssub.s32 $0x2, s3;
	s6 =	smul.u32 $0x2710, s1  }
0x6: {  	s8 =	simm.s32 $0x0;
	s7 =	sshrl.u32 s3, $0x1;
	s1 =	rddreg [dreg:$0x2]  }
0x7: {  	_ =	strace $0x80000047;
	s7 =	ssub.s32 s3, s7;
	s6 =	sshrl.u32 s6, $0x3  }
0x8: {  	s31 =	sadd.s32 s4, s6;
	s4 =	sadd.s32 s5, s6;
	s5 =	smax.u32 s7, $0x1  }
0x9: {  	v0 =	vimm.f32 $0.0e+00;
	v1 =	vimm.f32 $1.000000000e+00;
	s6 =	simm.s32 $0x1;
	s7 =	simm.s32 $0x2780;
	s3 =	sadd.s32 $0xD240, s31  }
.LBB2_1:
0xa: {  	s10 =	simm.s32 $0x140;
	s9 =	simm.s32 $0x0  }
.LBB2_2:
0xb: {  	p0 =	sne.s32 s10, $0x9B00;
	[tilespmem:s9+$0x27C0] =	vst v0;
	s11 =	smov.u32 s10;
	s10 =	sadd.s32 $0x140, s10  }
.Ltmp0:
0xc: {  	[tilespmem:s9+$0x27B0] =	vst v0;
	(pc) =	sbr.rel @p0 .LBB2_2-.Ltmp0, $4  }
0xd: {  	[tilespmem:s9+$0x27A0] =	vst v0  }
0xe: {  	[tilespmem:s9+$0x2780] =	vst v0  }
0xf: {  	[tilespmem:s9+$0x2790] =	vst v0  }
0x10: {  	s9 =	sshra.s32 s11, $0x2  }
0x11: {  	[tilespmem:s9+$0x27C0] =	vst v0  }
0x12: {  	[tilespmem:s9+$0x27B0] =	vst v0  }
0x13: {  	[tilespmem:s9+$0x27A0] =	vst v0  }
0x14: {  	[tilespmem:s9+$0x2780] =	vst v0  }
0x15: {  	[tilespmem:s9+$0x2790] =	vst v0;
	s9 =	simm.s32 $0x0  }
0x16: {  	[tilespmem:s9], [sflag:$0x1] =	stream.linear.gather [hbm4b:s3+s9], $0x2710, $0x38;
	[tilespmem:$0x4F00] =	vst v63  }
0x17: {  	_ =	swait.ge [sflag:s6], $0x2710  }
0x18: {  	[sflag:s6] =	ssyncset.done $0x0  }
0x19: {  	[sflag:s6] =	ssyncadd.s32 $0xFFFFD8F0  }
.LBB2_4:
0x1a: {  	s10 =	sshra.s32 s9, $0x2  }
0x1b: {  	v2 =	vld [tilespmem:s10+$0x0];
	_ =	sdelay $0x7  }
0x1c: {  	[tilespmem:v2+s7+$0x0] =	vst.idx.add.f32.msk $0xffff, v1  }
0x1d: {  	v2 =	vld [tilespmem:s10+$0x10];
	_ =	sdelay $0x7  }
0x1e: {  	[tilespmem:v2+s7+$0x0] =	vst.idx.add.f32.msk $0xffff, v1  }
0x1f: {  	v2 =	vld [tilespmem:s10+$0x20];
	_ =	sdelay $0x7  }
0x20: {  	[tilespmem:v2+s7+$0x0] =	vst.idx.add.f32.msk $0xffff, v1  }
0x21: {  	v2 =	vld [tilespmem:s10+$0x30];
	_ =	sdelay $0x7  }
0x22: {  	[tilespmem:v2+s7+$0x0] =	vst.idx.add.f32.msk $0xffff, v1  }
0x23: {  	v2 =	vld [tilespmem:s10+$0x40];
	_ =	sdelay $0x2  }
0x24: {  	p0 =	sne.s32 s9, $0x9B00  }
.Ltmp1:
0x25: {  	_ = 	snop;
	(pc) =	sbr.rel @p0 .LBB2_4-.Ltmp1, $2  }
0x26: {  	_ =	sdelay $0x2  }
0x27: {  	s9 =	sadd.s32 $0x140, s9;
	[tilespmem:v2+s7+$0x0] =	vst.idx.add.f32.msk $0xffff, v1  }
0x28: {  	s8 =	sadd.s32 $0x1, s8  }
0x29: {  	p0 =	sne.s32 s8, s5  }
.Ltmp2:
0x2a: {  	_ = 	snop;
	(pc) =	sbr.rel @p0 .LBB2_1-.Ltmp2, $4  }
0x2b: {  	[hbm4b:s4+s2] =	stream.linear.scatter [tilespmem:s7], [sflag:$0x1], $0x2710, $0x38;
	[tilespmem:$0x4F00] =	vst v63  }
0x2c: {  	_ =	swait.ge [sflag:s6], $0x2710  }
0x2d: {  	[sflag:s6] =	ssyncset.done $0x0  }
0x2e: {  	[sflag:s6] =	ssyncadd.s32 $0xFFFFD8F0  }
0x2f: {  	_ =	sfence.sel $0x180000  }
0x30: {  	[bflag:$0x0] =	sbarrier.arrive $0xFFFF  }
0x31: {  	p0 =	sne.s32 s0, $0x0;
	_ =	strace $0x90000047  }
0x32: {  	s0 =	sadd.s32 @!p0 $0x100000, s1;
	[bflag:$0x2] =	sbarrier.arrive $0xFFFF  }
0x33: {  	[sflag:s0] =	ssyncadd.tile.s32 @!p0 $0x1;
	_ =	shalt  }
.Lfunc_end2:
_tile_overlayer_lowered:
.L_overlay_start_2:
0x34: {  	(tag) =	ssettag $0x2  }
0x35: {  	s0 =	rddreg [dreg:$0x0];
	s2 =	stileid.u32  }
0x36: {  	s1 =	rddreg [dreg:$0x1];
	p0 =	sne.s32 s2, $0x0  }
0x37: {  	s3 =	rddreg [dreg:$0x2];
	[bflag:$0x3] =	sbarrier.arrive $0xFFFF;
	s2 =	simm.s32 @!p0 $0x1C01  }
0x38: {  	[timem:s3], [sflag:s2] =	dma.local @!p0 [hbm:s0], s1  }
0x39: {  	s0 =	simm.s32 @!p0 $0x1  }
0x3a: {  	_ =	swait.ge @!p0 [sflag:s0], s1  }
0x3b: {  	s1 =	ssub.s32 @!p0 $0x0, s1;
	[sflag:s0] =	ssyncset.done @!p0 $0x0  }
0x3c: {  	[sflag:s0] =	ssyncadd.s32 @!p0 s1  }
0x3d: {  	[bflag:$0x3] =	sbarrier.arrive $0xFFFF  }
0x3e: {  	_ =	shalt  }

</sc_bundles>
